<compile_context>
chip_gen: v7x
topology: tpu7x:2x2x1
jax: 0.10.2.dev20260603
libtpu: 0.0.44.dev20260713+nightly
codegen_flags: <defaults>
</compile_context>

<pallas_src>
import dataclasses

import jax
import jax.numpy as jnp
from jax import lax
from jax.experimental import pallas as pl
from jax.experimental.pallas import tpu as pltpu
from jax.experimental.pallas import tpu_sc as plsc

_N = 10000
_E = 320000
_D = 128
_EMB = 32
_NEMB = 128
_HID = 128

_NC, _NS = 2, 16
_PER_SUB = _E // (_NC * _NS)
_CHUNK = 40
_NCHUNK = _PER_SUB // _CHUNK
_NBUF = 4
_ZBLK = 40
_NBLK = _N // _ZBLK

_F32 = jnp.float32


def _dot(a, b):
    return lax.dot_general(a, b, (((1,), (0,)), ((), ())),
                           precision=lax.Precision.HIGHEST,
                           preferred_element_type=_F32)


_BR = 2000


def _proj_kernel(oc_ref, nf_ref, emb_ref, w1_ref, b1_ref, pro_ref):
    ids = oc_ref[...]
    onehot = (ids == lax.broadcasted_iota(jnp.int32, (_BR, _NEMB), 1)).astype(_F32)
    w1 = w1_ref[...]
    t = _dot(emb_ref[...], w1[:_EMB, :])
    pro = _dot(onehot, t) + _dot(nf_ref[...], w1[_EMB:, :]) + b1_ref[...]
    pro_ref[...] = jnp.maximum(pro, 0.0)


def _edge_kernel(pro_hbm, rows_hbm, cols_hbm, vals_hbm, out_hbm,
                 cols_a, rows_a, vals_a, b0, b1, b2, b3, acc,
                 g0, g1, g2, g3, s0, s1, s2, s3):
    bufs = [b0, b1, b2, b3]
    gsems = [g0, g1, g2, g3]
    ssems = [s0, s1, s2, s3]
    c = lax.axis_index("c")
    s = lax.axis_index("s")

    base = (c * _NS + s) * _PER_SUB
    pltpu.async_copy(cols_hbm.at[pl.ds(base, _PER_SUB)], cols_a, g0)
    pltpu.async_copy(rows_hbm.at[pl.ds(base, _PER_SUB)], rows_a, g1)
    pltpu.async_copy(vals_hbm.at[pl.ds(base, _PER_SUB)], vals_a, g2)

    @pl.loop(0, _ZBLK)
    def _(r):
        for d in range(8):
            b0[r, pl.ds(d * 16, 16)] = jnp.zeros((16,), _F32)

    @pl.loop(0, 16)
    def _(k):
        b = k * _NS + s

        @pl.when(b < _NBLK)
        def _():
            pltpu.async_copy(b0, acc.at[pl.ds(b * _ZBLK, _ZBLK)], g3)

    @pl.loop(0, 16)
    def _(k):
        b = k * _NS + s

        @pl.when(b < _NBLK)
        def _():
            pltpu.make_async_copy(b0, acc.at[pl.ds(b * _ZBLK, _ZBLK)], g3).wait()

    pltpu.make_async_copy(cols_hbm.at[pl.ds(base, _PER_SUB)], cols_a, g0).wait()
    pltpu.make_async_copy(rows_hbm.at[pl.ds(base, _PER_SUB)], rows_a, g1).wait()
    pltpu.make_async_copy(vals_hbm.at[pl.ds(base, _PER_SUB)], vals_a, g2).wait()

    plsc.subcore_barrier()

    def _gather(t, buf, sem):
        idx = cols_a.at[pl.ds(t * _CHUNK, _CHUNK)]
        return pltpu.async_copy(pro_hbm.at[idx], buf, sem)

    def _gather_wait(t, buf, sem):
        idx = cols_a.at[pl.ds(t * _CHUNK, _CHUNK)]
        pltpu.make_async_copy(pro_hbm.at[idx], buf, sem).wait()

    def _scatter(t, buf, sem):
        idx = rows_a.at[pl.ds(t * _CHUNK, _CHUNK)]
        pltpu.async_copy(buf, acc.at[idx], sem, add=True)

    def _scatter_wait(t, buf, sem):
        idx = rows_a.at[pl.ds(t * _CHUNK, _CHUNK)]
        pltpu.make_async_copy(buf, acc.at[idx], sem).wait()

    def _process(t, buf, gsem, ssem, pbuf, pgsem, pssem):
        _gather_wait(t, buf, gsem)

        @pl.when(t + _NBUF - 1 < _NCHUNK)
        def _():
            @pl.when(t >= 1)
            def _():
                _scatter_wait(t - 1, pbuf, pssem)

            _gather(t + _NBUF - 1, pbuf, pgsem)

        off = t * _CHUNK

        @plsc.parallel_loop(0, _CHUNK, unroll=4)
        def _(j):
            vv = plsc.load_gather(vals_a,
                                  [jnp.full((16,), 0, jnp.int32) + (off + j)])
            for d in range(8):
                sl = pl.ds(d * 16, 16)
                buf[j, sl] = buf[j, sl] * vv

        _scatter(t, buf, ssem)

    for r in range(_NBUF - 1):
        _gather(r, bufs[r], gsems[r])

    @pl.loop(0, _NCHUNK // _NBUF)
    def _(u):
        t0 = u * _NBUF
        for r in range(_NBUF):
            p = (r + _NBUF - 1) % _NBUF
            _process(t0 + r, bufs[r], gsems[r], ssems[r],
                     bufs[p], gsems[p], ssems[p])

    for t in range(_NCHUNK - _NCHUNK % _NBUF, _NCHUNK):
        r = t % _NBUF
        p = (r + _NBUF - 1) % _NBUF
        _process(t, bufs[r], gsems[r], ssems[r], bufs[p], gsems[p], ssems[p])

    for t in range(_NCHUNK - _NBUF, _NCHUNK):
        _scatter_wait(t, bufs[t % _NBUF], ssems[t % _NBUF])

    plsc.subcore_barrier()

    @pl.loop(0, 16)
    def _(k):
        b = k * _NS + s

        @pl.when(b < _NBLK)
        def _():
            pltpu.sync_copy(acc.at[pl.ds(b * _ZBLK, _ZBLK)],
                            out_hbm.at[c, pl.ds(b * _ZBLK, _ZBLK)])


def _head_kernel(agg2_ref, oc_ref, nf_ref, emb_ref, w2_ref, b2_ref,
                 w3_ref, b3_ref, out_ref):
    agg = agg2_ref[0] + agg2_ref[1]
    ids = oc_ref[...]
    onehot = (ids == lax.broadcasted_iota(jnp.int32, (_BR, _NEMB), 1)).astype(_F32)
    w2 = w2_ref[...]
    t2 = _dot(emb_ref[...], w2[_D:_D + _EMB, :])
    h = (_dot(agg, w2[:_D, :]) + _dot(onehot, t2)
         + _dot(nf_ref[...], w2[_D + _EMB:, :]) + b2_ref[...])
    h = jnp.maximum(h, 0.0)
    out_ref[...] = _dot(h, w3_ref[...]) + b3_ref[...]


def kernel(op_codes, node_feats, edge_index, edge_values, emb_table,
           W1, b1, W2, b2, W3, b3):
    sc_mesh = plsc.VectorSubcoreMesh(core_axis_name="c", subcore_axis_name="s",
                                     num_cores=_NC, num_subcores=_NS)
    sc_params = pltpu.CompilerParams()
    if "needs_layout_passes" in pltpu.CompilerParams.__dataclass_fields__:
        sc_params = dataclasses.replace(sc_params, needs_layout_passes=False)
    oc2 = op_codes.reshape(_N, 1)

    pro = pl.pallas_call(
        _proj_kernel,
        grid=(_N // _BR,),
        in_specs=[
            pl.BlockSpec((_BR, 1), lambda i: (i, 0)),
            pl.BlockSpec((_BR, 127), lambda i: (i, 0)),
            pl.BlockSpec((_NEMB, _EMB), lambda i: (0, 0)),
            pl.BlockSpec((_EMB + 127, _D), lambda i: (0, 0)),
            pl.BlockSpec((1, _D), lambda i: (0, 0)),
        ],
        out_specs=pl.BlockSpec((_BR, _D), lambda i: (i, 0)),
        out_shape=jax.ShapeDtypeStruct((_N, _D), _F32),
    )(oc2, node_feats, emb_table, W1, b1.reshape(1, _D))

    rows = edge_index[0]
    cols = edge_index[1]
    agg2 = pl.kernel(
        _edge_kernel,
        out_type=jax.ShapeDtypeStruct((_NC, _N, _D), _F32),
        mesh=sc_mesh,
        compiler_params=sc_params,
        scratch_types=[
            pltpu.VMEM((_PER_SUB,), jnp.int32),
            pltpu.VMEM((_PER_SUB,), jnp.int32),
            pltpu.VMEM((_PER_SUB,), _F32),
            pltpu.VMEM((_CHUNK, _D), _F32),
            pltpu.VMEM((_CHUNK, _D), _F32),
            pltpu.VMEM((_CHUNK, _D), _F32),
            pltpu.VMEM((_CHUNK, _D), _F32),
            pltpu.VMEM_SHARED((_N, _D), _F32),
            pltpu.SemaphoreType.DMA,
            pltpu.SemaphoreType.DMA,
            pltpu.SemaphoreType.DMA,
            pltpu.SemaphoreType.DMA,
            pltpu.SemaphoreType.DMA,
            pltpu.SemaphoreType.DMA,
            pltpu.SemaphoreType.DMA,
            pltpu.SemaphoreType.DMA,
        ],
    )(pro, rows, cols, edge_values)

    out = pl.pallas_call(
        _head_kernel,
        grid=(_N // _BR,),
        in_specs=[
            pl.BlockSpec((_NC, _BR, _D), lambda i: (0, i, 0)),
            pl.BlockSpec((_BR, 1), lambda i: (i, 0)),
            pl.BlockSpec((_BR, 127), lambda i: (i, 0)),
            pl.BlockSpec((_NEMB, _EMB), lambda i: (0, 0)),
            pl.BlockSpec((_D + _EMB + 127, _HID), lambda i: (0, 0)),
            pl.BlockSpec((1, _HID), lambda i: (0, 0)),
            pl.BlockSpec((_HID, 1), lambda i: (0, 0)),
            pl.BlockSpec((1, 1), lambda i: (0, 0)),
        ],
        out_specs=pl.BlockSpec((_BR, 1), lambda i: (i, 0)),
        out_shape=jax.ShapeDtypeStruct((_N, 1), _F32),
    )(agg2, oc2, node_feats, emb_table, W2, b2.reshape(1, _HID), W3,
      b3.reshape(1, 1))
    return out

# --- scband reference (transcript-rebuilt; emitter-appended) ---
"""Pipeline reference for scband-tpugraph-network-41360535060637 (READ-ONLY COPY).

The authoritative reference and input builder live on the scoring server;
editing this copy changes nothing except your own understanding.
"""

import jax, jax.numpy as jnp
import numpy as np

N_NODES = 10000
N_EDGES = 320000
D_RAW = 128           # 1 opcode column + 127 float feature columns
EMB_SIZE = 32
NUM_EMB = 128
D_EMB_FEAT = EMB_SIZE + (D_RAW - 1)   # 159
PROJ_OUT = 128
GNN_IN = PROJ_OUT + D_EMB_FEAT        # 287
GNN_HIDDEN = 128


def setup_inputs(seed: int = 0) -> dict:
    key = jax.random.key(seed)
    ks = jax.random.split(key, 12)
    op_codes = jax.random.randint(ks[0], (N_NODES,), 0, NUM_EMB, dtype=jnp.int64 if jax.config.jax_enable_x64 else jnp.int32).astype(jnp.int32)
    node_feats = jax.random.normal(ks[1], (N_NODES, D_RAW - 1), dtype=jnp.float32)
    edge_index = jax.random.randint(ks[2], (2, N_EDGES), 0, N_NODES).astype(jnp.int32)
    edge_values = jax.random.uniform(ks[3], (N_EDGES,), dtype=jnp.float32)
    # learned parameters
    emb_table = jax.random.normal(ks[4], (NUM_EMB, EMB_SIZE), dtype=jnp.float32)
    W1 = jax.random.normal(ks[5], (D_EMB_FEAT, PROJ_OUT), dtype=jnp.float32) * (1.0 / np.sqrt(D_EMB_FEAT))
    b1 = jnp.zeros((PROJ_OUT,), dtype=jnp.float32)
    W2 = jax.random.normal(ks[6], (GNN_IN, GNN_HIDDEN), dtype=jnp.float32) * (1.0 / np.sqrt(GNN_IN))
    b2 = jnp.zeros((GNN_HIDDEN,), dtype=jnp.float32)
    W3 = jax.random.normal(ks[7], (GNN_HIDDEN, 1), dtype=jnp.float32) * (1.0 / np.sqrt(GNN_HIDDEN))
    b3 = jnp.zeros((1,), dtype=jnp.float32)
    return {
        "op_codes": op_codes,
        "node_feats": node_feats,
        "edge_index": edge_index,
        "edge_values": edge_values,
        "emb_table": emb_table,
        "W1": W1, "b1": b1,
        "W2": W2, "b2": b2,
        "W3": W3, "b3": b3,
    }


def reference(op_codes, node_feats, edge_index, edge_values, emb_table, W1, b1, W2, b2, W3, b3):
    # EmeddingInputLayer: embed first column (op code), concat with rest
    embedding = jnp.take(emb_table, op_codes, axis=0)             # [N, EMB_SIZE]
    emb_features = jnp.concatenate([embedding, node_feats], axis=1)  # [N, 159]
    # projection_network: Linear + ReLU
    pro_features = jnp.maximum(emb_features @ W1 + b1, 0.0)       # [N, 128]
    # sparse COO matmul: out[row] += values[e] * pro_features[col]
    rows = edge_index[0]
    cols = edge_index[1]
    gathered = jnp.take(pro_features, cols, axis=0) * edge_values[:, None]  # [E, 128]
    agg = jax.ops.segment_sum(gathered, rows, num_segments=N_NODES)          # [N, 128]
    # concat aggregated message with embedded features
    features = jnp.concatenate([agg, emb_features], axis=1)      # [N, 287]
    # graph_embedding_network: Linear + ReLU + Linear
    h = jnp.maximum(features @ W2 + b2, 0.0)                      # [N, 128]
    runtimes = h @ W3 + b3                                        # [N, 1]
    # exp=False, single graph in list -> split is identity
    return runtimes

if __name__ == "__main__":
    import jax
    _d = setup_inputs()
    print(jax.jit(kernel)(*tuple(_d.values())))

</pallas_src>

<mosaic_0001>
#map = affine_map<(d0, d1) -> (0, 0)>
#map1 = affine_map<(d0, d1) -> (0)>
#map2 = affine_map<(d0, d1) -> (0, 0, 0)>
module attributes {stable_mosaic.version = 14 : i64} {
  func.func @_edge_kernel(%arg0: i32, %arg1: i32, %arg2: memref<10000x128xf32, #tpu.memory_space<hbm>>, %arg3: memref<320000xi32, #tpu.memory_space<hbm>>, %arg4: memref<320000xi32, #tpu.memory_space<hbm>>, %arg5: memref<320000xf32, #tpu.memory_space<hbm>>, %arg6: memref<2x10000x128xf32, #tpu.memory_space<hbm>>, %arg7: memref<10000xi32, #tpu.memory_space<vmem>>, %arg8: memref<10000xi32, #tpu.memory_space<vmem>>, %arg9: memref<10000xf32, #tpu.memory_space<vmem>>, %arg10: memref<40x128xf32, #tpu.memory_space<vmem>>, %arg11: memref<40x128xf32, #tpu.memory_space<vmem>>, %arg12: memref<40x128xf32, #tpu.memory_space<vmem>>, %arg13: memref<40x128xf32, #tpu.memory_space<vmem>>, %arg14: memref<10000x128xf32, #tpu.memory_space<vmem_shared>>, %arg15: memref<!tpu.dma_semaphore, #tpu.memory_space<semaphore_mem>>, %arg16: memref<!tpu.dma_semaphore, #tpu.memory_space<semaphore_mem>>, %arg17: memref<!tpu.dma_semaphore, #tpu.memory_space<semaphore_mem>>, %arg18: memref<!tpu.dma_semaphore, #tpu.memory_space<semaphore_mem>>, %arg19: memref<!tpu.dma_semaphore, #tpu.memory_space<semaphore_mem>>, %arg20: memref<!tpu.dma_semaphore, #tpu.memory_space<semaphore_mem>>, %arg21: memref<!tpu.dma_semaphore, #tpu.memory_space<semaphore_mem>>, %arg22: memref<!tpu.dma_semaphore, #tpu.memory_space<semaphore_mem>>) attributes {dimension_semantics = [#tpu.dimension_semantics<core_parallel>, #tpu.dimension_semantics<subcore_parallel>], iteration_bounds = array<i64: 2, 16>, scalar_prefetch = 0 : i64, scratch_operands = 16 : i64, tpu.core_type = #tpu.core_type<sc_vector_subcore>, window_params = [{transform_indices = #map}, {transform_indices = #map1}, {transform_indices = #map1}, {transform_indices = #map1}, {transform_indices = #map2}]} {
    %mul3A = arith.constant 16 : i32
    %mul3A_0 = arith.muli %arg0, %mul3A : i32
    %add3A = arith.addi %mul3A_0, %arg1 : i32
    %mul3A_1 = arith.constant 10000 : i32
    %mul3A_2 = arith.muli %add3A, %mul3A_1 : i32
    %dma_start3A = tpu.memref_slice %arg4[%mul3A_2] : memref<320000xi32, #tpu.memory_space<hbm>> -> memref<10000xi32, #tpu.memory_space<hbm>>
    %dma_start3A_3 = tpu.memref_slice %arg4[%mul3A_2] : memref<320000xi32, #tpu.memory_space<hbm>> -> memref<10000xi32, #tpu.memory_space<hbm>>
    tpu.enqueue_dma source(%dma_start3A_3 : memref<10000xi32, #tpu.memory_space<hbm>>) target(%arg7 : memref<10000xi32, #tpu.memory_space<vmem>>) target_semaphore(%arg15 : memref<!tpu.dma_semaphore, #tpu.memory_space<semaphore_mem>>)
    %dma_start3A_4 = tpu.memref_slice %arg3[%mul3A_2] : memref<320000xi32, #tpu.memory_space<hbm>> -> memref<10000xi32, #tpu.memory_space<hbm>>
    %dma_start3A_5 = tpu.memref_slice %arg3[%mul3A_2] : memref<320000xi32, #tpu.memory_space<hbm>> -> memref<10000xi32, #tpu.memory_space<hbm>>
    tpu.enqueue_dma source(%dma_start3A_5 : memref<10000xi32, #tpu.memory_space<hbm>>) target(%arg8 : memref<10000xi32, #tpu.memory_space<vmem>>) target_semaphore(%arg16 : memref<!tpu.dma_semaphore, #tpu.memory_space<semaphore_mem>>)
    %dma_start3A_6 = tpu.memref_slice %arg5[%mul3A_2] : memref<320000xf32, #tpu.memory_space<hbm>> -> memref<10000xf32, #tpu.memory_space<hbm>>
    %dma_start3A_7 = tpu.memref_slice %arg5[%mul3A_2] : memref<320000xf32, #tpu.memory_space<hbm>> -> memref<10000xf32, #tpu.memory_space<hbm>>
    tpu.enqueue_dma source(%dma_start3A_7 : memref<10000xf32, #tpu.memory_space<hbm>>) target(%arg9 : memref<10000xf32, #tpu.memory_space<vmem>>) target_semaphore(%arg17 : memref<!tpu.dma_semaphore, #tpu.memory_space<semaphore_mem>>)
    %scan3A = arith.constant 0 : i32
    %scan3A_8 = arith.constant 40 : i32
    %scan3A_9 = arith.addi %scan3A, %scan3A_8 : i32
    %scan3A_10 = arith.constant 1 : i32
    scf.for %scan3A_98 = %scan3A to %scan3A_9 step %scan3A_10  : i32 {
      %mul3A_99 = arith.constant 1 : i32
      %mul3A_100 = arith.muli %scan3A_98, %mul3A_99 : i32
      %add3A_101 = arith.constant 0 : i32
      %add3A_102 = arith.addi %add3A_101, %mul3A_100 : i32
      %broadcast_in_dim3A = arith.constant 0.000000e+00 : f32
      %broadcast_in_dim3A_103 = vector.broadcast %broadcast_in_dim3A : f32 to vector<16xf32>
      %swap3A = arith.index_cast %add3A_102 : i32 to index
      %swap3A_104 = arith.constant 0 : index
      %swap3A_105 = tpu.vector_load %arg10[%swap3A, %swap3A_104] {strides = array<i32>} : memref<40x128xf32, #tpu.memory_space<vmem>>, vector<16xf32>,
      tpu.vector_store %arg10[%swap3A, %swap3A_104], %broadcast_in_dim3A_103 {strides = array<i32>} : memref<40x128xf32, #tpu.memory_space<vmem>>, vector<16xf32>,
      %broadcast_in_dim3A_106 = arith.constant 0.000000e+00 : f32
      %broadcast_in_dim3A_107 = vector.broadcast %broadcast_in_dim3A_106 : f32 to vector<16xf32>
      %swap3A_108 = arith.index_cast %add3A_102 : i32 to index
      %swap3A_109 = arith.constant 16 : index
      %swap3A_110 = tpu.vector_load %arg10[%swap3A_108, %swap3A_109] {strides = array<i32>} : memref<40x128xf32, #tpu.memory_space<vmem>>, vector<16xf32>,
      tpu.vector_store %arg10[%swap3A_108, %swap3A_109], %broadcast_in_dim3A_107 {strides = array<i32>} : memref<40x128xf32, #tpu.memory_space<vmem>>, vector<16xf32>,
      %broadcast_in_dim3A_111 = arith.constant 0.000000e+00 : f32
      %broadcast_in_dim3A_112 = vector.broadcast %broadcast_in_dim3A_111 : f32 to vector<16xf32>
      %swap3A_113 = arith.index_cast %add3A_102 : i32 to index
      %swap3A_114 = arith.constant 32 : index
      %swap3A_115 = tpu.vector_load %arg10[%swap3A_113, %swap3A_114] {strides = array<i32>} : memref<40x128xf32, #tpu.memory_space<vmem>>, vector<16xf32>,
      tpu.vector_store %arg10[%swap3A_113, %swap3A_114], %broadcast_in_dim3A_112 {strides = array<i32>} : memref<40x128xf32, #tpu.memory_space<vmem>>, vector<16xf32>,
      %broadcast_in_dim3A_116 = arith.constant 0.000000e+00 : f32
      %broadcast_in_dim3A_117 = vector.broadcast %broadcast_in_dim3A_116 : f32 to vector<16xf32>
      %swap3A_118 = arith.index_cast %add3A_102 : i32 to index
      %swap3A_119 = arith.constant 48 : index
      %swap3A_120 = tpu.vector_load %arg10[%swap3A_118, %swap3A_119] {strides = array<i32>} : memref<40x128xf32, #tpu.memory_space<vmem>>, vector<16xf32>,
      tpu.vector_store %arg10[%swap3A_118, %swap3A_119], %broadcast_in_dim3A_117 {strides = array<i32>} : memref<40x128xf32, #tpu.memory_space<vmem>>, vector<16xf32>,
      %broadcast_in_dim3A_121 = arith.constant 0.000000e+00 : f32
      %broadcast_in_dim3A_122 = vector.broadcast %broadcast_in_dim3A_121 : f32 to vector<16xf32>
      %swap3A_123 = arith.index_cast %add3A_102 : i32 to index
      %swap3A_124 = arith.constant 64 : index
      %swap3A_125 = tpu.vector_load %arg10[%swap3A_123, %swap3A_124] {strides = array<i32>} : memref<40x128xf32, #tpu.memory_space<vmem>>, vector<16xf32>,
      tpu.vector_store %arg10[%swap3A_123, %swap3A_124], %broadcast_in_dim3A_122 {strides = array<i32>} : memref<40x128xf32, #tpu.memory_space<vmem>>, vector<16xf32>,
      %broadcast_in_dim3A_126 = arith.constant 0.000000e+00 : f32
      %broadcast_in_dim3A_127 = vector.broadcast %broadcast_in_dim3A_126 : f32 to vector<16xf32>
      %swap3A_128 = arith.index_cast %add3A_102 : i32 to index
      %swap3A_129 = arith.constant 80 : index
      %swap3A_130 = tpu.vector_load %arg10[%swap3A_128, %swap3A_129] {strides = array<i32>} : memref<40x128xf32, #tpu.memory_space<vmem>>, vector<16xf32>,
      tpu.vector_store %arg10[%swap3A_128, %swap3A_129], %broadcast_in_dim3A_127 {strides = array<i32>} : memref<40x128xf32, #tpu.memory_space<vmem>>, vector<16xf32>,
      %broadcast_in_dim3A_131 = arith.constant 0.000000e+00 : f32
      %broadcast_in_dim3A_132 = vector.broadcast %broadcast_in_dim3A_131 : f32 to vector<16xf32>
      %swap3A_133 = arith.index_cast %add3A_102 : i32 to index
      %swap3A_134 = arith.constant 96 : index
      %swap3A_135 = tpu.vector_load %arg10[%swap3A_133, %swap3A_134] {strides = array<i32>} : memref<40x128xf32, #tpu.memory_space<vmem>>, vector<16xf32>,
      tpu.vector_store %arg10[%swap3A_133, %swap3A_134], %broadcast_in_dim3A_132 {strides = array<i32>} : memref<40x128xf32, #tpu.memory_space<vmem>>, vector<16xf32>,
      %broadcast_in_dim3A_136 = arith.constant 0.000000e+00 : f32
      %broadcast_in_dim3A_137 = vector.broadcast %broadcast_in_dim3A_136 : f32 to vector<16xf32>
      %swap3A_138 = arith.index_cast %add3A_102 : i32 to index
      %swap3A_139 = arith.constant 112 : index
      %swap3A_140 = tpu.vector_load %arg10[%swap3A_138, %swap3A_139] {strides = array<i32>} : memref<40x128xf32, #tpu.memory_space<vmem>>, vector<16xf32>,
      tpu.vector_store %arg10[%swap3A_138, %swap3A_139], %broadcast_in_dim3A_137 {strides = array<i32>} : memref<40x128xf32, #tpu.memory_space<vmem>>, vector<16xf32>,
    }
    %scan3A_11 = arith.constant 40 : i32
    %scan3A_12 = arith.constant 0 : i32
    %scan3A_13 = arith.constant 16 : i32
    %scan3A_14 = arith.addi %scan3A_12, %scan3A_13 : i32
    %scan3A_15 = arith.constant 1 : i32
    scf.for %scan3A_98 = %scan3A_12 to %scan3A_14 step %scan3A_15  : i32 {
      %mul3A_99 = arith.constant 1 : i32
      %mul3A_100 = arith.muli %scan3A_98, %mul3A_99 : i32
      %add3A_101 = arith.constant 0 : i32
      %add3A_102 = arith.addi %add3A_101, %mul3A_100 : i32
      %mul3A_103 = arith.constant 16 : i32
      %mul3A_104 = arith.muli %add3A_102, %mul3A_103 : i32
      %add3A_105 = arith.addi %mul3A_104, %arg1 : i32
      %lt3A = arith.constant 250 : i32
      %lt3A_106 = arith.cmpi slt, %add3A_105, %lt3A : i32
      %convert_element_type3A = arith.extui %lt3A_106 : i1 to i32
      %cond3A = arith.constant 0 : i32
      %cond3A_107 = arith.cmpi ne, %convert_element_type3A, %cond3A : i32
      scf.if %cond3A_107 {
        %mul3A_108 = arith.constant 40 : i32
        %mul3A_109 = arith.muli %add3A_105, %mul3A_108 : i32
        %dma_start3A_110 = arith.constant 0 : i32
        %dma_start3A_111 = tpu.memref_slice %arg14[%mul3A_109, %dma_start3A_110] : memref<10000x128xf32, #tpu.memory_space<vmem_shared>> -> memref<40x128xf32, #tpu.memory_space<vmem_shared>>
        %dma_start3A_112 = arith.constant 0 : i32
        %dma_start3A_113 = tpu.memref_slice %arg14[%mul3A_109, %dma_start3A_112] : memref<10000x128xf32, #tpu.memory_space<vmem_shared>> -> memref<40x128xf32, #tpu.memory_space<vmem_shared>>
        tpu.enqueue_dma source(%arg10 : memref<40x128xf32, #tpu.memory_space<vmem>>) target(%dma_start3A_113 : memref<40x128xf32, #tpu.memory_space<vmem_shared>>) target_semaphore(%arg18 : memref<!tpu.dma_semaphore, #tpu.memory_space<semaphore_mem>>)
      } else {
      }
    }
    %scan3A_16 = arith.constant 16 : i32
    %scan3A_17 = arith.constant 0 : i32
    %scan3A_18 = arith.constant 16 : i32
    %scan3A_19 = arith.addi %scan3A_17, %scan3A_18 : i32
    %scan3A_20 = arith.constant 1 : i32
    scf.for %scan3A_98 = %scan3A_17 to %scan3A_19 step %scan3A_20  : i32 {
      %mul3A_99 = arith.constant 1 : i32
      %mul3A_100 = arith.muli %scan3A_98, %mul3A_99 : i32
      %add3A_101 = arith.constant 0 : i32
      %add3A_102 = arith.addi %add3A_101, %mul3A_100 : i32
      %mul3A_103 = arith.constant 16 : i32
      %mul3A_104 = arith.muli %add3A_102, %mul3A_103 : i32
      %add3A_105 = arith.addi %mul3A_104, %arg1 : i32
      %lt3A = arith.constant 250 : i32
      %lt3A_106 = arith.cmpi slt, %add3A_105, %lt3A : i32
      %convert_element_type3A = arith.extui %lt3A_106 : i1 to i32
      %cond3A = arith.constant 0 : i32
      %cond3A_107 = arith.cmpi ne, %convert_element_type3A, %cond3A : i32
      scf.if %cond3A_107 {
        %mul3A_108 = arith.constant 40 : i32
        %mul3A_109 = arith.muli %add3A_105, %mul3A_108 : i32
        %dma_wait3A_110 = arith.constant 0 : i32
        %dma_wait3A_111 = tpu.memref_slice %arg14[%mul3A_109, %dma_wait3A_110] : memref<10000x128xf32, #tpu.memory_space<vmem_shared>> -> memref<40x128xf32, #tpu.memory_space<vmem_shared>>
        %dma_wait3A_112 = arith.constant 0 : i32
        %dma_wait3A_113 = tpu.memref_slice %arg14[%mul3A_109, %dma_wait3A_112] : memref<10000x128xf32, #tpu.memory_space<vmem_shared>> -> memref<40x128xf32, #tpu.memory_space<vmem_shared>>
        tpu.wait_dma2 semaphore(%arg18 : memref<!tpu.dma_semaphore, #tpu.memory_space<semaphore_mem>>) src(%arg10 : memref<40x128xf32, #tpu.memory_space<vmem>>) dst(%dma_wait3A_113 : memref<40x128xf32, #tpu.memory_space<vmem_shared>>)
      } else {
      }
    }
    %scan3A_21 = arith.constant 16 : i32
    %dma_wait3A = tpu.memref_slice %arg4[%mul3A_2] : memref<320000xi32, #tpu.memory_space<hbm>> -> memref<10000xi32, #tpu.memory_space<hbm>>
    %dma_wait3A_22 = tpu.memref_slice %arg4[%mul3A_2] : memref<320000xi32, #tpu.memory_space<hbm>> -> memref<10000xi32, #tpu.memory_space<hbm>>
    tpu.wait_dma2 semaphore(%arg15 : memref<!tpu.dma_semaphore, #tpu.memory_space<semaphore_mem>>) src(%dma_wait3A_22 : memref<10000xi32, #tpu.memory_space<hbm>>) dst(%arg7 : memref<10000xi32, #tpu.memory_space<vmem>>)
    %dma_wait3A_23 = tpu.memref_slice %arg3[%mul3A_2] : memref<320000xi32, #tpu.memory_space<hbm>> -> memref<10000xi32, #tpu.memory_space<hbm>>
    %dma_wait3A_24 = tpu.memref_slice %arg3[%mul3A_2] : memref<320000xi32, #tpu.memory_space<hbm>> -> memref<10000xi32, #tpu.memory_space<hbm>>
    tpu.wait_dma2 semaphore(%arg16 : memref<!tpu.dma_semaphore, #tpu.memory_space<semaphore_mem>>) src(%dma_wait3A_24 : memref<10000xi32, #tpu.memory_space<hbm>>) dst(%arg8 : memref<10000xi32, #tpu.memory_space<vmem>>)
    %dma_wait3A_25 = tpu.memref_slice %arg5[%mul3A_2] : memref<320000xf32, #tpu.memory_space<hbm>> -> memref<10000xf32, #tpu.memory_space<hbm>>
    %dma_wait3A_26 = tpu.memref_slice %arg5[%mul3A_2] : memref<320000xf32, #tpu.memory_space<hbm>> -> memref<10000xf32, #tpu.memory_space<hbm>>
    tpu.wait_dma2 semaphore(%arg17 : memref<!tpu.dma_semaphore, #tpu.memory_space<semaphore_mem>>) src(%dma_wait3A_26 : memref<10000xf32, #tpu.memory_space<hbm>>) dst(%arg9 : memref<10000xf32, #tpu.memory_space<vmem>>)
    %barrier3A = arith.constant 0 : index
    tpu.barrier barrier_id(%barrier3A)
    %dma_start3A_27 = arith.constant 0 : i32
    %dma_start3A_28 = tpu.memref_slice %arg7[%dma_start3A_27] : memref<10000xi32, #tpu.memory_space<vmem>> -> memref<40xi32, #tpu.memory_space<vmem>>
    %dma_start3A_29 = arith.constant 0 : i32
    %dma_start3A_30 = arith.constant 0 : i32
    %dma_start3A_31 = tpu.memref_slice %arg2[%dma_start3A_29, %dma_start3A_30] : memref<10000x128xf32, #tpu.memory_space<hbm>> -> memref<10000x128xf32, #tpu.memory_space<hbm>>
    tpu.enqueue_indirect_dma source(%dma_start3A_31 : memref<10000x128xf32, #tpu.memory_space<hbm>>) target(%arg10 : memref<40x128xf32, #tpu.memory_space<vmem>>) offsets(%dma_start3A_28 : memref<40xi32, #tpu.memory_space<vmem>>) semaphore(%arg15 : memref<!tpu.dma_semaphore, #tpu.memory_space<semaphore_mem>>)
    %dma_start3A_32 = arith.constant 40 : i32
    %dma_start3A_33 = tpu.memref_slice %arg7[%dma_start3A_32] : memref<10000xi32, #tpu.memory_space<vmem>> -> memref<40xi32, #tpu.memory_space<vmem>>
    %dma_start3A_34 = arith.constant 0 : i32
    %dma_start3A_35 = arith.constant 0 : i32
    %dma_start3A_36 = tpu.memref_slice %arg2[%dma_start3A_34, %dma_start3A_35] : memref<10000x128xf32, #tpu.memory_space<hbm>> -> memref<10000x128xf32, #tpu.memory_space<hbm>>
    tpu.enqueue_indirect_dma source(%dma_start3A_36 : memref<10000x128xf32, #tpu.memory_space<hbm>>) target(%arg11 : memref<40x128xf32, #tpu.memory_space<vmem>>) offsets(%dma_start3A_33 : memref<40xi32, #tpu.memory_space<vmem>>) semaphore(%arg16 : memref<!tpu.dma_semaphore, #tpu.memory_space<semaphore_mem>>)
    %dma_start3A_37 = arith.constant 80 : i32
    %dma_start3A_38 = tpu.memref_slice %arg7[%dma_start3A_37] : memref<10000xi32, #tpu.memory_space<vmem>> -> memref<40xi32, #tpu.memory_space<vmem>>
    %dma_start3A_39 = arith.constant 0 : i32
    %dma_start3A_40 = arith.constant 0 : i32
    %dma_start3A_41 = tpu.memref_slice %arg2[%dma_start3A_39, %dma_start3A_40] : memref<10000x128xf32, #tpu.memory_space<hbm>> -> memref<10000x128xf32, #tpu.memory_space<hbm>>
    tpu.enqueue_indirect_dma source(%dma_start3A_41 : memref<10000x128xf32, #tpu.memory_space<hbm>>) target(%arg12 : memref<40x128xf32, #tpu.memory_space<vmem>>) offsets(%dma_start3A_38 : memref<40xi32, #tpu.memory_space<vmem>>) semaphore(%arg17 : memref<!tpu.dma_semaphore, #tpu.memory_space<semaphore_mem>>)
    %scan3A_42 = arith.constant 0 : i32
    %scan3A_43 = arith.constant 62 : i32
    %scan3A_44 = arith.addi %scan3A_42, %scan3A_43 : i32
    %scan3A_45 = arith.constant 1 : i32
    scf.for %scan3A_98 = %scan3A_42 to %scan3A_44 step %scan3A_45  : i32 {
      %mul3A_99 = arith.constant 1 : i32
      %mul3A_100 = arith.muli %scan3A_98, %mul3A_99 : i32
      %add3A_101 = arith.constant 0 : i32
      %add3A_102 = arith.addi %add3A_101, %mul3A_100 : i32
      %mul3A_103 = arith.constant 4 : i32
      %mul3A_104 = arith.muli %add3A_102, %mul3A_103 : i32
      %add3A_105 = arith.constant 0 : i32
      %add3A_106 = arith.addi %mul3A_104, %add3A_105 : i32
      %mul3A_107 = arith.constant 40 : i32
      %mul3A_108 = arith.muli %add3A_106, %mul3A_107 : i32
      %dma_wait3A_109 = tpu.memref_slice %arg7[%mul3A_108] : memref<10000xi32, #tpu.memory_space<vmem>> -> memref<40xi32, #tpu.memory_space<vmem>>
      %dma_wait3A_110 = arith.constant 0 : i32
      %dma_wait3A_111 = arith.constant 0 : i32
      %dma_wait3A_112 = tpu.memref_slice %arg2[%dma_wait3A_110, %dma_wait3A_111] : memref<10000x128xf32, #tpu.memory_space<hbm>> -> memref<10000x128xf32, #tpu.memory_space<hbm>>
      tpu.wait_indirect_dma semaphore(%arg15 : memref<!tpu.dma_semaphore, #tpu.memory_space<semaphore_mem>>) src(%dma_wait3A_112 : memref<10000x128xf32, #tpu.memory_space<hbm>>) dst(%arg10 : memref<40x128xf32, #tpu.memory_space<vmem>>)
      %add3A_113 = arith.constant 4 : i32
      %add3A_114 = arith.addi %add3A_106, %add3A_113 : i32
      %sub3A = arith.constant 1 : i32
      %sub3A_115 = arith.subi %add3A_114, %sub3A : i32
      %lt3A = arith.constant 250 : i32
      %lt3A_116 = arith.cmpi slt, %sub3A_115, %lt3A : i32
      %convert_element_type3A = arith.extui %lt3A_116 : i1 to i32
      %cond3A = arith.constant 0 : i32
      %cond3A_117 = arith.cmpi ne, %convert_element_type3A, %cond3A : i32
      scf.if %cond3A_117 {
        %ge3A = arith.constant 1 : i32
        %ge3A_213 = arith.cmpi sge, %add3A_106, %ge3A : i32
        %convert_element_type3A_214 = arith.extui %ge3A_213 : i1 to i32
        %cond3A_215 = arith.constant 0 : i32
        %cond3A_216 = arith.cmpi ne, %convert_element_type3A_214, %cond3A_215 : i32
        scf.if %cond3A_216 {
          %sub3A_227 = arith.constant 1 : i32
          %sub3A_228 = arith.subi %add3A_106, %sub3A_227 : i32
          %mul3A_229 = arith.constant 40 : i32
          %mul3A_230 = arith.muli %sub3A_228, %mul3A_229 : i32
          %dma_wait3A_231 = tpu.memref_slice %arg8[%mul3A_230] : memref<10000xi32, #tpu.memory_space<vmem>> -> memref<40xi32, #tpu.memory_space<vmem>>
          %dma_wait3A_232 = arith.constant 0 : i32
          %dma_wait3A_233 = arith.constant 0 : i32
          %dma_wait3A_234 = tpu.memref_slice %arg14[%dma_wait3A_232, %dma_wait3A_233] : memref<10000x128xf32, #tpu.memory_space<vmem_shared>> -> memref<10000x128xf32, #tpu.memory_space<vmem_shared>>
          tpu.wait_indirect_dma semaphore(%arg22 : memref<!tpu.dma_semaphore, #tpu.memory_space<semaphore_mem>>) src(%arg13 : memref<40x128xf32, #tpu.memory_space<vmem>>) dst(%dma_wait3A_234 : memref<10000x128xf32, #tpu.memory_space<vmem_shared>>)
        } else {
        }
        %add3A_217 = arith.constant 4 : i32
        %add3A_218 = arith.addi %add3A_106, %add3A_217 : i32
        %sub3A_219 = arith.constant 1 : i32
        %sub3A_220 = arith.subi %add3A_218, %sub3A_219 : i32
        %mul3A_221 = arith.constant 40 : i32
        %mul3A_222 = arith.muli %sub3A_220, %mul3A_221 : i32
        %dma_start3A_223 = tpu.memref_slice %arg7[%mul3A_222] : memref<10000xi32, #tpu.memory_space<vmem>> -> memref<40xi32, #tpu.memory_space<vmem>>
        %dma_start3A_224 = arith.constant 0 : i32
        %dma_start3A_225 = arith.constant 0 : i32
        %dma_start3A_226 = tpu.memref_slice %arg2[%dma_start3A_224, %dma_start3A_225] : memref<10000x128xf32, #tpu.memory_space<hbm>> -> memref<10000x128xf32, #tpu.memory_space<hbm>>
        tpu.enqueue_indirect_dma source(%dma_start3A_226 : memref<10000x128xf32, #tpu.memory_space<hbm>>) target(%arg13 : memref<40x128xf32, #tpu.memory_space<vmem>>) offsets(%dma_start3A_223 : memref<40xi32, #tpu.memory_space<vmem>>) semaphore(%arg18 : memref<!tpu.dma_semaphore, #tpu.memory_space<semaphore_mem>>)
      } else {
      }
      %mul3A_118 = arith.constant 40 : i32
      %mul3A_119 = arith.muli %add3A_106, %mul3A_118 : i32
      %parallel_loop3A_120 = arith.constant 0 : i32
      %parallel_loop3A_121 = arith.constant 40 : i32
      %parallel_loop3A_122 = arith.constant 1 : i32
      scf.for %parallel_loop3A_213 = %parallel_loop3A_120 to %parallel_loop3A_121 step %parallel_loop3A_122  : i32 {
        %parallel_loop3A_214 = arith.constant 0 : i32
        %parallel_loop3A_215 = vector.broadcast %parallel_loop3A_214 : i32 to vector<16xi32>
        %parallel_loop3A_216 = arith.addi %mul3A_119, %parallel_loop3A_213 : i32
        %parallel_loop3A_217 = vector.broadcast %parallel_loop3A_216 : i32 to vector<16xi32>
        %parallel_loop3A_218 = arith.addi %parallel_loop3A_215, %parallel_loop3A_217 : vector<16xi32>
        %parallel_loop3A_219 = tpu.vector_load_idx %arg9[%parallel_loop3A_218] : memref<10000xf32, #tpu.memory_space<vmem>>[vector<16xi32>], vector<16xf32>,
        %parallel_loop3A_220 = arith.index_cast %parallel_loop3A_213 : i32 to index
        %parallel_loop3A_221 = arith.constant 0 : index
        %parallel_loop3A_222 = tpu.vector_load %arg10[%parallel_loop3A_220, %parallel_loop3A_221] {strides = array<i32>} : memref<40x128xf32, #tpu.memory_space<vmem>>, vector<16xf32>,
        %parallel_loop3A_223 = arith.mulf %parallel_loop3A_222, %parallel_loop3A_219 : vector<16xf32>
        %parallel_loop3A_224 = arith.index_cast %parallel_loop3A_213 : i32 to index
        %parallel_loop3A_225 = arith.constant 0 : index
        %parallel_loop3A_226 = tpu.vector_load %arg10[%parallel_loop3A_224, %parallel_loop3A_225] {strides = array<i32>} : memref<40x128xf32, #tpu.memory_space<vmem>>, vector<16xf32>,
        tpu.vector_store %arg10[%parallel_loop3A_224, %parallel_loop3A_225], %parallel_loop3A_223 {strides = array<i32>} : memref<40x128xf32, #tpu.memory_space<vmem>>, vector<16xf32>,
        %parallel_loop3A_227 = arith.index_cast %parallel_loop3A_213 : i32 to index
        %parallel_loop3A_228 = arith.constant 16 : index
        %parallel_loop3A_229 = tpu.vector_load %arg10[%parallel_loop3A_227, %parallel_loop3A_228] {strides = array<i32>} : memref<40x128xf32, #tpu.memory_space<vmem>>, vector<16xf32>,
        %parallel_loop3A_230 = arith.mulf %parallel_loop3A_229, %parallel_loop3A_219 : vector<16xf32>
        %parallel_loop3A_231 = arith.index_cast %parallel_loop3A_213 : i32 to index
        %parallel_loop3A_232 = arith.constant 16 : index
        %parallel_loop3A_233 = tpu.vector_load %arg10[%parallel_loop3A_231, %parallel_loop3A_232] {strides = array<i32>} : memref<40x128xf32, #tpu.memory_space<vmem>>, vector<16xf32>,
        tpu.vector_store %arg10[%parallel_loop3A_231, %parallel_loop3A_232], %parallel_loop3A_230 {strides = array<i32>} : memref<40x128xf32, #tpu.memory_space<vmem>>, vector<16xf32>,
        %parallel_loop3A_234 = arith.index_cast %parallel_loop3A_213 : i32 to index
        %parallel_loop3A_235 = arith.constant 32 : index
        %parallel_loop3A_236 = tpu.vector_load %arg10[%parallel_loop3A_234, %parallel_loop3A_235] {strides = array<i32>} : memref<40x128xf32, #tpu.memory_space<vmem>>, vector<16xf32>,
        %parallel_loop3A_237 = arith.mulf %parallel_loop3A_236, %parallel_loop3A_219 : vector<16xf32>
        %parallel_loop3A_238 = arith.index_cast %parallel_loop3A_213 : i32 to index
        %parallel_loop3A_239 = arith.constant 32 : index
        %parallel_loop3A_240 = tpu.vector_load %arg10[%parallel_loop3A_238, %parallel_loop3A_239] {strides = array<i32>} : memref<40x128xf32, #tpu.memory_space<vmem>>, vector<16xf32>,
        tpu.vector_store %arg10[%parallel_loop3A_238, %parallel_loop3A_239], %parallel_loop3A_237 {strides = array<i32>} : memref<40x128xf32, #tpu.memory_space<vmem>>, vector<16xf32>,
        %parallel_loop3A_241 = arith.index_cast %parallel_loop3A_213 : i32 to index
        %parallel_loop3A_242 = arith.constant 48 : index
        %parallel_loop3A_243 = tpu.vector_load %arg10[%parallel_loop3A_241, %parallel_loop3A_242] {strides = array<i32>} : memref<40x128xf32, #tpu.memory_space<vmem>>, vector<16xf32>,
        %parallel_loop3A_244 = arith.mulf %parallel_loop3A_243, %parallel_loop3A_219 : vector<16xf32>
        %parallel_loop3A_245 = arith.index_cast %parallel_loop3A_213 : i32 to index
        %parallel_loop3A_246 = arith.constant 48 : index
        %parallel_loop3A_247 = tpu.vector_load %arg10[%parallel_loop3A_245, %parallel_loop3A_246] {strides = array<i32>} : memref<40x128xf32, #tpu.memory_space<vmem>>, vector<16xf32>,
        tpu.vector_store %arg10[%parallel_loop3A_245, %parallel_loop3A_246], %parallel_loop3A_244 {strides = array<i32>} : memref<40x128xf32, #tpu.memory_space<vmem>>, vector<16xf32>,
        %parallel_loop3A_248 = arith.index_cast %parallel_loop3A_213 : i32 to index
        %parallel_loop3A_249 = arith.constant 64 : index
        %parallel_loop3A_250 = tpu.vector_load %arg10[%parallel_loop3A_248, %parallel_loop3A_249] {strides = array<i32>} : memref<40x128xf32, #tpu.memory_space<vmem>>, vector<16xf32>,
        %parallel_loop3A_251 = arith.mulf %parallel_loop3A_250, %parallel_loop3A_219 : vector<16xf32>
        %parallel_loop3A_252 = arith.index_cast %parallel_loop3A_213 : i32 to index
        %parallel_loop3A_253 = arith.constant 64 : index
        %parallel_loop3A_254 = tpu.vector_load %arg10[%parallel_loop3A_252, %parallel_loop3A_253] {strides = array<i32>} : memref<40x128xf32, #tpu.memory_space<vmem>>, vector<16xf32>,
        tpu.vector_store %arg10[%parallel_loop3A_252, %parallel_loop3A_253], %parallel_loop3A_251 {strides = array<i32>} : memref<40x128xf32, #tpu.memory_space<vmem>>, vector<16xf32>,
        %parallel_loop3A_255 = arith.index_cast %parallel_loop3A_213 : i32 to index
        %parallel_loop3A_256 = arith.constant 80 : index
        %parallel_loop3A_257 = tpu.vector_load %arg10[%parallel_loop3A_255, %parallel_loop3A_256] {strides = array<i32>} : memref<40x128xf32, #tpu.memory_space<vmem>>, vector<16xf32>,
        %parallel_loop3A_258 = arith.mulf %parallel_loop3A_257, %parallel_loop3A_219 : vector<16xf32>
        %parallel_loop3A_259 = arith.index_cast %parallel_loop3A_213 : i32 to index
        %parallel_loop3A_260 = arith.constant 80 : index
        %parallel_loop3A_261 = tpu.vector_load %arg10[%parallel_loop3A_259, %parallel_loop3A_260] {strides = array<i32>} : memref<40x128xf32, #tpu.memory_space<vmem>>, vector<16xf32>,
        tpu.vector_store %arg10[%parallel_loop3A_259, %parallel_loop3A_260], %parallel_loop3A_258 {strides = array<i32>} : memref<40x128xf32, #tpu.memory_space<vmem>>, vector<16xf32>,
        %parallel_loop3A_262 = arith.index_cast %parallel_loop3A_213 : i32 to index
        %parallel_loop3A_263 = arith.constant 96 : index
        %parallel_loop3A_264 = tpu.vector_load %arg10[%parallel_loop3A_262, %parallel_loop3A_263] {strides = array<i32>} : memref<40x128xf32, #tpu.memory_space<vmem>>, vector<16xf32>,
        %parallel_loop3A_265 = arith.mulf %parallel_loop3A_264, %parallel_loop3A_219 : vector<16xf32>
        %parallel_loop3A_266 = arith.index_cast %parallel_loop3A_213 : i32 to index
        %parallel_loop3A_267 = arith.constant 96 : index
        %parallel_loop3A_268 = tpu.vector_load %arg10[%parallel_loop3A_266, %parallel_loop3A_267] {strides = array<i32>} : memref<40x128xf32, #tpu.memory_space<vmem>>, vector<16xf32>,
        tpu.vector_store %arg10[%parallel_loop3A_266, %parallel_loop3A_267], %parallel_loop3A_265 {strides = array<i32>} : memref<40x128xf32, #tpu.memory_space<vmem>>, vector<16xf32>,
        %parallel_loop3A_269 = arith.index_cast %parallel_loop3A_213 : i32 to index
        %parallel_loop3A_270 = arith.constant 112 : index
        %parallel_loop3A_271 = tpu.vector_load %arg10[%parallel_loop3A_269, %parallel_loop3A_270] {strides = array<i32>} : memref<40x128xf32, #tpu.memory_space<vmem>>, vector<16xf32>,
        %parallel_loop3A_272 = arith.mulf %parallel_loop3A_271, %parallel_loop3A_219 : vector<16xf32>
        %parallel_loop3A_273 = arith.index_cast %parallel_loop3A_213 : i32 to index
        %parallel_loop3A_274 = arith.constant 112 : index
        %parallel_loop3A_275 = tpu.vector_load %arg10[%parallel_loop3A_273, %parallel_loop3A_274] {strides = array<i32>} : memref<40x128xf32, #tpu.memory_space<vmem>>, vector<16xf32>,
        tpu.vector_store %arg10[%parallel_loop3A_273, %parallel_loop3A_274], %parallel_loop3A_272 {strides = array<i32>} : memref<40x128xf32, #tpu.memory_space<vmem>>, vector<16xf32>,
      } {sc.loop_unroll_factor = 4 : i64, sc.parallel_access}
      %mul3A_123 = arith.constant 40 : i32
      %mul3A_124 = arith.muli %add3A_106, %mul3A_123 : i32
      %dma_start3A_125 = tpu.memref_slice %arg8[%mul3A_124] : memref<10000xi32, #tpu.memory_space<vmem>> -> memref<40xi32, #tpu.memory_space<vmem>>
      %dma_start3A_126 = arith.constant 0 : i32
      %dma_start3A_127 = arith.constant 0 : i32
      %dma_start3A_128 = tpu.memref_slice %arg14[%dma_start3A_126, %dma_start3A_127] : memref<10000x128xf32, #tpu.memory_space<vmem_shared>> -> memref<10000x128xf32, #tpu.memory_space<vmem_shared>>
      tpu.enqueue_indirect_dma source(%arg10 : memref<40x128xf32, #tpu.memory_space<vmem>>) target(%dma_start3A_128 : memref<10000x128xf32, #tpu.memory_space<vmem_shared>>) offsets(%dma_start3A_125 : memref<40xi32, #tpu.memory_space<vmem>>) semaphore(%arg19 : memref<!tpu.dma_semaphore, #tpu.memory_space<semaphore_mem>>) {add = true}
      %add3A_129 = arith.constant 1 : i32
      %add3A_130 = arith.addi %mul3A_104, %add3A_129 : i32
      %mul3A_131 = arith.constant 40 : i32
      %mul3A_132 = arith.muli %add3A_130, %mul3A_131 : i32
      %dma_wait3A_133 = tpu.memref_slice %arg7[%mul3A_132] : memref<10000xi32, #tpu.memory_space<vmem>> -> memref<40xi32, #tpu.memory_space<vmem>>
      %dma_wait3A_134 = arith.constant 0 : i32
      %dma_wait3A_135 = arith.constant 0 : i32
      %dma_wait3A_136 = tpu.memref_slice %arg2[%dma_wait3A_134, %dma_wait3A_135] : memref<10000x128xf32, #tpu.memory_space<hbm>> -> memref<10000x128xf32, #tpu.memory_space<hbm>>
      tpu.wait_indirect_dma semaphore(%arg16 : memref<!tpu.dma_semaphore, #tpu.memory_space<semaphore_mem>>) src(%dma_wait3A_136 : memref<10000x128xf32, #tpu.memory_space<hbm>>) dst(%arg11 : memref<40x128xf32, #tpu.memory_space<vmem>>)
      %add3A_137 = arith.constant 4 : i32
      %add3A_138 = arith.addi %add3A_130, %add3A_137 : i32
      %sub3A_139 = arith.constant 1 : i32
      %sub3A_140 = arith.subi %add3A_138, %sub3A_139 : i32
      %lt3A_141 = arith.constant 250 : i32
      %lt3A_142 = arith.cmpi slt, %sub3A_140, %lt3A_141 : i32
      %convert_element_type3A_143 = arith.extui %lt3A_142 : i1 to i32
      %cond3A_144 = arith.constant 0 : i32
      %cond3A_145 = arith.cmpi ne, %convert_element_type3A_143, %cond3A_144 : i32
      scf.if %cond3A_145 {
        %ge3A = arith.constant 1 : i32
        %ge3A_213 = arith.cmpi sge, %add3A_130, %ge3A : i32
        %convert_element_type3A_214 = arith.extui %ge3A_213 : i1 to i32
        %cond3A_215 = arith.constant 0 : i32
        %cond3A_216 = arith.cmpi ne, %convert_element_type3A_214, %cond3A_215 : i32
        scf.if %cond3A_216 {
          %sub3A_227 = arith.constant 1 : i32
          %sub3A_228 = arith.subi %add3A_130, %sub3A_227 : i32
          %mul3A_229 = arith.constant 40 : i32
          %mul3A_230 = arith.muli %sub3A_228, %mul3A_229 : i32
          %dma_wait3A_231 = tpu.memref_slice %arg8[%mul3A_230] : memref<10000xi32, #tpu.memory_space<vmem>> -> memref<40xi32, #tpu.memory_space<vmem>>
          %dma_wait3A_232 = arith.constant 0 : i32
          %dma_wait3A_233 = arith.constant 0 : i32
          %dma_wait3A_234 = tpu.memref_slice %arg14[%dma_wait3A_232, %dma_wait3A_233] : memref<10000x128xf32, #tpu.memory_space<vmem_shared>> -> memref<10000x128xf32, #tpu.memory_space<vmem_shared>>
          tpu.wait_indirect_dma semaphore(%arg19 : memref<!tpu.dma_semaphore, #tpu.memory_space<semaphore_mem>>) src(%arg10 : memref<40x128xf32, #tpu.memory_space<vmem>>) dst(%dma_wait3A_234 : memref<10000x128xf32, #tpu.memory_space<vmem_shared>>)
        } else {
        }
        %add3A_217 = arith.constant 4 : i32
        %add3A_218 = arith.addi %add3A_130, %add3A_217 : i32
        %sub3A_219 = arith.constant 1 : i32
        %sub3A_220 = arith.subi %add3A_218, %sub3A_219 : i32
        %mul3A_221 = arith.constant 40 : i32
        %mul3A_222 = arith.muli %sub3A_220, %mul3A_221 : i32
        %dma_start3A_223 = tpu.memref_slice %arg7[%mul3A_222] : memref<10000xi32, #tpu.memory_space<vmem>> -> memref<40xi32, #tpu.memory_space<vmem>>
        %dma_start3A_224 = arith.constant 0 : i32
        %dma_start3A_225 = arith.constant 0 : i32
        %dma_start3A_226 = tpu.memref_slice %arg2[%dma_start3A_224, %dma_start3A_225] : memref<10000x128xf32, #tpu.memory_space<hbm>> -> memref<10000x128xf32, #tpu.memory_space<hbm>>
        tpu.enqueue_indirect_dma source(%dma_start3A_226 : memref<10000x128xf32, #tpu.memory_space<hbm>>) target(%arg10 : memref<40x128xf32, #tpu.memory_space<vmem>>) offsets(%dma_start3A_223 : memref<40xi32, #tpu.memory_space<vmem>>) semaphore(%arg15 : memref<!tpu.dma_semaphore, #tpu.memory_space<semaphore_mem>>)
      } else {
      }
      %mul3A_146 = arith.constant 40 : i32
      %mul3A_147 = arith.muli %add3A_130, %mul3A_146 : i32
      %parallel_loop3A_148 = arith.constant 0 : i32
      %parallel_loop3A_149 = arith.constant 40 : i32
      %parallel_loop3A_150 = arith.constant 1 : i32
      scf.for %parallel_loop3A_213 = %parallel_loop3A_148 to %parallel_loop3A_149 step %parallel_loop3A_150  : i32 {
        %parallel_loop3A_214 = arith.constant 0 : i32
        %parallel_loop3A_215 = vector.broadcast %parallel_loop3A_214 : i32 to vector<16xi32>
        %parallel_loop3A_216 = arith.addi %mul3A_147, %parallel_loop3A_213 : i32
        %parallel_loop3A_217 = vector.broadcast %parallel_loop3A_216 : i32 to vector<16xi32>
        %parallel_loop3A_218 = arith.addi %parallel_loop3A_215, %parallel_loop3A_217 : vector<16xi32>
        %parallel_loop3A_219 = tpu.vector_load_idx %arg9[%parallel_loop3A_218] : memref<10000xf32, #tpu.memory_space<vmem>>[vector<16xi32>], vector<16xf32>,
        %parallel_loop3A_220 = arith.index_cast %parallel_loop3A_213 : i32 to index
        %parallel_loop3A_221 = arith.constant 0 : index
        %parallel_loop3A_222 = tpu.vector_load %arg11[%parallel_loop3A_220, %parallel_loop3A_221] {strides = array<i32>} : memref<40x128xf32, #tpu.memory_space<vmem>>, vector<16xf32>,
        %parallel_loop3A_223 = arith.mulf %parallel_loop3A_222, %parallel_loop3A_219 : vector<16xf32>
        %parallel_loop3A_224 = arith.index_cast %parallel_loop3A_213 : i32 to index
        %parallel_loop3A_225 = arith.constant 0 : index
        %parallel_loop3A_226 = tpu.vector_load %arg11[%parallel_loop3A_224, %parallel_loop3A_225] {strides = array<i32>} : memref<40x128xf32, #tpu.memory_space<vmem>>, vector<16xf32>,
        tpu.vector_store %arg11[%parallel_loop3A_224, %parallel_loop3A_225], %parallel_loop3A_223 {strides = array<i32>} : memref<40x128xf32, #tpu.memory_space<vmem>>, vector<16xf32>,
        %parallel_loop3A_227 = arith.index_cast %parallel_loop3A_213 : i32 to index
        %parallel_loop3A_228 = arith.constant 16 : index
        %parallel_loop3A_229 = tpu.vector_load %arg11[%parallel_loop3A_227, %parallel_loop3A_228] {strides = array<i32>} : memref<40x128xf32, #tpu.memory_space<vmem>>, vector<16xf32>,
        %parallel_loop3A_230 = arith.mulf %parallel_loop3A_229, %parallel_loop3A_219 : vector<16xf32>
        %parallel_loop3A_231 = arith.index_cast %parallel_loop3A_213 : i32 to index
        %parallel_loop3A_232 = arith.constant 16 : index
        %parallel_loop3A_233 = tpu.vector_load %arg11[%parallel_loop3A_231, %parallel_loop3A_232] {strides = array<i32>} : memref<40x128xf32, #tpu.memory_space<vmem>>, vector<16xf32>,
        tpu.vector_store %arg11[%parallel_loop3A_231, %parallel_loop3A_232], %parallel_loop3A_230 {strides = array<i32>} : memref<40x128xf32, #tpu.memory_space<vmem>>, vector<16xf32>,
        %parallel_loop3A_234 = arith.index_cast %parallel_loop3A_213 : i32 to index
        %parallel_loop3A_235 = arith.constant 32 : index
        %parallel_loop3A_236 = tpu.vector_load %arg11[%parallel_loop3A_234, %parallel_loop3A_235] {strides = array<i32>} : memref<40x128xf32, #tpu.memory_space<vmem>>, vector<16xf32>,
        %parallel_loop3A_237 = arith.mulf %parallel_loop3A_236, %parallel_loop3A_219 : vector<16xf32>
        %parallel_loop3A_238 = arith.index_cast %parallel_loop3A_213 : i32 to index
        %parallel_loop3A_239 = arith.constant 32 : index
        %parallel_loop3A_240 = tpu.vector_load %arg11[%parallel_loop3A_238, %parallel_loop3A_239] {strides = array<i32>} : memref<40x128xf32, #tpu.memory_space<vmem>>, vector<16xf32>,
        tpu.vector_store %arg11[%parallel_loop3A_238, %parallel_loop3A_239], %parallel_loop3A_237 {strides = array<i32>} : memref<40x128xf32, #tpu.memory_space<vmem>>, vector<16xf32>,
        %parallel_loop3A_241 = arith.index_cast %parallel_loop3A_213 : i32 to index
        %parallel_loop3A_242 = arith.constant 48 : index
        %parallel_loop3A_243 = tpu.vector_load %arg11[%parallel_loop3A_241, %parallel_loop3A_242] {strides = array<i32>} : memref<40x128xf32, #tpu.memory_space<vmem>>, vector<16xf32>,
        %parallel_loop3A_244 = arith.mulf %parallel_loop3A_243, %parallel_loop3A_219 : vector<16xf32>
        %parallel_loop3A_245 = arith.index_cast %parallel_loop3A_213 : i32 to index
        %parallel_loop3A_246 = arith.constant 48 : index
        %parallel_loop3A_247 = tpu.vector_load %arg11[%parallel_loop3A_245, %parallel_loop3A_246] {strides = array<i32>} : memref<40x128xf32, #tpu.memory_space<vmem>>, vector<16xf32>,
        tpu.vector_store %arg11[%parallel_loop3A_245, %parallel_loop3A_246], %parallel_loop3A_244 {strides = array<i32>} : memref<40x128xf32, #tpu.memory_space<vmem>>, vector<16xf32>,
        %parallel_loop3A_248 = arith.index_cast %parallel_loop3A_213 : i32 to index
        %parallel_loop3A_249 = arith.constant 64 : index
        %parallel_loop3A_250 = tpu.vector_load %arg11[%parallel_loop3A_248, %parallel_loop3A_249] {strides = array<i32>} : memref<40x128xf32, #tpu.memory_space<vmem>>, vector<16xf32>,
        %parallel_loop3A_251 = arith.mulf %parallel_loop3A_250, %parallel_loop3A_219 : vector<16xf32>
        %parallel_loop3A_252 = arith.index_cast %parallel_loop3A_213 : i32 to index
        %parallel_loop3A_253 = arith.constant 64 : index
        %parallel_loop3A_254 = tpu.vector_load %arg11[%parallel_loop3A_252, %parallel_loop3A_253] {strides = array<i32>} : memref<40x128xf32, #tpu.memory_space<vmem>>, vector<16xf32>,
        tpu.vector_store %arg11[%parallel_loop3A_252, %parallel_loop3A_253], %parallel_loop3A_251 {strides = array<i32>} : memref<40x128xf32, #tpu.memory_space<vmem>>, vector<16xf32>,
        %parallel_loop3A_255 = arith.index_cast %parallel_loop3A_213 : i32 to index
        %parallel_loop3A_256 = arith.constant 80 : index
        %parallel_loop3A_257 = tpu.vector_load %arg11[%parallel_loop3A_255, %parallel_loop3A_256] {strides = array<i32>} : memref<40x128xf32, #tpu.memory_space<vmem>>, vector<16xf32>,
        %parallel_loop3A_258 = arith.mulf %parallel_loop3A_257, %parallel_loop3A_219 : vector<16xf32>
        %parallel_loop3A_259 = arith.index_cast %parallel_loop3A_213 : i32 to index
        %parallel_loop3A_260 = arith.constant 80 : index
        %parallel_loop3A_261 = tpu.vector_load %arg11[%parallel_loop3A_259, %parallel_loop3A_260] {strides = array<i32>} : memref<40x128xf32, #tpu.memory_space<vmem>>, vector<16xf32>,
        tpu.vector_store %arg11[%parallel_loop3A_259, %parallel_loop3A_260], %parallel_loop3A_258 {strides = array<i32>} : memref<40x128xf32, #tpu.memory_space<vmem>>, vector<16xf32>,
        %parallel_loop3A_262 = arith.index_cast %parallel_loop3A_213 : i32 to index
        %parallel_loop3A_263 = arith.constant 96 : index
        %parallel_loop3A_264 = tpu.vector_load %arg11[%parallel_loop3A_262, %parallel_loop3A_263] {strides = array<i32>} : memref<40x128xf32, #tpu.memory_space<vmem>>, vector<16xf32>,
        %parallel_loop3A_265 = arith.mulf %parallel_loop3A_264, %parallel_loop3A_219 : vector<16xf32>
        %parallel_loop3A_266 = arith.index_cast %parallel_loop3A_213 : i32 to index
        %parallel_loop3A_267 = arith.constant 96 : index
        %parallel_loop3A_268 = tpu.vector_load %arg11[%parallel_loop3A_266, %parallel_loop3A_267] {strides = array<i32>} : memref<40x128xf32, #tpu.memory_space<vmem>>, vector<16xf32>,
        tpu.vector_store %arg11[%parallel_loop3A_266, %parallel_loop3A_267], %parallel_loop3A_265 {strides = array<i32>} : memref<40x128xf32, #tpu.memory_space<vmem>>, vector<16xf32>,
        %parallel_loop3A_269 = arith.index_cast %parallel_loop3A_213 : i32 to index
        %parallel_loop3A_270 = arith.constant 112 : index
        %parallel_loop3A_271 = tpu.vector_load %arg11[%parallel_loop3A_269, %parallel_loop3A_270] {strides = array<i32>} : memref<40x128xf32, #tpu.memory_space<vmem>>, vector<16xf32>,
        %parallel_loop3A_272 = arith.mulf %parallel_loop3A_271, %parallel_loop3A_219 : vector<16xf32>
        %parallel_loop3A_273 = arith.index_cast %parallel_loop3A_213 : i32 to index
        %parallel_loop3A_274 = arith.constant 112 : index
        %parallel_loop3A_275 = tpu.vector_load %arg11[%parallel_loop3A_273, %parallel_loop3A_274] {strides = array<i32>} : memref<40x128xf32, #tpu.memory_space<vmem>>, vector<16xf32>,
        tpu.vector_store %arg11[%parallel_loop3A_273, %parallel_loop3A_274], %parallel_loop3A_272 {strides = array<i32>} : memref<40x128xf32, #tpu.memory_space<vmem>>, vector<16xf32>,
      } {sc.loop_unroll_factor = 4 : i64, sc.parallel_access}
      %mul3A_151 = arith.constant 40 : i32
      %mul3A_152 = arith.muli %add3A_130, %mul3A_151 : i32
      %dma_start3A_153 = tpu.memref_slice %arg8[%mul3A_152] : memref<10000xi32, #tpu.memory_space<vmem>> -> memref<40xi32, #tpu.memory_space<vmem>>
      %dma_start3A_154 = arith.constant 0 : i32
      %dma_start3A_155 = arith.constant 0 : i32
      %dma_start3A_156 = tpu.memref_slice %arg14[%dma_start3A_154, %dma_start3A_155] : memref<10000x128xf32, #tpu.memory_space<vmem_shared>> -> memref<10000x128xf32, #tpu.memory_space<vmem_shared>>
      tpu.enqueue_indirect_dma source(%arg11 : memref<40x128xf32, #tpu.memory_space<vmem>>) target(%dma_start3A_156 : memref<10000x128xf32, #tpu.memory_space<vmem_shared>>) offsets(%dma_start3A_153 : memref<40xi32, #tpu.memory_space<vmem>>) semaphore(%arg20 : memref<!tpu.dma_semaphore, #tpu.memory_space<semaphore_mem>>) {add = true}
      %add3A_157 = arith.constant 2 : i32
      %add3A_158 = arith.addi %mul3A_104, %add3A_157 : i32
      %mul3A_159 = arith.constant 40 : i32
      %mul3A_160 = arith.muli %add3A_158, %mul3A_159 : i32
      %dma_wait3A_161 = tpu.memref_slice %arg7[%mul3A_160] : memref<10000xi32, #tpu.memory_space<vmem>> -> memref<40xi32, #tpu.memory_space<vmem>>
      %dma_wait3A_162 = arith.constant 0 : i32
      %dma_wait3A_163 = arith.constant 0 : i32
      %dma_wait3A_164 = tpu.memref_slice %arg2[%dma_wait3A_162, %dma_wait3A_163] : memref<10000x128xf32, #tpu.memory_space<hbm>> -> memref<10000x128xf32, #tpu.memory_space<hbm>>
      tpu.wait_indirect_dma semaphore(%arg17 : memref<!tpu.dma_semaphore, #tpu.memory_space<semaphore_mem>>) src(%dma_wait3A_164 : memref<10000x128xf32, #tpu.memory_space<hbm>>) dst(%arg12 : memref<40x128xf32, #tpu.memory_space<vmem>>)
      %add3A_165 = arith.constant 4 : i32
      %add3A_166 = arith.addi %add3A_158, %add3A_165 : i32
      %sub3A_167 = arith.constant 1 : i32
      %sub3A_168 = arith.subi %add3A_166, %sub3A_167 : i32
      %lt3A_169 = arith.constant 250 : i32
      %lt3A_170 = arith.cmpi slt, %sub3A_168, %lt3A_169 : i32
      %convert_element_type3A_171 = arith.extui %lt3A_170 : i1 to i32
      %cond3A_172 = arith.constant 0 : i32
      %cond3A_173 = arith.cmpi ne, %convert_element_type3A_171, %cond3A_172 : i32
      scf.if %cond3A_173 {
        %ge3A = arith.constant 1 : i32
        %ge3A_213 = arith.cmpi sge, %add3A_158, %ge3A : i32
        %convert_element_type3A_214 = arith.extui %ge3A_213 : i1 to i32
        %cond3A_215 = arith.constant 0 : i32
        %cond3A_216 = arith.cmpi ne, %convert_element_type3A_214, %cond3A_215 : i32
        scf.if %cond3A_216 {
          %sub3A_227 = arith.constant 1 : i32
          %sub3A_228 = arith.subi %add3A_158, %sub3A_227 : i32
          %mul3A_229 = arith.constant 40 : i32
          %mul3A_230 = arith.muli %sub3A_228, %mul3A_229 : i32
          %dma_wait3A_231 = tpu.memref_slice %arg8[%mul3A_230] : memref<10000xi32, #tpu.memory_space<vmem>> -> memref<40xi32, #tpu.memory_space<vmem>>
          %dma_wait3A_232 = arith.constant 0 : i32
          %dma_wait3A_233 = arith.constant 0 : i32
          %dma_wait3A_234 = tpu.memref_slice %arg14[%dma_wait3A_232, %dma_wait3A_233] : memref<10000x128xf32, #tpu.memory_space<vmem_shared>> -> memref<10000x128xf32, #tpu.memory_space<vmem_shared>>
          tpu.wait_indirect_dma semaphore(%arg20 : memref<!tpu.dma_semaphore, #tpu.memory_space<semaphore_mem>>) src(%arg11 : memref<40x128xf32, #tpu.memory_space<vmem>>) dst(%dma_wait3A_234 : memref<10000x128xf32, #tpu.memory_space<vmem_shared>>)
        } else {
        }
        %add3A_217 = arith.constant 4 : i32
        %add3A_218 = arith.addi %add3A_158, %add3A_217 : i32
        %sub3A_219 = arith.constant 1 : i32
        %sub3A_220 = arith.subi %add3A_218, %sub3A_219 : i32
        %mul3A_221 = arith.constant 40 : i32
        %mul3A_222 = arith.muli %sub3A_220, %mul3A_221 : i32
        %dma_start3A_223 = tpu.memref_slice %arg7[%mul3A_222] : memref<10000xi32, #tpu.memory_space<vmem>> -> memref<40xi32, #tpu.memory_space<vmem>>
        %dma_start3A_224 = arith.constant 0 : i32
        %dma_start3A_225 = arith.constant 0 : i32
        %dma_start3A_226 = tpu.memref_slice %arg2[%dma_start3A_224, %dma_start3A_225] : memref<10000x128xf32, #tpu.memory_space<hbm>> -> memref<10000x128xf32, #tpu.memory_space<hbm>>
        tpu.enqueue_indirect_dma source(%dma_start3A_226 : memref<10000x128xf32, #tpu.memory_space<hbm>>) target(%arg11 : memref<40x128xf32, #tpu.memory_space<vmem>>) offsets(%dma_start3A_223 : memref<40xi32, #tpu.memory_space<vmem>>) semaphore(%arg16 : memref<!tpu.dma_semaphore, #tpu.memory_space<semaphore_mem>>)
      } else {
      }
      %mul3A_174 = arith.constant 40 : i32
      %mul3A_175 = arith.muli %add3A_158, %mul3A_174 : i32
      %parallel_loop3A_176 = arith.constant 0 : i32
      %parallel_loop3A_177 = arith.constant 40 : i32
      %parallel_loop3A_178 = arith.constant 1 : i32
      scf.for %parallel_loop3A_213 = %parallel_loop3A_176 to %parallel_loop3A_177 step %parallel_loop3A_178  : i32 {
        %parallel_loop3A_214 = arith.constant 0 : i32
        %parallel_loop3A_215 = vector.broadcast %parallel_loop3A_214 : i32 to vector<16xi32>
        %parallel_loop3A_216 = arith.addi %mul3A_175, %parallel_loop3A_213 : i32
        %parallel_loop3A_217 = vector.broadcast %parallel_loop3A_216 : i32 to vector<16xi32>
        %parallel_loop3A_218 = arith.addi %parallel_loop3A_215, %parallel_loop3A_217 : vector<16xi32>
        %parallel_loop3A_219 = tpu.vector_load_idx %arg9[%parallel_loop3A_218] : memref<10000xf32, #tpu.memory_space<vmem>>[vector<16xi32>], vector<16xf32>,
        %parallel_loop3A_220 = arith.index_cast %parallel_loop3A_213 : i32 to index
        %parallel_loop3A_221 = arith.constant 0 : index
        %parallel_loop3A_222 = tpu.vector_load %arg12[%parallel_loop3A_220, %parallel_loop3A_221] {strides = array<i32>} : memref<40x128xf32, #tpu.memory_space<vmem>>, vector<16xf32>,
        %parallel_loop3A_223 = arith.mulf %parallel_loop3A_222, %parallel_loop3A_219 : vector<16xf32>
        %parallel_loop3A_224 = arith.index_cast %parallel_loop3A_213 : i32 to index
        %parallel_loop3A_225 = arith.constant 0 : index
        %parallel_loop3A_226 = tpu.vector_load %arg12[%parallel_loop3A_224, %parallel_loop3A_225] {strides = array<i32>} : memref<40x128xf32, #tpu.memory_space<vmem>>, vector<16xf32>,
        tpu.vector_store %arg12[%parallel_loop3A_224, %parallel_loop3A_225], %parallel_loop3A_223 {strides = array<i32>} : memref<40x128xf32, #tpu.memory_space<vmem>>, vector<16xf32>,
        %parallel_loop3A_227 = arith.index_cast %parallel_loop3A_213 : i32 to index
        %parallel_loop3A_228 = arith.constant 16 : index
        %parallel_loop3A_229 = tpu.vector_load %arg12[%parallel_loop3A_227, %parallel_loop3A_228] {strides = array<i32>} : memref<40x128xf32, #tpu.memory_space<vmem>>, vector<16xf32>,
        %parallel_loop3A_230 = arith.mulf %parallel_loop3A_229, %parallel_loop3A_219 : vector<16xf32>
        %parallel_loop3A_231 = arith.index_cast %parallel_loop3A_213 : i32 to index
        %parallel_loop3A_232 = arith.constant 16 : index
        %parallel_loop3A_233 = tpu.vector_load %arg12[%parallel_loop3A_231, %parallel_loop3A_232] {strides = array<i32>} : memref<40x128xf32, #tpu.memory_space<vmem>>, vector<16xf32>,
        tpu.vector_store %arg12[%parallel_loop3A_231, %parallel_loop3A_232], %parallel_loop3A_230 {strides = array<i32>} : memref<40x128xf32, #tpu.memory_space<vmem>>, vector<16xf32>,
        %parallel_loop3A_234 = arith.index_cast %parallel_loop3A_213 : i32 to index
        %parallel_loop3A_235 = arith.constant 32 : index
        %parallel_loop3A_236 = tpu.vector_load %arg12[%parallel_loop3A_234, %parallel_loop3A_235] {strides = array<i32>} : memref<40x128xf32, #tpu.memory_space<vmem>>, vector<16xf32>,
        %parallel_loop3A_237 = arith.mulf %parallel_loop3A_236, %parallel_loop3A_219 : vector<16xf32>
        %parallel_loop3A_238 = arith.index_cast %parallel_loop3A_213 : i32 to index
        %parallel_loop3A_239 = arith.constant 32 : index
        %parallel_loop3A_240 = tpu.vector_load %arg12[%parallel_loop3A_238, %parallel_loop3A_239] {strides = array<i32>} : memref<40x128xf32, #tpu.memory_space<vmem>>, vector<16xf32>,
        tpu.vector_store %arg12[%parallel_loop3A_238, %parallel_loop3A_239], %parallel_loop3A_237 {strides = array<i32>} : memref<40x128xf32, #tpu.memory_space<vmem>>, vector<16xf32>,
        %parallel_loop3A_241 = arith.index_cast %parallel_loop3A_213 : i32 to index
        %parallel_loop3A_242 = arith.constant 48 : index
        %parallel_loop3A_243 = tpu.vector_load %arg12[%parallel_loop3A_241, %parallel_loop3A_242] {strides = array<i32>} : memref<40x128xf32, #tpu.memory_space<vmem>>, vector<16xf32>,
        %parallel_loop3A_244 = arith.mulf %parallel_loop3A_243, %parallel_loop3A_219 : vector<16xf32>
        %parallel_loop3A_245 = arith.index_cast %parallel_loop3A_213 : i32 to index
        %parallel_loop3A_246 = arith.constant 48 : index
        %parallel_loop3A_247 = tpu.vector_load %arg12[%parallel_loop3A_245, %parallel_loop3A_246] {strides = array<i32>} : memref<40x128xf32, #tpu.memory_space<vmem>>, vector<16xf32>,
        tpu.vector_store %arg12[%parallel_loop3A_245, %parallel_loop3A_246], %parallel_loop3A_244 {strides = array<i32>} : memref<40x128xf32, #tpu.memory_space<vmem>>, vector<16xf32>,
        %parallel_loop3A_248 = arith.index_cast %parallel_loop3A_213 : i32 to index
        %parallel_loop3A_249 = arith.constant 64 : index
        %parallel_loop3A_250 = tpu.vector_load %arg12[%parallel_loop3A_248, %parallel_loop3A_249] {strides = array<i32>} : memref<40x128xf32, #tpu.memory_space<vmem>>, vector<16xf32>,
        %parallel_loop3A_251 = arith.mulf %parallel_loop3A_250, %parallel_loop3A_219 : vector<16xf32>
        %parallel_loop3A_252 = arith.index_cast %parallel_loop3A_213 : i32 to index
        %parallel_loop3A_253 = arith.constant 64 : index
        %parallel_loop3A_254 = tpu.vector_load %arg12[%parallel_loop3A_252, %parallel_loop3A_253] {strides = array<i32>} : memref<40x128xf32, #tpu.memory_space<vmem>>, vector<16xf32>,
        tpu.vector_store %arg12[%parallel_loop3A_252, %parallel_loop3A_253], %parallel_loop3A_251 {strides = array<i32>} : memref<40x128xf32, #tpu.memory_space<vmem>>, vector<16xf32>,
        %parallel_loop3A_255 = arith.index_cast %parallel_loop3A_213 : i32 to index
        %parallel_loop3A_256 = arith.constant 80 : index
        %parallel_loop3A_257 = tpu.vector_load %arg12[%parallel_loop3A_255, %parallel_loop3A_256] {strides = array<i32>} : memref<40x128xf32, #tpu.memory_space<vmem>>, vector<16xf32>,
        %parallel_loop3A_258 = arith.mulf %parallel_loop3A_257, %parallel_loop3A_219 : vector<16xf32>
        %parallel_loop3A_259 = arith.index_cast %parallel_loop3A_213 : i32 to index
        %parallel_loop3A_260 = arith.constant 80 : index
        %parallel_loop3A_261 = tpu.vector_load %arg12[%parallel_loop3A_259, %parallel_loop3A_260] {strides = array<i32>} : memref<40x128xf32, #tpu.memory_space<vmem>>, vector<16xf32>,
        tpu.vector_store %arg12[%parallel_loop3A_259, %parallel_loop3A_260], %parallel_loop3A_258 {strides = array<i32>} : memref<40x128xf32, #tpu.memory_space<vmem>>, vector<16xf32>,
        %parallel_loop3A_262 = arith.index_cast %parallel_loop3A_213 : i32 to index
        %parallel_loop3A_263 = arith.constant 96 : index
        %parallel_loop3A_264 = tpu.vector_load %arg12[%parallel_loop3A_262, %parallel_loop3A_263] {strides = array<i32>} : memref<40x128xf32, #tpu.memory_space<vmem>>, vector<16xf32>,
        %parallel_loop3A_265 = arith.mulf %parallel_loop3A_264, %parallel_loop3A_219 : vector<16xf32>
        %parallel_loop3A_266 = arith.index_cast %parallel_loop3A_213 : i32 to index
        %parallel_loop3A_267 = arith.constant 96 : index
        %parallel_loop3A_268 = tpu.vector_load %arg12[%parallel_loop3A_266, %parallel_loop3A_267] {strides = array<i32>} : memref<40x128xf32, #tpu.memory_space<vmem>>, vector<16xf32>,
        tpu.vector_store %arg12[%parallel_loop3A_266, %parallel_loop3A_267], %parallel_loop3A_265 {strides = array<i32>} : memref<40x128xf32, #tpu.memory_space<vmem>>, vector<16xf32>,
        %parallel_loop3A_269 = arith.index_cast %parallel_loop3A_213 : i32 to index
        %parallel_loop3A_270 = arith.constant 112 : index
        %parallel_loop3A_271 = tpu.vector_load %arg12[%parallel_loop3A_269, %parallel_loop3A_270] {strides = array<i32>} : memref<40x128xf32, #tpu.memory_space<vmem>>, vector<16xf32>,
        %parallel_loop3A_272 = arith.mulf %parallel_loop3A_271, %parallel_loop3A_219 : vector<16xf32>
        %parallel_loop3A_273 = arith.index_cast %parallel_loop3A_213 : i32 to index
        %parallel_loop3A_274 = arith.constant 112 : index
        %parallel_loop3A_275 = tpu.vector_load %arg12[%parallel_loop3A_273, %parallel_loop3A_274] {strides = array<i32>} : memref<40x128xf32, #tpu.memory_space<vmem>>, vector<16xf32>,
        tpu.vector_store %arg12[%parallel_loop3A_273, %parallel_loop3A_274], %parallel_loop3A_272 {strides = array<i32>} : memref<40x128xf32, #tpu.memory_space<vmem>>, vector<16xf32>,
      } {sc.loop_unroll_factor = 4 : i64, sc.parallel_access}
      %mul3A_179 = arith.constant 40 : i32
      %mul3A_180 = arith.muli %add3A_158, %mul3A_179 : i32
      %dma_start3A_181 = tpu.memref_slice %arg8[%mul3A_180] : memref<10000xi32, #tpu.memory_space<vmem>> -> memref<40xi32, #tpu.memory_space<vmem>>
      %dma_start3A_182 = arith.constant 0 : i32
      %dma_start3A_183 = arith.constant 0 : i32
      %dma_start3A_184 = tpu.memref_slice %arg14[%dma_start3A_182, %dma_start3A_183] : memref<10000x128xf32, #tpu.memory_space<vmem_shared>> -> memref<10000x128xf32, #tpu.memory_space<vmem_shared>>
      tpu.enqueue_indirect_dma source(%arg12 : memref<40x128xf32, #tpu.memory_space<vmem>>) target(%dma_start3A_184 : memref<10000x128xf32, #tpu.memory_space<vmem_shared>>) offsets(%dma_start3A_181 : memref<40xi32, #tpu.memory_space<vmem>>) semaphore(%arg21 : memref<!tpu.dma_semaphore, #tpu.memory_space<semaphore_mem>>) {add = true}
      %add3A_185 = arith.constant 3 : i32
      %add3A_186 = arith.addi %mul3A_104, %add3A_185 : i32
      %mul3A_187 = arith.constant 40 : i32
      %mul3A_188 = arith.muli %add3A_186, %mul3A_187 : i32
      %dma_wait3A_189 = tpu.memref_slice %arg7[%mul3A_188] : memref<10000xi32, #tpu.memory_space<vmem>> -> memref<40xi32, #tpu.memory_space<vmem>>
      %dma_wait3A_190 = arith.constant 0 : i32
      %dma_wait3A_191 = arith.constant 0 : i32
      %dma_wait3A_192 = tpu.memref_slice %arg2[%dma_wait3A_190, %dma_wait3A_191] : memref<10000x128xf32, #tpu.memory_space<hbm>> -> memref<10000x128xf32, #tpu.memory_space<hbm>>
      tpu.wait_indirect_dma semaphore(%arg18 : memref<!tpu.dma_semaphore, #tpu.memory_space<semaphore_mem>>) src(%dma_wait3A_192 : memref<10000x128xf32, #tpu.memory_space<hbm>>) dst(%arg13 : memref<40x128xf32, #tpu.memory_space<vmem>>)
      %add3A_193 = arith.constant 4 : i32
      %add3A_194 = arith.addi %add3A_186, %add3A_193 : i32
      %sub3A_195 = arith.constant 1 : i32
      %sub3A_196 = arith.subi %add3A_194, %sub3A_195 : i32
      %lt3A_197 = arith.constant 250 : i32
      %lt3A_198 = arith.cmpi slt, %sub3A_196, %lt3A_197 : i32
      %convert_element_type3A_199 = arith.extui %lt3A_198 : i1 to i32
      %cond3A_200 = arith.constant 0 : i32
      %cond3A_201 = arith.cmpi ne, %convert_element_type3A_199, %cond3A_200 : i32
      scf.if %cond3A_201 {
        %ge3A = arith.constant 1 : i32
        %ge3A_213 = arith.cmpi sge, %add3A_186, %ge3A : i32
        %convert_element_type3A_214 = arith.extui %ge3A_213 : i1 to i32
        %cond3A_215 = arith.constant 0 : i32
        %cond3A_216 = arith.cmpi ne, %convert_element_type3A_214, %cond3A_215 : i32
        scf.if %cond3A_216 {
          %sub3A_227 = arith.constant 1 : i32
          %sub3A_228 = arith.subi %add3A_186, %sub3A_227 : i32
          %mul3A_229 = arith.constant 40 : i32
          %mul3A_230 = arith.muli %sub3A_228, %mul3A_229 : i32
          %dma_wait3A_231 = tpu.memref_slice %arg8[%mul3A_230] : memref<10000xi32, #tpu.memory_space<vmem>> -> memref<40xi32, #tpu.memory_space<vmem>>
          %dma_wait3A_232 = arith.constant 0 : i32
          %dma_wait3A_233 = arith.constant 0 : i32
          %dma_wait3A_234 = tpu.memref_slice %arg14[%dma_wait3A_232, %dma_wait3A_233] : memref<10000x128xf32, #tpu.memory_space<vmem_shared>> -> memref<10000x128xf32, #tpu.memory_space<vmem_shared>>
          tpu.wait_indirect_dma semaphore(%arg21 : memref<!tpu.dma_semaphore, #tpu.memory_space<semaphore_mem>>) src(%arg12 : memref<40x128xf32, #tpu.memory_space<vmem>>) dst(%dma_wait3A_234 : memref<10000x128xf32, #tpu.memory_space<vmem_shared>>)
        } else {
        }
        %add3A_217 = arith.constant 4 : i32
        %add3A_218 = arith.addi %add3A_186, %add3A_217 : i32
        %sub3A_219 = arith.constant 1 : i32
        %sub3A_220 = arith.subi %add3A_218, %sub3A_219 : i32
        %mul3A_221 = arith.constant 40 : i32
        %mul3A_222 = arith.muli %sub3A_220, %mul3A_221 : i32
        %dma_start3A_223 = tpu.memref_slice %arg7[%mul3A_222] : memref<10000xi32, #tpu.memory_space<vmem>> -> memref<40xi32, #tpu.memory_space<vmem>>
        %dma_start3A_224 = arith.constant 0 : i32
        %dma_start3A_225 = arith.constant 0 : i32
        %dma_start3A_226 = tpu.memref_slice %arg2[%dma_start3A_224, %dma_start3A_225] : memref<10000x128xf32, #tpu.memory_space<hbm>> -> memref<10000x128xf32, #tpu.memory_space<hbm>>
        tpu.enqueue_indirect_dma source(%dma_start3A_226 : memref<10000x128xf32, #tpu.memory_space<hbm>>) target(%arg12 : memref<40x128xf32, #tpu.memory_space<vmem>>) offsets(%dma_start3A_223 : memref<40xi32, #tpu.memory_space<vmem>>) semaphore(%arg17 : memref<!tpu.dma_semaphore, #tpu.memory_space<semaphore_mem>>)
      } else {
      }
      %mul3A_202 = arith.constant 40 : i32
      %mul3A_203 = arith.muli %add3A_186, %mul3A_202 : i32
      %parallel_loop3A_204 = arith.constant 0 : i32
      %parallel_loop3A_205 = arith.constant 40 : i32
      %parallel_loop3A_206 = arith.constant 1 : i32
      scf.for %parallel_loop3A_213 = %parallel_loop3A_204 to %parallel_loop3A_205 step %parallel_loop3A_206  : i32 {
        %parallel_loop3A_214 = arith.constant 0 : i32
        %parallel_loop3A_215 = vector.broadcast %parallel_loop3A_214 : i32 to vector<16xi32>
        %parallel_loop3A_216 = arith.addi %mul3A_203, %parallel_loop3A_213 : i32
        %parallel_loop3A_217 = vector.broadcast %parallel_loop3A_216 : i32 to vector<16xi32>
        %parallel_loop3A_218 = arith.addi %parallel_loop3A_215, %parallel_loop3A_217 : vector<16xi32>
        %parallel_loop3A_219 = tpu.vector_load_idx %arg9[%parallel_loop3A_218] : memref<10000xf32, #tpu.memory_space<vmem>>[vector<16xi32>], vector<16xf32>,
        %parallel_loop3A_220 = arith.index_cast %parallel_loop3A_213 : i32 to index
        %parallel_loop3A_221 = arith.constant 0 : index
        %parallel_loop3A_222 = tpu.vector_load %arg13[%parallel_loop3A_220, %parallel_loop3A_221] {strides = array<i32>} : memref<40x128xf32, #tpu.memory_space<vmem>>, vector<16xf32>,
        %parallel_loop3A_223 = arith.mulf %parallel_loop3A_222, %parallel_loop3A_219 : vector<16xf32>
        %parallel_loop3A_224 = arith.index_cast %parallel_loop3A_213 : i32 to index
        %parallel_loop3A_225 = arith.constant 0 : index
        %parallel_loop3A_226 = tpu.vector_load %arg13[%parallel_loop3A_224, %parallel_loop3A_225] {strides = array<i32>} : memref<40x128xf32, #tpu.memory_space<vmem>>, vector<16xf32>,
        tpu.vector_store %arg13[%parallel_loop3A_224, %parallel_loop3A_225], %parallel_loop3A_223 {strides = array<i32>} : memref<40x128xf32, #tpu.memory_space<vmem>>, vector<16xf32>,
        %parallel_loop3A_227 = arith.index_cast %parallel_loop3A_213 : i32 to index
        %parallel_loop3A_228 = arith.constant 16 : index
        %parallel_loop3A_229 = tpu.vector_load %arg13[%parallel_loop3A_227, %parallel_loop3A_228] {strides = array<i32>} : memref<40x128xf32, #tpu.memory_space<vmem>>, vector<16xf32>,
        %parallel_loop3A_230 = arith.mulf %parallel_loop3A_229, %parallel_loop3A_219 : vector<16xf32>
        %parallel_loop3A_231 = arith.index_cast %parallel_loop3A_213 : i32 to index
        %parallel_loop3A_232 = arith.constant 16 : index
        %parallel_loop3A_233 = tpu.vector_load %arg13[%parallel_loop3A_231, %parallel_loop3A_232] {strides = array<i32>} : memref<40x128xf32, #tpu.memory_space<vmem>>, vector<16xf32>,
        tpu.vector_store %arg13[%parallel_loop3A_231, %parallel_loop3A_232], %parallel_loop3A_230 {strides = array<i32>} : memref<40x128xf32, #tpu.memory_space<vmem>>, vector<16xf32>,
        %parallel_loop3A_234 = arith.index_cast %parallel_loop3A_213 : i32 to index
        %parallel_loop3A_235 = arith.constant 32 : index
        %parallel_loop3A_236 = tpu.vector_load %arg13[%parallel_loop3A_234, %parallel_loop3A_235] {strides = array<i32>} : memref<40x128xf32, #tpu.memory_space<vmem>>, vector<16xf32>,
        %parallel_loop3A_237 = arith.mulf %parallel_loop3A_236, %parallel_loop3A_219 : vector<16xf32>
        %parallel_loop3A_238 = arith.index_cast %parallel_loop3A_213 : i32 to index
        %parallel_loop3A_239 = arith.constant 32 : index
        %parallel_loop3A_240 = tpu.vector_load %arg13[%parallel_loop3A_238, %parallel_loop3A_239] {strides = array<i32>} : memref<40x128xf32, #tpu.memory_space<vmem>>, vector<16xf32>,
        tpu.vector_store %arg13[%parallel_loop3A_238, %parallel_loop3A_239], %parallel_loop3A_237 {strides = array<i32>} : memref<40x128xf32, #tpu.memory_space<vmem>>, vector<16xf32>,
        %parallel_loop3A_241 = arith.index_cast %parallel_loop3A_213 : i32 to index
        %parallel_loop3A_242 = arith.constant 48 : index
        %parallel_loop3A_243 = tpu.vector_load %arg13[%parallel_loop3A_241, %parallel_loop3A_242] {strides = array<i32>} : memref<40x128xf32, #tpu.memory_space<vmem>>, vector<16xf32>,
        %parallel_loop3A_244 = arith.mulf %parallel_loop3A_243, %parallel_loop3A_219 : vector<16xf32>
        %parallel_loop3A_245 = arith.index_cast %parallel_loop3A_213 : i32 to index
        %parallel_loop3A_246 = arith.constant 48 : index
        %parallel_loop3A_247 = tpu.vector_load %arg13[%parallel_loop3A_245, %parallel_loop3A_246] {strides = array<i32>} : memref<40x128xf32, #tpu.memory_space<vmem>>, vector<16xf32>,
        tpu.vector_store %arg13[%parallel_loop3A_245, %parallel_loop3A_246], %parallel_loop3A_244 {strides = array<i32>} : memref<40x128xf32, #tpu.memory_space<vmem>>, vector<16xf32>,
        %parallel_loop3A_248 = arith.index_cast %parallel_loop3A_213 : i32 to index
        %parallel_loop3A_249 = arith.constant 64 : index
        %parallel_loop3A_250 = tpu.vector_load %arg13[%parallel_loop3A_248, %parallel_loop3A_249] {strides = array<i32>} : memref<40x128xf32, #tpu.memory_space<vmem>>, vector<16xf32>,
        %parallel_loop3A_251 = arith.mulf %parallel_loop3A_250, %parallel_loop3A_219 : vector<16xf32>
        %parallel_loop3A_252 = arith.index_cast %parallel_loop3A_213 : i32 to index
        %parallel_loop3A_253 = arith.constant 64 : index
        %parallel_loop3A_254 = tpu.vector_load %arg13[%parallel_loop3A_252, %parallel_loop3A_253] {strides = array<i32>} : memref<40x128xf32, #tpu.memory_space<vmem>>, vector<16xf32>,
        tpu.vector_store %arg13[%parallel_loop3A_252, %parallel_loop3A_253], %parallel_loop3A_251 {strides = array<i32>} : memref<40x128xf32, #tpu.memory_space<vmem>>, vector<16xf32>,
        %parallel_loop3A_255 = arith.index_cast %parallel_loop3A_213 : i32 to index
        %parallel_loop3A_256 = arith.constant 80 : index
        %parallel_loop3A_257 = tpu.vector_load %arg13[%parallel_loop3A_255, %parallel_loop3A_256] {strides = array<i32>} : memref<40x128xf32, #tpu.memory_space<vmem>>, vector<16xf32>,
        %parallel_loop3A_258 = arith.mulf %parallel_loop3A_257, %parallel_loop3A_219 : vector<16xf32>
        %parallel_loop3A_259 = arith.index_cast %parallel_loop3A_213 : i32 to index
        %parallel_loop3A_260 = arith.constant 80 : index
        %parallel_loop3A_261 = tpu.vector_load %arg13[%parallel_loop3A_259, %parallel_loop3A_260] {strides = array<i32>} : memref<40x128xf32, #tpu.memory_space<vmem>>, vector<16xf32>,
        tpu.vector_store %arg13[%parallel_loop3A_259, %parallel_loop3A_260], %parallel_loop3A_258 {strides = array<i32>} : memref<40x128xf32, #tpu.memory_space<vmem>>, vector<16xf32>,
        %parallel_loop3A_262 = arith.index_cast %parallel_loop3A_213 : i32 to index
        %parallel_loop3A_263 = arith.constant 96 : index
        %parallel_loop3A_264 = tpu.vector_load %arg13[%parallel_loop3A_262, %parallel_loop3A_263] {strides = array<i32>} : memref<40x128xf32, #tpu.memory_space<vmem>>, vector<16xf32>,
        %parallel_loop3A_265 = arith.mulf %parallel_loop3A_264, %parallel_loop3A_219 : vector<16xf32>
        %parallel_loop3A_266 = arith.index_cast %parallel_loop3A_213 : i32 to index
        %parallel_loop3A_267 = arith.constant 96 : index
        %parallel_loop3A_268 = tpu.vector_load %arg13[%parallel_loop3A_266, %parallel_loop3A_267] {strides = array<i32>} : memref<40x128xf32, #tpu.memory_space<vmem>>, vector<16xf32>,
        tpu.vector_store %arg13[%parallel_loop3A_266, %parallel_loop3A_267], %parallel_loop3A_265 {strides = array<i32>} : memref<40x128xf32, #tpu.memory_space<vmem>>, vector<16xf32>,
        %parallel_loop3A_269 = arith.index_cast %parallel_loop3A_213 : i32 to index
        %parallel_loop3A_270 = arith.constant 112 : index
        %parallel_loop3A_271 = tpu.vector_load %arg13[%parallel_loop3A_269, %parallel_loop3A_270] {strides = array<i32>} : memref<40x128xf32, #tpu.memory_space<vmem>>, vector<16xf32>,
        %parallel_loop3A_272 = arith.mulf %parallel_loop3A_271, %parallel_loop3A_219 : vector<16xf32>
        %parallel_loop3A_273 = arith.index_cast %parallel_loop3A_213 : i32 to index
        %parallel_loop3A_274 = arith.constant 112 : index
        %parallel_loop3A_275 = tpu.vector_load %arg13[%parallel_loop3A_273, %parallel_loop3A_274] {strides = array<i32>} : memref<40x128xf32, #tpu.memory_space<vmem>>, vector<16xf32>,
        tpu.vector_store %arg13[%parallel_loop3A_273, %parallel_loop3A_274], %parallel_loop3A_272 {strides = array<i32>} : memref<40x128xf32, #tpu.memory_space<vmem>>, vector<16xf32>,
      } {sc.loop_unroll_factor = 4 : i64, sc.parallel_access}
      %mul3A_207 = arith.constant 40 : i32
      %mul3A_208 = arith.muli %add3A_186, %mul3A_207 : i32
      %dma_start3A_209 = tpu.memref_slice %arg8[%mul3A_208] : memref<10000xi32, #tpu.memory_space<vmem>> -> memref<40xi32, #tpu.memory_space<vmem>>
      %dma_start3A_210 = arith.constant 0 : i32
      %dma_start3A_211 = arith.constant 0 : i32
      %dma_start3A_212 = tpu.memref_slice %arg14[%dma_start3A_210, %dma_start3A_211] : memref<10000x128xf32, #tpu.memory_space<vmem_shared>> -> memref<10000x128xf32, #tpu.memory_space<vmem_shared>>
      tpu.enqueue_indirect_dma source(%arg13 : memref<40x128xf32, #tpu.memory_space<vmem>>) target(%dma_start3A_212 : memref<10000x128xf32, #tpu.memory_space<vmem_shared>>) offsets(%dma_start3A_209 : memref<40xi32, #tpu.memory_space<vmem>>) semaphore(%arg22 : memref<!tpu.dma_semaphore, #tpu.memory_space<semaphore_mem>>) {add = true}
    }
    %scan3A_46 = arith.constant 62 : i32
    %dma_wait3A_47 = arith.constant 9920 : i32
    %dma_wait3A_48 = tpu.memref_slice %arg7[%dma_wait3A_47] : memref<10000xi32, #tpu.memory_space<vmem>> -> memref<40xi32, #tpu.memory_space<vmem>>
    %dma_wait3A_49 = arith.constant 0 : i32
    %dma_wait3A_50 = arith.constant 0 : i32
    %dma_wait3A_51 = tpu.memref_slice %arg2[%dma_wait3A_49, %dma_wait3A_50] : memref<10000x128xf32, #tpu.memory_space<hbm>> -> memref<10000x128xf32, #tpu.memory_space<hbm>>
    tpu.wait_indirect_dma semaphore(%arg15 : memref<!tpu.dma_semaphore, #tpu.memory_space<semaphore_mem>>) src(%dma_wait3A_51 : memref<10000x128xf32, #tpu.memory_space<hbm>>) dst(%arg10 : memref<40x128xf32, #tpu.memory_space<vmem>>)
    %parallel_loop3A = arith.constant 0 : i32
    %parallel_loop3A_52 = arith.constant 40 : i32
    %parallel_loop3A_53 = arith.constant 1 : i32
    scf.for %parallel_loop3A_98 = %parallel_loop3A to %parallel_loop3A_52 step %parallel_loop3A_53  : i32 {
      %parallel_loop3A_99 = arith.constant 0 : i32
      %parallel_loop3A_100 = vector.broadcast %parallel_loop3A_99 : i32 to vector<16xi32>
      %parallel_loop3A_101 = arith.constant 9920 : i32
      %parallel_loop3A_102 = arith.addi %parallel_loop3A_101, %parallel_loop3A_98 : i32
      %parallel_loop3A_103 = vector.broadcast %parallel_loop3A_102 : i32 to vector<16xi32>
      %parallel_loop3A_104 = arith.addi %parallel_loop3A_100, %parallel_loop3A_103 : vector<16xi32>
      %parallel_loop3A_105 = tpu.vector_load_idx %arg9[%parallel_loop3A_104] : memref<10000xf32, #tpu.memory_space<vmem>>[vector<16xi32>], vector<16xf32>,
      %parallel_loop3A_106 = arith.index_cast %parallel_loop3A_98 : i32 to index
      %parallel_loop3A_107 = arith.constant 0 : index
      %parallel_loop3A_108 = tpu.vector_load %arg10[%parallel_loop3A_106, %parallel_loop3A_107] {strides = array<i32>} : memref<40x128xf32, #tpu.memory_space<vmem>>, vector<16xf32>,
      %parallel_loop3A_109 = arith.mulf %parallel_loop3A_108, %parallel_loop3A_105 : vector<16xf32>
      %parallel_loop3A_110 = arith.index_cast %parallel_loop3A_98 : i32 to index
      %parallel_loop3A_111 = arith.constant 0 : index
      %parallel_loop3A_112 = tpu.vector_load %arg10[%parallel_loop3A_110, %parallel_loop3A_111] {strides = array<i32>} : memref<40x128xf32, #tpu.memory_space<vmem>>, vector<16xf32>,
      tpu.vector_store %arg10[%parallel_loop3A_110, %parallel_loop3A_111], %parallel_loop3A_109 {strides = array<i32>} : memref<40x128xf32, #tpu.memory_space<vmem>>, vector<16xf32>,
      %parallel_loop3A_113 = arith.index_cast %parallel_loop3A_98 : i32 to index
      %parallel_loop3A_114 = arith.constant 16 : index
      %parallel_loop3A_115 = tpu.vector_load %arg10[%parallel_loop3A_113, %parallel_loop3A_114] {strides = array<i32>} : memref<40x128xf32, #tpu.memory_space<vmem>>, vector<16xf32>,
      %parallel_loop3A_116 = arith.mulf %parallel_loop3A_115, %parallel_loop3A_105 : vector<16xf32>
      %parallel_loop3A_117 = arith.index_cast %parallel_loop3A_98 : i32 to index
      %parallel_loop3A_118 = arith.constant 16 : index
      %parallel_loop3A_119 = tpu.vector_load %arg10[%parallel_loop3A_117, %parallel_loop3A_118] {strides = array<i32>} : memref<40x128xf32, #tpu.memory_space<vmem>>, vector<16xf32>,
      tpu.vector_store %arg10[%parallel_loop3A_117, %parallel_loop3A_118], %parallel_loop3A_116 {strides = array<i32>} : memref<40x128xf32, #tpu.memory_space<vmem>>, vector<16xf32>,
      %parallel_loop3A_120 = arith.index_cast %parallel_loop3A_98 : i32 to index
      %parallel_loop3A_121 = arith.constant 32 : index
      %parallel_loop3A_122 = tpu.vector_load %arg10[%parallel_loop3A_120, %parallel_loop3A_121] {strides = array<i32>} : memref<40x128xf32, #tpu.memory_space<vmem>>, vector<16xf32>,
      %parallel_loop3A_123 = arith.mulf %parallel_loop3A_122, %parallel_loop3A_105 : vector<16xf32>
      %parallel_loop3A_124 = arith.index_cast %parallel_loop3A_98 : i32 to index
      %parallel_loop3A_125 = arith.constant 32 : index
      %parallel_loop3A_126 = tpu.vector_load %arg10[%parallel_loop3A_124, %parallel_loop3A_125] {strides = array<i32>} : memref<40x128xf32, #tpu.memory_space<vmem>>, vector<16xf32>,
      tpu.vector_store %arg10[%parallel_loop3A_124, %parallel_loop3A_125], %parallel_loop3A_123 {strides = array<i32>} : memref<40x128xf32, #tpu.memory_space<vmem>>, vector<16xf32>,
      %parallel_loop3A_127 = arith.index_cast %parallel_loop3A_98 : i32 to index
      %parallel_loop3A_128 = arith.constant 48 : index
      %parallel_loop3A_129 = tpu.vector_load %arg10[%parallel_loop3A_127, %parallel_loop3A_128] {strides = array<i32>} : memref<40x128xf32, #tpu.memory_space<vmem>>, vector<16xf32>,
      %parallel_loop3A_130 = arith.mulf %parallel_loop3A_129, %parallel_loop3A_105 : vector<16xf32>
      %parallel_loop3A_131 = arith.index_cast %parallel_loop3A_98 : i32 to index
      %parallel_loop3A_132 = arith.constant 48 : index
      %parallel_loop3A_133 = tpu.vector_load %arg10[%parallel_loop3A_131, %parallel_loop3A_132] {strides = array<i32>} : memref<40x128xf32, #tpu.memory_space<vmem>>, vector<16xf32>,
      tpu.vector_store %arg10[%parallel_loop3A_131, %parallel_loop3A_132], %parallel_loop3A_130 {strides = array<i32>} : memref<40x128xf32, #tpu.memory_space<vmem>>, vector<16xf32>,
      %parallel_loop3A_134 = arith.index_cast %parallel_loop3A_98 : i32 to index
      %parallel_loop3A_135 = arith.constant 64 : index
      %parallel_loop3A_136 = tpu.vector_load %arg10[%parallel_loop3A_134, %parallel_loop3A_135] {strides = array<i32>} : memref<40x128xf32, #tpu.memory_space<vmem>>, vector<16xf32>,
      %parallel_loop3A_137 = arith.mulf %parallel_loop3A_136, %parallel_loop3A_105 : vector<16xf32>
      %parallel_loop3A_138 = arith.index_cast %parallel_loop3A_98 : i32 to index
      %parallel_loop3A_139 = arith.constant 64 : index
      %parallel_loop3A_140 = tpu.vector_load %arg10[%parallel_loop3A_138, %parallel_loop3A_139] {strides = array<i32>} : memref<40x128xf32, #tpu.memory_space<vmem>>, vector<16xf32>,
      tpu.vector_store %arg10[%parallel_loop3A_138, %parallel_loop3A_139], %parallel_loop3A_137 {strides = array<i32>} : memref<40x128xf32, #tpu.memory_space<vmem>>, vector<16xf32>,
      %parallel_loop3A_141 = arith.index_cast %parallel_loop3A_98 : i32 to index
      %parallel_loop3A_142 = arith.constant 80 : index
      %parallel_loop3A_143 = tpu.vector_load %arg10[%parallel_loop3A_141, %parallel_loop3A_142] {strides = array<i32>} : memref<40x128xf32, #tpu.memory_space<vmem>>, vector<16xf32>,
      %parallel_loop3A_144 = arith.mulf %parallel_loop3A_143, %parallel_loop3A_105 : vector<16xf32>
      %parallel_loop3A_145 = arith.index_cast %parallel_loop3A_98 : i32 to index
      %parallel_loop3A_146 = arith.constant 80 : index
      %parallel_loop3A_147 = tpu.vector_load %arg10[%parallel_loop3A_145, %parallel_loop3A_146] {strides = array<i32>} : memref<40x128xf32, #tpu.memory_space<vmem>>, vector<16xf32>,
      tpu.vector_store %arg10[%parallel_loop3A_145, %parallel_loop3A_146], %parallel_loop3A_144 {strides = array<i32>} : memref<40x128xf32, #tpu.memory_space<vmem>>, vector<16xf32>,
      %parallel_loop3A_148 = arith.index_cast %parallel_loop3A_98 : i32 to index
      %parallel_loop3A_149 = arith.constant 96 : index
      %parallel_loop3A_150 = tpu.vector_load %arg10[%parallel_loop3A_148, %parallel_loop3A_149] {strides = array<i32>} : memref<40x128xf32, #tpu.memory_space<vmem>>, vector<16xf32>,
      %parallel_loop3A_151 = arith.mulf %parallel_loop3A_150, %parallel_loop3A_105 : vector<16xf32>
      %parallel_loop3A_152 = arith.index_cast %parallel_loop3A_98 : i32 to index
      %parallel_loop3A_153 = arith.constant 96 : index
      %parallel_loop3A_154 = tpu.vector_load %arg10[%parallel_loop3A_152, %parallel_loop3A_153] {strides = array<i32>} : memref<40x128xf32, #tpu.memory_space<vmem>>, vector<16xf32>,
      tpu.vector_store %arg10[%parallel_loop3A_152, %parallel_loop3A_153], %parallel_loop3A_151 {strides = array<i32>} : memref<40x128xf32, #tpu.memory_space<vmem>>, vector<16xf32>,
      %parallel_loop3A_155 = arith.index_cast %parallel_loop3A_98 : i32 to index
      %parallel_loop3A_156 = arith.constant 112 : index
      %parallel_loop3A_157 = tpu.vector_load %arg10[%parallel_loop3A_155, %parallel_loop3A_156] {strides = array<i32>} : memref<40x128xf32, #tpu.memory_space<vmem>>, vector<16xf32>,
      %parallel_loop3A_158 = arith.mulf %parallel_loop3A_157, %parallel_loop3A_105 : vector<16xf32>
      %parallel_loop3A_159 = arith.index_cast %parallel_loop3A_98 : i32 to index
      %parallel_loop3A_160 = arith.constant 112 : index
      %parallel_loop3A_161 = tpu.vector_load %arg10[%parallel_loop3A_159, %parallel_loop3A_160] {strides = array<i32>} : memref<40x128xf32, #tpu.memory_space<vmem>>, vector<16xf32>,
      tpu.vector_store %arg10[%parallel_loop3A_159, %parallel_loop3A_160], %parallel_loop3A_158 {strides = array<i32>} : memref<40x128xf32, #tpu.memory_space<vmem>>, vector<16xf32>,
    } {sc.loop_unroll_factor = 4 : i64, sc.parallel_access}
    %dma_start3A_54 = arith.constant 9920 : i32
    %dma_start3A_55 = tpu.memref_slice %arg8[%dma_start3A_54] : memref<10000xi32, #tpu.memory_space<vmem>> -> memref<40xi32, #tpu.memory_space<vmem>>
    %dma_start3A_56 = arith.constant 0 : i32
    %dma_start3A_57 = arith.constant 0 : i32
    %dma_start3A_58 = tpu.memref_slice %arg14[%dma_start3A_56, %dma_start3A_57] : memref<10000x128xf32, #tpu.memory_space<vmem_shared>> -> memref<10000x128xf32, #tpu.memory_space<vmem_shared>>
    tpu.enqueue_indirect_dma source(%arg10 : memref<40x128xf32, #tpu.memory_space<vmem>>) target(%dma_start3A_58 : memref<10000x128xf32, #tpu.memory_space<vmem_shared>>) offsets(%dma_start3A_55 : memref<40xi32, #tpu.memory_space<vmem>>) semaphore(%arg19 : memref<!tpu.dma_semaphore, #tpu.memory_space<semaphore_mem>>) {add = true}
    %dma_wait3A_59 = arith.constant 9960 : i32
    %dma_wait3A_60 = tpu.memref_slice %arg7[%dma_wait3A_59] : memref<10000xi32, #tpu.memory_space<vmem>> -> memref<40xi32, #tpu.memory_space<vmem>>
    %dma_wait3A_61 = arith.constant 0 : i32
    %dma_wait3A_62 = arith.constant 0 : i32
    %dma_wait3A_63 = tpu.memref_slice %arg2[%dma_wait3A_61, %dma_wait3A_62] : memref<10000x128xf32, #tpu.memory_space<hbm>> -> memref<10000x128xf32, #tpu.memory_space<hbm>>
    tpu.wait_indirect_dma semaphore(%arg16 : memref<!tpu.dma_semaphore, #tpu.memory_space<semaphore_mem>>) src(%dma_wait3A_63 : memref<10000x128xf32, #tpu.memory_space<hbm>>) dst(%arg11 : memref<40x128xf32, #tpu.memory_space<vmem>>)
    %parallel_loop3A_64 = arith.constant 0 : i32
    %parallel_loop3A_65 = arith.constant 40 : i32
    %parallel_loop3A_66 = arith.constant 1 : i32
    scf.for %parallel_loop3A_98 = %parallel_loop3A_64 to %parallel_loop3A_65 step %parallel_loop3A_66  : i32 {
      %parallel_loop3A_99 = arith.constant 0 : i32
      %parallel_loop3A_100 = vector.broadcast %parallel_loop3A_99 : i32 to vector<16xi32>
      %parallel_loop3A_101 = arith.constant 9960 : i32
      %parallel_loop3A_102 = arith.addi %parallel_loop3A_101, %parallel_loop3A_98 : i32
      %parallel_loop3A_103 = vector.broadcast %parallel_loop3A_102 : i32 to vector<16xi32>
      %parallel_loop3A_104 = arith.addi %parallel_loop3A_100, %parallel_loop3A_103 : vector<16xi32>
      %parallel_loop3A_105 = tpu.vector_load_idx %arg9[%parallel_loop3A_104] : memref<10000xf32, #tpu.memory_space<vmem>>[vector<16xi32>], vector<16xf32>,
      %parallel_loop3A_106 = arith.index_cast %parallel_loop3A_98 : i32 to index
      %parallel_loop3A_107 = arith.constant 0 : index
      %parallel_loop3A_108 = tpu.vector_load %arg11[%parallel_loop3A_106, %parallel_loop3A_107] {strides = array<i32>} : memref<40x128xf32, #tpu.memory_space<vmem>>, vector<16xf32>,
      %parallel_loop3A_109 = arith.mulf %parallel_loop3A_108, %parallel_loop3A_105 : vector<16xf32>
      %parallel_loop3A_110 = arith.index_cast %parallel_loop3A_98 : i32 to index
      %parallel_loop3A_111 = arith.constant 0 : index
      %parallel_loop3A_112 = tpu.vector_load %arg11[%parallel_loop3A_110, %parallel_loop3A_111] {strides = array<i32>} : memref<40x128xf32, #tpu.memory_space<vmem>>, vector<16xf32>,
      tpu.vector_store %arg11[%parallel_loop3A_110, %parallel_loop3A_111], %parallel_loop3A_109 {strides = array<i32>} : memref<40x128xf32, #tpu.memory_space<vmem>>, vector<16xf32>,
      %parallel_loop3A_113 = arith.index_cast %parallel_loop3A_98 : i32 to index
      %parallel_loop3A_114 = arith.constant 16 : index
      %parallel_loop3A_115 = tpu.vector_load %arg11[%parallel_loop3A_113, %parallel_loop3A_114] {strides = array<i32>} : memref<40x128xf32, #tpu.memory_space<vmem>>, vector<16xf32>,
      %parallel_loop3A_116 = arith.mulf %parallel_loop3A_115, %parallel_loop3A_105 : vector<16xf32>
      %parallel_loop3A_117 = arith.index_cast %parallel_loop3A_98 : i32 to index
      %parallel_loop3A_118 = arith.constant 16 : index
      %parallel_loop3A_119 = tpu.vector_load %arg11[%parallel_loop3A_117, %parallel_loop3A_118] {strides = array<i32>} : memref<40x128xf32, #tpu.memory_space<vmem>>, vector<16xf32>,
      tpu.vector_store %arg11[%parallel_loop3A_117, %parallel_loop3A_118], %parallel_loop3A_116 {strides = array<i32>} : memref<40x128xf32, #tpu.memory_space<vmem>>, vector<16xf32>,
      %parallel_loop3A_120 = arith.index_cast %parallel_loop3A_98 : i32 to index
      %parallel_loop3A_121 = arith.constant 32 : index
      %parallel_loop3A_122 = tpu.vector_load %arg11[%parallel_loop3A_120, %parallel_loop3A_121] {strides = array<i32>} : memref<40x128xf32, #tpu.memory_space<vmem>>, vector<16xf32>,
      %parallel_loop3A_123 = arith.mulf %parallel_loop3A_122, %parallel_loop3A_105 : vector<16xf32>
      %parallel_loop3A_124 = arith.index_cast %parallel_loop3A_98 : i32 to index
      %parallel_loop3A_125 = arith.constant 32 : index
      %parallel_loop3A_126 = tpu.vector_load %arg11[%parallel_loop3A_124, %parallel_loop3A_125] {strides = array<i32>} : memref<40x128xf32, #tpu.memory_space<vmem>>, vector<16xf32>,
      tpu.vector_store %arg11[%parallel_loop3A_124, %parallel_loop3A_125], %parallel_loop3A_123 {strides = array<i32>} : memref<40x128xf32, #tpu.memory_space<vmem>>, vector<16xf32>,
      %parallel_loop3A_127 = arith.index_cast %parallel_loop3A_98 : i32 to index
      %parallel_loop3A_128 = arith.constant 48 : index
      %parallel_loop3A_129 = tpu.vector_load %arg11[%parallel_loop3A_127, %parallel_loop3A_128] {strides = array<i32>} : memref<40x128xf32, #tpu.memory_space<vmem>>, vector<16xf32>,
      %parallel_loop3A_130 = arith.mulf %parallel_loop3A_129, %parallel_loop3A_105 : vector<16xf32>
      %parallel_loop3A_131 = arith.index_cast %parallel_loop3A_98 : i32 to index
      %parallel_loop3A_132 = arith.constant 48 : index
      %parallel_loop3A_133 = tpu.vector_load %arg11[%parallel_loop3A_131, %parallel_loop3A_132] {strides = array<i32>} : memref<40x128xf32, #tpu.memory_space<vmem>>, vector<16xf32>,
      tpu.vector_store %arg11[%parallel_loop3A_131, %parallel_loop3A_132], %parallel_loop3A_130 {strides = array<i32>} : memref<40x128xf32, #tpu.memory_space<vmem>>, vector<16xf32>,
      %parallel_loop3A_134 = arith.index_cast %parallel_loop3A_98 : i32 to index
      %parallel_loop3A_135 = arith.constant 64 : index
      %parallel_loop3A_136 = tpu.vector_load %arg11[%parallel_loop3A_134, %parallel_loop3A_135] {strides = array<i32>} : memref<40x128xf32, #tpu.memory_space<vmem>>, vector<16xf32>,
      %parallel_loop3A_137 = arith.mulf %parallel_loop3A_136, %parallel_loop3A_105 : vector<16xf32>
      %parallel_loop3A_138 = arith.index_cast %parallel_loop3A_98 : i32 to index
      %parallel_loop3A_139 = arith.constant 64 : index
      %parallel_loop3A_140 = tpu.vector_load %arg11[%parallel_loop3A_138, %parallel_loop3A_139] {strides = array<i32>} : memref<40x128xf32, #tpu.memory_space<vmem>>, vector<16xf32>,
      tpu.vector_store %arg11[%parallel_loop3A_138, %parallel_loop3A_139], %parallel_loop3A_137 {strides = array<i32>} : memref<40x128xf32, #tpu.memory_space<vmem>>, vector<16xf32>,
      %parallel_loop3A_141 = arith.index_cast %parallel_loop3A_98 : i32 to index
      %parallel_loop3A_142 = arith.constant 80 : index
      %parallel_loop3A_143 = tpu.vector_load %arg11[%parallel_loop3A_141, %parallel_loop3A_142] {strides = array<i32>} : memref<40x128xf32, #tpu.memory_space<vmem>>, vector<16xf32>,
      %parallel_loop3A_144 = arith.mulf %parallel_loop3A_143, %parallel_loop3A_105 : vector<16xf32>
      %parallel_loop3A_145 = arith.index_cast %parallel_loop3A_98 : i32 to index
      %parallel_loop3A_146 = arith.constant 80 : index
      %parallel_loop3A_147 = tpu.vector_load %arg11[%parallel_loop3A_145, %parallel_loop3A_146] {strides = array<i32>} : memref<40x128xf32, #tpu.memory_space<vmem>>, vector<16xf32>,
      tpu.vector_store %arg11[%parallel_loop3A_145, %parallel_loop3A_146], %parallel_loop3A_144 {strides = array<i32>} : memref<40x128xf32, #tpu.memory_space<vmem>>, vector<16xf32>,
      %parallel_loop3A_148 = arith.index_cast %parallel_loop3A_98 : i32 to index
      %parallel_loop3A_149 = arith.constant 96 : index
      %parallel_loop3A_150 = tpu.vector_load %arg11[%parallel_loop3A_148, %parallel_loop3A_149] {strides = array<i32>} : memref<40x128xf32, #tpu.memory_space<vmem>>, vector<16xf32>,
      %parallel_loop3A_151 = arith.mulf %parallel_loop3A_150, %parallel_loop3A_105 : vector<16xf32>
      %parallel_loop3A_152 = arith.index_cast %parallel_loop3A_98 : i32 to index
      %parallel_loop3A_153 = arith.constant 96 : index
      %parallel_loop3A_154 = tpu.vector_load %arg11[%parallel_loop3A_152, %parallel_loop3A_153] {strides = array<i32>} : memref<40x128xf32, #tpu.memory_space<vmem>>, vector<16xf32>,
      tpu.vector_store %arg11[%parallel_loop3A_152, %parallel_loop3A_153], %parallel_loop3A_151 {strides = array<i32>} : memref<40x128xf32, #tpu.memory_space<vmem>>, vector<16xf32>,
      %parallel_loop3A_155 = arith.index_cast %parallel_loop3A_98 : i32 to index
      %parallel_loop3A_156 = arith.constant 112 : index
      %parallel_loop3A_157 = tpu.vector_load %arg11[%parallel_loop3A_155, %parallel_loop3A_156] {strides = array<i32>} : memref<40x128xf32, #tpu.memory_space<vmem>>, vector<16xf32>,
      %parallel_loop3A_158 = arith.mulf %parallel_loop3A_157, %parallel_loop3A_105 : vector<16xf32>
      %parallel_loop3A_159 = arith.index_cast %parallel_loop3A_98 : i32 to index
      %parallel_loop3A_160 = arith.constant 112 : index
      %parallel_loop3A_161 = tpu.vector_load %arg11[%parallel_loop3A_159, %parallel_loop3A_160] {strides = array<i32>} : memref<40x128xf32, #tpu.memory_space<vmem>>, vector<16xf32>,
      tpu.vector_store %arg11[%parallel_loop3A_159, %parallel_loop3A_160], %parallel_loop3A_158 {strides = array<i32>} : memref<40x128xf32, #tpu.memory_space<vmem>>, vector<16xf32>,
    } {sc.loop_unroll_factor = 4 : i64, sc.parallel_access}
    %dma_start3A_67 = arith.constant 9960 : i32
    %dma_start3A_68 = tpu.memref_slice %arg8[%dma_start3A_67] : memref<10000xi32, #tpu.memory_space<vmem>> -> memref<40xi32, #tpu.memory_space<vmem>>
    %dma_start3A_69 = arith.constant 0 : i32
    %dma_start3A_70 = arith.constant 0 : i32
    %dma_start3A_71 = tpu.memref_slice %arg14[%dma_start3A_69, %dma_start3A_70] : memref<10000x128xf32, #tpu.memory_space<vmem_shared>> -> memref<10000x128xf32, #tpu.memory_space<vmem_shared>>
    tpu.enqueue_indirect_dma source(%arg11 : memref<40x128xf32, #tpu.memory_space<vmem>>) target(%dma_start3A_71 : memref<10000x128xf32, #tpu.memory_space<vmem_shared>>) offsets(%dma_start3A_68 : memref<40xi32, #tpu.memory_space<vmem>>) semaphore(%arg20 : memref<!tpu.dma_semaphore, #tpu.memory_space<semaphore_mem>>) {add = true}
    %dma_wait3A_72 = arith.constant 9840 : i32
    %dma_wait3A_73 = tpu.memref_slice %arg8[%dma_wait3A_72] : memref<10000xi32, #tpu.memory_space<vmem>> -> memref<40xi32, #tpu.memory_space<vmem>>
    %dma_wait3A_74 = arith.constant 0 : i32
    %dma_wait3A_75 = arith.constant 0 : i32
    %dma_wait3A_76 = tpu.memref_slice %arg14[%dma_wait3A_74, %dma_wait3A_75] : memref<10000x128xf32, #tpu.memory_space<vmem_shared>> -> memref<10000x128xf32, #tpu.memory_space<vmem_shared>>
    tpu.wait_indirect_dma semaphore(%arg21 : memref<!tpu.dma_semaphore, #tpu.memory_space<semaphore_mem>>) src(%arg12 : memref<40x128xf32, #tpu.memory_space<vmem>>) dst(%dma_wait3A_76 : memref<10000x128xf32, #tpu.memory_space<vmem_shared>>)
    %dma_wait3A_77 = arith.constant 9880 : i32
    %dma_wait3A_78 = tpu.memref_slice %arg8[%dma_wait3A_77] : memref<10000xi32, #tpu.memory_space<vmem>> -> memref<40xi32, #tpu.memory_space<vmem>>
    %dma_wait3A_79 = arith.constant 0 : i32
    %dma_wait3A_80 = arith.constant 0 : i32
    %dma_wait3A_81 = tpu.memref_slice %arg14[%dma_wait3A_79, %dma_wait3A_80] : memref<10000x128xf32, #tpu.memory_space<vmem_shared>> -> memref<10000x128xf32, #tpu.memory_space<vmem_shared>>
    tpu.wait_indirect_dma semaphore(%arg22 : memref<!tpu.dma_semaphore, #tpu.memory_space<semaphore_mem>>) src(%arg13 : memref<40x128xf32, #tpu.memory_space<vmem>>) dst(%dma_wait3A_81 : memref<10000x128xf32, #tpu.memory_space<vmem_shared>>)
    %dma_wait3A_82 = arith.constant 9920 : i32
    %dma_wait3A_83 = tpu.memref_slice %arg8[%dma_wait3A_82] : memref<10000xi32, #tpu.memory_space<vmem>> -> memref<40xi32, #tpu.memory_space<vmem>>
    %dma_wait3A_84 = arith.constant 0 : i32
    %dma_wait3A_85 = arith.constant 0 : i32
    %dma_wait3A_86 = tpu.memref_slice %arg14[%dma_wait3A_84, %dma_wait3A_85] : memref<10000x128xf32, #tpu.memory_space<vmem_shared>> -> memref<10000x128xf32, #tpu.memory_space<vmem_shared>>
    tpu.wait_indirect_dma semaphore(%arg19 : memref<!tpu.dma_semaphore, #tpu.memory_space<semaphore_mem>>) src(%arg10 : memref<40x128xf32, #tpu.memory_space<vmem>>) dst(%dma_wait3A_86 : memref<10000x128xf32, #tpu.memory_space<vmem_shared>>)
    %dma_wait3A_87 = arith.constant 9960 : i32
    %dma_wait3A_88 = tpu.memref_slice %arg8[%dma_wait3A_87] : memref<10000xi32, #tpu.memory_space<vmem>> -> memref<40xi32, #tpu.memory_space<vmem>>
    %dma_wait3A_89 = arith.constant 0 : i32
    %dma_wait3A_90 = arith.constant 0 : i32
    %dma_wait3A_91 = tpu.memref_slice %arg14[%dma_wait3A_89, %dma_wait3A_90] : memref<10000x128xf32, #tpu.memory_space<vmem_shared>> -> memref<10000x128xf32, #tpu.memory_space<vmem_shared>>
    tpu.wait_indirect_dma semaphore(%arg20 : memref<!tpu.dma_semaphore, #tpu.memory_space<semaphore_mem>>) src(%arg11 : memref<40x128xf32, #tpu.memory_space<vmem>>) dst(%dma_wait3A_91 : memref<10000x128xf32, #tpu.memory_space<vmem_shared>>)
    %barrier3A_92 = arith.constant 0 : index
    tpu.barrier barrier_id(%barrier3A_92)
    %scan3A_93 = arith.constant 0 : i32
    %scan3A_94 = arith.constant 16 : i32
    %scan3A_95 = arith.addi %scan3A_93, %scan3A_94 : i32
    %scan3A_96 = arith.constant 1 : i32
    scf.for %scan3A_98 = %scan3A_93 to %scan3A_95 step %scan3A_96  : i32 {
      %mul3A_99 = arith.constant 1 : i32
      %mul3A_100 = arith.muli %scan3A_98, %mul3A_99 : i32
      %add3A_101 = arith.constant 0 : i32
      %add3A_102 = arith.addi %add3A_101, %mul3A_100 : i32
      %mul3A_103 = arith.constant 16 : i32
      %mul3A_104 = arith.muli %add3A_102, %mul3A_103 : i32
      %add3A_105 = arith.addi %mul3A_104, %arg1 : i32
      %lt3A = arith.constant 250 : i32
      %lt3A_106 = arith.cmpi slt, %add3A_105, %lt3A : i32
      %convert_element_type3A = arith.extui %lt3A_106 : i1 to i32
      %cond3A = arith.constant 0 : i32
      %cond3A_107 = arith.cmpi ne, %convert_element_type3A, %cond3A : i32
      scf.if %cond3A_107 {
        %mul3A_108 = arith.constant 40 : i32
        %mul3A_109 = arith.muli %add3A_105, %mul3A_108 : i32
        %mul3A_110 = arith.constant 40 : i32
        %mul3A_111 = arith.muli %add3A_105, %mul3A_110 : i32
        "tpu.region"() ({
          %run_scoped3A = tpu.sem_alloc : memref<!tpu.dma_semaphore, #tpu.memory_space<semaphore_mem>>
          %dma_start3A_112 = arith.constant 0 : i32
          %dma_start3A_113 = tpu.memref_slice %arg6[%arg0, %mul3A_111, %dma_start3A_112] : memref<2x10000x128xf32, #tpu.memory_space<hbm>> -> memref<1x40x128xf32, #tpu.memory_space<hbm>>
          %dma_start3A_114 = tpu.memref_squeeze %dma_start3A_113 : memref<1x40x128xf32, #tpu.memory_space<hbm>> -> memref<40x128xf32, #tpu.memory_space<hbm>>
          %dma_start3A_115 = arith.constant 0 : i32
          %dma_start3A_116 = tpu.memref_slice %arg14[%mul3A_109, %dma_start3A_115] : memref<10000x128xf32, #tpu.memory_space<vmem_shared>> -> memref<40x128xf32, #tpu.memory_space<vmem_shared>>
          tpu.enqueue_dma source(%dma_start3A_116 : memref<40x128xf32, #tpu.memory_space<vmem_shared>>) target(%dma_start3A_114 : memref<40x128xf32, #tpu.memory_space<hbm>>) target_semaphore(%run_scoped3A : memref<!tpu.dma_semaphore, #tpu.memory_space<semaphore_mem>>)
          %dma_wait3A_117 = arith.constant 0 : i32
          %dma_wait3A_118 = tpu.memref_slice %arg6[%arg0, %mul3A_111, %dma_wait3A_117] : memref<2x10000x128xf32, #tpu.memory_space<hbm>> -> memref<1x40x128xf32, #tpu.memory_space<hbm>>
          %dma_wait3A_119 = tpu.memref_squeeze %dma_wait3A_118 : memref<1x40x128xf32, #tpu.memory_space<hbm>> -> memref<40x128xf32, #tpu.memory_space<hbm>>
          %dma_wait3A_120 = arith.constant 0 : i32
          %dma_wait3A_121 = tpu.memref_slice %arg14[%mul3A_109, %dma_wait3A_120] : memref<10000x128xf32, #tpu.memory_space<vmem_shared>> -> memref<40x128xf32, #tpu.memory_space<vmem_shared>>
          tpu.wait_dma2 semaphore(%run_scoped3A : memref<!tpu.dma_semaphore, #tpu.memory_space<semaphore_mem>>) src(%dma_wait3A_121 : memref<40x128xf32, #tpu.memory_space<vmem_shared>>) dst(%dma_wait3A_119 : memref<40x128xf32, #tpu.memory_space<hbm>>)
          tpu.yield
        }) : () -> ()
      } else {
      }
    }
    %scan3A_97 = arith.constant 16 : i32
    return
  }
}

module attributes {stable_mosaic.version = 14 : i64} {
  func.func @_proj_kernel(%arg0: i32, %arg1: memref<2000x1xi32, #tpu.memory_space<vmem>>, %arg2: memref<2000x127xf32, #tpu.memory_space<vmem>>, %arg3: memref<128x32xf32, #tpu.memory_space<vmem>>, %arg4: memref<159x128xf32, #tpu.memory_space<vmem>>, %arg5: memref<1x128xf32, #tpu.memory_space<vmem>>, %arg6: memref<2000x128xf32, #tpu.memory_space<vmem>>) attributes {dimension_semantics = [#tpu.dimension_semantics<arbitrary>], iteration_bounds = array<i64: 5>, scalar_prefetch = 0 : i64, scratch_operands = 0 : i64, tpu.core_type = #tpu.core_type<tc>, window_params = [{transform_indices = @transform_0, window_bounds = array<i64: 2000, 1>}, {transform_indices = @transform_1, window_bounds = array<i64: 2000, 127>}, {pipeline_mode = #tpu.pipeline_mode<synchronous>, transform_indices = @transform_2, window_bounds = array<i64: 128, 32>}, {pipeline_mode = #tpu.pipeline_mode<synchronous>, transform_indices = @transform_3, window_bounds = array<i64: 159, 128>}, {pipeline_mode = #tpu.pipeline_mode<synchronous>, transform_indices = @transform_4, window_bounds = array<i64: 1, 128>}, {transform_indices = @transform_5, window_bounds = array<i64: 2000, 128>}]} {
    %get3A = arith.constant 0 : index
    %get3A_0 = arith.constant 0 : index
    %get3A_1 = vector.load %arg1[%get3A, %get3A_0] : memref<2000x1xi32, #tpu.memory_space<vmem>>, vector<2000x1xi32>
    %iota3A = tpu.iota {dimensions = array<i32: 1>} : vector<2000x128xi32>
    %eq3A = vector.broadcast %get3A_1 : vector<2000x1xi32> to vector<2000x128xi32>
    %eq3A_2 = arith.cmpi eq, %eq3A, %iota3A : vector<2000x128xi32>
    %convert_element_type3A = arith.extui %eq3A_2 : vector<2000x128xi1> to vector<2000x128xi32>
    %convert_element_type3A_3 = arith.sitofp %convert_element_type3A : vector<2000x128xi32> to vector<2000x128xf32>
    %get3A_4 = arith.constant 0 : index
    %get3A_5 = arith.constant 0 : index
    %get3A_6 = vector.load %arg4[%get3A_4, %get3A_5] : memref<159x128xf32, #tpu.memory_space<vmem>>, vector<159x128xf32>
    %get3A_7 = arith.constant 0 : index
    %get3A_8 = arith.constant 0 : index
    %get3A_9 = vector.load %arg3[%get3A_7, %get3A_8] : memref<128x32xf32, #tpu.memory_space<vmem>>, vector<128x32xf32>
    %slice3A = vector.extract_strided_slice %get3A_6 {offsets = [0, 0], sizes = [32, 128], strides = [1, 1]} : vector<159x128xf32> to vector<32x128xf32>
    %dot_general3A = arith.constant dense<0.000000e+00> : vector<128x128xf32>
    %dot_general3A_10 = tpu.matmul %get3A_9, %slice3A, %dot_general3A {dimension_numbers = #tpu.dot_dimension_numbers<[1], [0], [0], [1], [0, 0, 1, 1], [], []>, precision = #tpu.contract_precision<fp32>, transpose_lhs_hint = false} : vector<128x32xf32>, vector<32x128xf32>, vector<128x128xf32> -> vector<128x128xf32>
    %dot_general3A_11 = arith.constant dense<0.000000e+00> : vector<2000x128xf32>
    %dot_general3A_12 = tpu.matmul %convert_element_type3A_3, %dot_general3A_10, %dot_general3A_11 {dimension_numbers = #tpu.dot_dimension_numbers<[1], [0], [0], [1], [0, 0, 1, 1], [], []>, precision = #tpu.contract_precision<fp32>, transpose_lhs_hint = false} : vector<2000x128xf32>, vector<128x128xf32>, vector<2000x128xf32> -> vector<2000x128xf32>
    %get3A_13 = arith.constant 0 : index
    %get3A_14 = arith.constant 0 : index
    %get3A_15 = vector.load %arg2[%get3A_13, %get3A_14] : memref<2000x127xf32, #tpu.memory_space<vmem>>, vector<2000x127xf32>
    %slice3A_16 = vector.extract_strided_slice %get3A_6 {offsets = [32, 0], sizes = [127, 128], strides = [1, 1]} : vector<159x128xf32> to vector<127x128xf32>
    %dot_general3A_17 = arith.constant dense<0.000000e+00> : vector<2000x128xf32>
    %dot_general3A_18 = tpu.matmul %get3A_15, %slice3A_16, %dot_general3A_17 {dimension_numbers = #tpu.dot_dimension_numbers<[1], [0], [0], [1], [0, 0, 1, 1], [], []>, precision = #tpu.contract_precision<fp32>, transpose_lhs_hint = false} : vector<2000x127xf32>, vector<127x128xf32>, vector<2000x128xf32> -> vector<2000x128xf32>
    %add3A = arith.addf %dot_general3A_12, %dot_general3A_18 : vector<2000x128xf32>
    %get3A_19 = arith.constant 0 : index
    %get3A_20 = arith.constant 0 : index
    %get3A_21 = vector.load %arg5[%get3A_19, %get3A_20] : memref<1x128xf32, #tpu.memory_space<vmem>>, vector<1x128xf32>
    %add3A_22 = vector.broadcast %get3A_21 : vector<1x128xf32> to vector<2000x128xf32>
    %add3A_23 = arith.addf %add3A, %add3A_22 : vector<2000x128xf32>
    %max3A = arith.constant 0.000000e+00 : f32
    %max3A_24 = vector.broadcast %max3A : f32 to vector<2000x128xf32>
    %max3A_25 = arith.maximumf %add3A_23, %max3A_24 : vector<2000x128xf32>
    %swap3A = arith.constant 0 : index
    %swap3A_26 = arith.constant 0 : index
    %swap3A_27 = vector.load %arg6[%swap3A, %swap3A_26] : memref<2000x128xf32, #tpu.memory_space<vmem>>, vector<2000x128xf32>
    tpu.vector_store %arg6[%swap3A, %swap3A_26], %max3A_25 {strides = array<i32>} : memref<2000x128xf32, #tpu.memory_space<vmem>>, vector<2000x128xf32>,
    return
  }
  func.func @transform_0(%arg0: i32) -> (i32, i32) {
    %c0_i32 = arith.constant 0 : i32
    %c0_i32_0 = arith.constant 0 : i32
    return %arg0, %c0_i32 : i32, i32
  }
  func.func @transform_1(%arg0: i32) -> (i32, i32) {
    %c0_i32 = arith.constant 0 : i32
    %c0_i32_0 = arith.constant 0 : i32
    return %arg0, %c0_i32 : i32, i32
  }
  func.func @transform_2(%arg0: i32) -> (i32, i32) {
    %c0_i32 = arith.constant 0 : i32
    %c0_i32_0 = arith.constant 0 : i32
    %c0_i32_1 = arith.constant 0 : i32
    return %c0_i32, %c0_i32_0 : i32, i32
  }
  func.func @transform_3(%arg0: i32) -> (i32, i32) {
    %c0_i32 = arith.constant 0 : i32
    %c0_i32_0 = arith.constant 0 : i32
    %c0_i32_1 = arith.constant 0 : i32
    return %c0_i32, %c0_i32_0 : i32, i32
  }
  func.func @transform_4(%arg0: i32) -> (i32, i32) {
    %c0_i32 = arith.constant 0 : i32
    %c0_i32_0 = arith.constant 0 : i32
    %c0_i32_1 = arith.constant 0 : i32
    return %c0_i32, %c0_i32_0 : i32, i32
  }
  func.func @transform_5(%arg0: i32) -> (i32, i32) {
    %c0_i32 = arith.constant 0 : i32
    %c0_i32_0 = arith.constant 0 : i32
    return %arg0, %c0_i32 : i32, i32
  }
}

module attributes {stable_mosaic.version = 14 : i64} {
  func.func @_head_kernel(%arg0: i32, %arg1: memref<2x2000x128xf32, #tpu.memory_space<vmem>>, %arg2: memref<2000x1xi32, #tpu.memory_space<vmem>>, %arg3: memref<2000x127xf32, #tpu.memory_space<vmem>>, %arg4: memref<128x32xf32, #tpu.memory_space<vmem>>, %arg5: memref<287x128xf32, #tpu.memory_space<vmem>>, %arg6: memref<1x128xf32, #tpu.memory_space<vmem>>, %arg7: memref<128x1xf32, #tpu.memory_space<vmem>>, %arg8: memref<1x1xf32, #tpu.memory_space<vmem>>, %arg9: memref<2000x1xf32, #tpu.memory_space<vmem>>) attributes {dimension_semantics = [#tpu.dimension_semantics<arbitrary>], iteration_bounds = array<i64: 5>, scalar_prefetch = 0 : i64, scratch_operands = 0 : i64, tpu.core_type = #tpu.core_type<tc>, window_params = [{transform_indices = @transform_0, window_bounds = array<i64: 2, 2000, 128>}, {transform_indices = @transform_1, window_bounds = array<i64: 2000, 1>}, {transform_indices = @transform_2, window_bounds = array<i64: 2000, 127>}, {pipeline_mode = #tpu.pipeline_mode<synchronous>, transform_indices = @transform_3, window_bounds = array<i64: 128, 32>}, {pipeline_mode = #tpu.pipeline_mode<synchronous>, transform_indices = @transform_4, window_bounds = array<i64: 287, 128>}, {pipeline_mode = #tpu.pipeline_mode<synchronous>, transform_indices = @transform_5, window_bounds = array<i64: 1, 128>}, {pipeline_mode = #tpu.pipeline_mode<synchronous>, transform_indices = @transform_6, window_bounds = array<i64: 128, 1>}, {pipeline_mode = #tpu.pipeline_mode<synchronous>, transform_indices = @transform_7, window_bounds = array<i64: 1, 1>}, {transform_indices = @transform_8, window_bounds = array<i64: 2000, 1>}]} {
    %get3A = arith.constant 0 : index
    %get3A_0 = arith.constant 0 : index
    %get3A_1 = arith.constant 0 : index
    %get3A_2 = vector.load %arg1[%get3A, %get3A_0, %get3A_1] : memref<2x2000x128xf32, #tpu.memory_space<vmem>>, vector<1x2000x128xf32>
    %get3A_3 = vector.shape_cast %get3A_2 : vector<1x2000x128xf32> to vector<2000x128xf32>
    %get3A_4 = arith.constant 1 : index
    %get3A_5 = arith.constant 0 : index
    %get3A_6 = arith.constant 0 : index
    %get3A_7 = vector.load %arg1[%get3A_4, %get3A_5, %get3A_6] : memref<2x2000x128xf32, #tpu.memory_space<vmem>>, vector<1x2000x128xf32>
    %get3A_8 = vector.shape_cast %get3A_7 : vector<1x2000x128xf32> to vector<2000x128xf32>
    %add3A = arith.addf %get3A_3, %get3A_8 : vector<2000x128xf32>
    %get3A_9 = arith.constant 0 : index
    %get3A_10 = arith.constant 0 : index
    %get3A_11 = vector.load %arg2[%get3A_9, %get3A_10] : memref<2000x1xi32, #tpu.memory_space<vmem>>, vector<2000x1xi32>
    %iota3A = tpu.iota {dimensions = array<i32: 1>} : vector<2000x128xi32>
    %eq3A = vector.broadcast %get3A_11 : vector<2000x1xi32> to vector<2000x128xi32>
    %eq3A_12 = arith.cmpi eq, %eq3A, %iota3A : vector<2000x128xi32>
    %convert_element_type3A = arith.extui %eq3A_12 : vector<2000x128xi1> to vector<2000x128xi32>
    %convert_element_type3A_13 = arith.sitofp %convert_element_type3A : vector<2000x128xi32> to vector<2000x128xf32>
    %get3A_14 = arith.constant 0 : index
    %get3A_15 = arith.constant 0 : index
    %get3A_16 = vector.load %arg5[%get3A_14, %get3A_15] : memref<287x128xf32, #tpu.memory_space<vmem>>, vector<287x128xf32>
    %get3A_17 = arith.constant 0 : index
    %get3A_18 = arith.constant 0 : index
    %get3A_19 = vector.load %arg4[%get3A_17, %get3A_18] : memref<128x32xf32, #tpu.memory_space<vmem>>, vector<128x32xf32>
    %slice3A = vector.extract_strided_slice %get3A_16 {offsets = [128, 0], sizes = [32, 128], strides = [1, 1]} : vector<287x128xf32> to vector<32x128xf32>
    %dot_general3A = arith.constant dense<0.000000e+00> : vector<128x128xf32>
    %dot_general3A_20 = tpu.matmul %get3A_19, %slice3A, %dot_general3A {dimension_numbers = #tpu.dot_dimension_numbers<[1], [0], [0], [1], [0, 0, 1, 1], [], []>, precision = #tpu.contract_precision<fp32>, transpose_lhs_hint = false} : vector<128x32xf32>, vector<32x128xf32>, vector<128x128xf32> -> vector<128x128xf32>
    %slice3A_21 = vector.extract_strided_slice %get3A_16 {offsets = [0, 0], sizes = [128, 128], strides = [1, 1]} : vector<287x128xf32> to vector<128x128xf32>
    %dot_general3A_22 = arith.constant dense<0.000000e+00> : vector<2000x128xf32>
    %dot_general3A_23 = tpu.matmul %add3A, %slice3A_21, %dot_general3A_22 {dimension_numbers = #tpu.dot_dimension_numbers<[1], [0], [0], [1], [0, 0, 1, 1], [], []>, precision = #tpu.contract_precision<fp32>, transpose_lhs_hint = false} : vector<2000x128xf32>, vector<128x128xf32>, vector<2000x128xf32> -> vector<2000x128xf32>
    %dot_general3A_24 = arith.constant dense<0.000000e+00> : vector<2000x128xf32>
    %dot_general3A_25 = tpu.matmul %convert_element_type3A_13, %dot_general3A_20, %dot_general3A_24 {dimension_numbers = #tpu.dot_dimension_numbers<[1], [0], [0], [1], [0, 0, 1, 1], [], []>, precision = #tpu.contract_precision<fp32>, transpose_lhs_hint = false} : vector<2000x128xf32>, vector<128x128xf32>, vector<2000x128xf32> -> vector<2000x128xf32>
    %add3A_26 = arith.addf %dot_general3A_23, %dot_general3A_25 : vector<2000x128xf32>
    %get3A_27 = arith.constant 0 : index
    %get3A_28 = arith.constant 0 : index
    %get3A_29 = vector.load %arg3[%get3A_27, %get3A_28] : memref<2000x127xf32, #tpu.memory_space<vmem>>, vector<2000x127xf32>
    %slice3A_30 = vector.extract_strided_slice %get3A_16 {offsets = [160, 0], sizes = [127, 128], strides = [1, 1]} : vector<287x128xf32> to vector<127x128xf32>
    %dot_general3A_31 = arith.constant dense<0.000000e+00> : vector<2000x128xf32>
    %dot_general3A_32 = tpu.matmul %get3A_29, %slice3A_30, %dot_general3A_31 {dimension_numbers = #tpu.dot_dimension_numbers<[1], [0], [0], [1], [0, 0, 1, 1], [], []>, precision = #tpu.contract_precision<fp32>, transpose_lhs_hint = false} : vector<2000x127xf32>, vector<127x128xf32>, vector<2000x128xf32> -> vector<2000x128xf32>
    %add3A_33 = arith.addf %add3A_26, %dot_general3A_32 : vector<2000x128xf32>
    %get3A_34 = arith.constant 0 : index
    %get3A_35 = arith.constant 0 : index
    %get3A_36 = vector.load %arg6[%get3A_34, %get3A_35] : memref<1x128xf32, #tpu.memory_space<vmem>>, vector<1x128xf32>
    %add3A_37 = vector.broadcast %get3A_36 : vector<1x128xf32> to vector<2000x128xf32>
    %add3A_38 = arith.addf %add3A_33, %add3A_37 : vector<2000x128xf32>
    %max3A = arith.constant 0.000000e+00 : f32
    %max3A_39 = vector.broadcast %max3A : f32 to vector<2000x128xf32>
    %max3A_40 = arith.maximumf %add3A_38, %max3A_39 : vector<2000x128xf32>
    %get3A_41 = arith.constant 0 : index
    %get3A_42 = arith.constant 0 : index
    %get3A_43 = vector.load %arg7[%get3A_41, %get3A_42] : memref<128x1xf32, #tpu.memory_space<vmem>>, vector<128x1xf32>
    %dot_general3A_44 = arith.constant dense<0.000000e+00> : vector<2000x1xf32>
    %dot_general3A_45 = tpu.matmul %max3A_40, %get3A_43, %dot_general3A_44 {dimension_numbers = #tpu.dot_dimension_numbers<[1], [0], [0], [1], [0, 0, 1, 1], [], []>, precision = #tpu.contract_precision<fp32>, transpose_lhs_hint = false} : vector<2000x128xf32>, vector<128x1xf32>, vector<2000x1xf32> -> vector<2000x1xf32>
    %get3A_46 = arith.constant 0 : index
    %get3A_47 = arith.constant 0 : index
    %get3A_48 = vector.load %arg8[%get3A_46, %get3A_47] : memref<1x1xf32, #tpu.memory_space<vmem>>, vector<1x1xf32>
    %add3A_49 = vector.broadcast %get3A_48 : vector<1x1xf32> to vector<2000x1xf32>
    %add3A_50 = arith.addf %dot_general3A_45, %add3A_49 : vector<2000x1xf32>
    %swap3A = arith.constant 0 : index
    %swap3A_51 = arith.constant 0 : index
    %swap3A_52 = vector.load %arg9[%swap3A, %swap3A_51] : memref<2000x1xf32, #tpu.memory_space<vmem>>, vector<2000x1xf32>
    tpu.vector_store %arg9[%swap3A, %swap3A_51], %add3A_50 {strides = array<i32>} : memref<2000x1xf32, #tpu.memory_space<vmem>>, vector<2000x1xf32>,
    return
  }
  func.func @transform_0(%arg0: i32) -> (i32, i32, i32) {
    %c0_i32 = arith.constant 0 : i32
    %c0_i32_0 = arith.constant 0 : i32
    %c0_i32_1 = arith.constant 0 : i32
    return %c0_i32, %arg0, %c0_i32_0 : i32, i32, i32
  }
  func.func @transform_1(%arg0: i32) -> (i32, i32) {
    %c0_i32 = arith.constant 0 : i32
    %c0_i32_0 = arith.constant 0 : i32
    return %arg0, %c0_i32 : i32, i32
  }
  func.func @transform_2(%arg0: i32) -> (i32, i32) {
    %c0_i32 = arith.constant 0 : i32
    %c0_i32_0 = arith.constant 0 : i32
    return %arg0, %c0_i32 : i32, i32
  }
  func.func @transform_3(%arg0: i32) -> (i32, i32) {
    %c0_i32 = arith.constant 0 : i32
    %c0_i32_0 = arith.constant 0 : i32
    %c0_i32_1 = arith.constant 0 : i32
    return %c0_i32, %c0_i32_0 : i32, i32
  }
  func.func @transform_4(%arg0: i32) -> (i32, i32) {
    %c0_i32 = arith.constant 0 : i32
    %c0_i32_0 = arith.constant 0 : i32
    %c0_i32_1 = arith.constant 0 : i32
    return %c0_i32, %c0_i32_0 : i32, i32
  }
  func.func @transform_5(%arg0: i32) -> (i32, i32) {
    %c0_i32 = arith.constant 0 : i32
    %c0_i32_0 = arith.constant 0 : i32
    %c0_i32_1 = arith.constant 0 : i32
    return %c0_i32, %c0_i32_0 : i32, i32
  }
  func.func @transform_6(%arg0: i32) -> (i32, i32) {
    %c0_i32 = arith.constant 0 : i32
    %c0_i32_0 = arith.constant 0 : i32
    %c0_i32_1 = arith.constant 0 : i32
    return %c0_i32, %c0_i32_0 : i32, i32
  }
  func.func @transform_7(%arg0: i32) -> (i32, i32) {
    %c0_i32 = arith.constant 0 : i32
    %c0_i32_0 = arith.constant 0 : i32
    %c0_i32_1 = arith.constant 0 : i32
    return %c0_i32, %c0_i32_0 : i32, i32
  }
  func.func @transform_8(%arg0: i32) -> (i32, i32) {
    %c0_i32 = arith.constant 0 : i32
    %c0_i32_0 = arith.constant 0 : i32
    return %arg0, %c0_i32 : i32, i32
  }
}

</mosaic_0001>

<sc_bundles>
// kernel: kernel.5.cloned.1.call-start
scs
__scs_entry_jumppad:
0x0: {  	(pc) =	sbr.rel $0x88, $3  }
0x1: {  	(tag) =	ssettag $0x0;
	lr =	simm.s32 $0x1  }
0x2: {  	[smem:$0x3F96] =	sst lr;
	_ =	strace $0xD0000000  }
0x3: {  	_ = 	snop  }
0x4: {  	_ = 	snop  }
0x5: {  	_ = 	snop  }
0x6: {  	_ = 	snop  }
0x7: {  	_ = 	snop  }
__scs_overlays_trampoline_lowered:
0x8: {  	[smem:$0x3FA5] =	sst s0  }
0x9: {  	[smem:$0x3FA6] =	sst s1  }
0xa: {  	[smem:$0x3FA7] =	sst s2  }
0xb: {  	[smem:$0x3FA8] =	sst s3  }
0xc: {  	[smem:$0x3FA9] =	sst s4  }
0xd: {  	[smem:$0x3FAA] =	sst s5  }
0xe: {  	[smem:$0x3FAB] =	sst s6  }
0xf: {  	[smem:$0x3FAC] =	sst s7  }
0x10: {  	[smem:$0x3FAD] =	sst s8  }
0x11: {  	[smem:$0x3FAE] =	sst s9;
	s0 =	simm.s32 @!p0 $0x0  }
0x12: {  	s1 =	sld [smem:$0x3F94];
	s0 =	simm.s32 @p0 $0x1  }
0x13: {  	[smem:$0x3FAF] =	sst s0;
	s0 =	simm.s32 @!p1 $0x0  }
0x14: {  	s2 =	sld [smem:$0x3F93];
	s0 =	simm.s32 @p1 $0x1  }
0x15: {  	[smem:$0x3FB0] =	sst s0;
	s0 =	simm.s32 @!p2 $0x0  }
0x16: {  	s3 =	sld [smem:$0x3FDB];
	s0 =	simm.s32 @p2 $0x1  }
0x17: {  	s4 =	simm.s32 $0x1BF5;
	[smem:$0x3FB2] =	sst s0  }
0x18: {  	s0 =	sld [smem:$0x3F95];
	_ =	swait.ge [sflag:s4], $0x0  }
0x19: {  	s7 =	sld [smem:$0x3F96]  }
0x1a: {  	s8 =	sadd.s32 $0xFFFFE003, lr  }
0x1b: {  	s9 =	sadd.s32 $0xFFFFFEF7, lr;
	s5 =	simm.s32 $0xFFFFFFFF;
	p2 =	slt.u32 s8, $0xFFFFF086  }
0x1c: {  	p1 =	slt.u32 s9, $0xF7A;
	s5 =	simm.s32 @!p2 $0x0  }
0x1d: {  	s5 =	simm.s32 @p1 $0x1;
	p0 =	seq.s32 s7, s2  }
0x1e: {  	s7 =	smul.u32 @!p0 $0xF7A, s2;
	p2 =	seq.s32 @!p0 s5, $0x0  }
0x1f: {  	s9 =	smul.u32 $0xF7A, s1;
	s8 =	simm.s32 @!p0 $0x1BF5;
	p2 =	por !p2, p0  }
0x20: {  	[sflag:s8] =	ssyncset.s32 @!p0 $0xFFFFF086;
	s6 =	sadd.s32 @!p0 s3, s7;
	s7 =	simm.s32 @!p0 $0x108  }
0x21: {  	s3 =	sadd.s32 s3, s9;
	s6 =	sadd.s32 @!p0 $0x88, s6;
	s7 =	simm.s32 @p2 $0x1082  }
0x22: {  	[simem:s7], [sflag:s8] =	dma.local @!p0 [hbm:s6], $0xF7A  }
0x23: {  	s9 =	sor.u32 $0xD0000000, s2;
	s6 =	simm.s32 $0x108;
	_ =	swait.ge @!p0 [sflag:s8], $0x0  }
0x24: {  	s3 =	sadd.s32 $0x88, s3;
	s6 =	simm.s32 @!p1 $0x1082;
	[sflag:s4] =	ssyncset.s32 $0xFFFFF086  }
0x25: {  	[simem:s6], [sflag:s4] =	dma.local [hbm:s3], $0xF7A  }
0x26: {  	[smem:$0x3F96] =	sst s1;
	(tag) =	ssettag s2;
	_ =	strace s9  }
0x27: {  	s1 =	sld [smem:$0x3FA6]  }
0x28: {  	s2 =	sld [smem:$0x3FA7]  }
0x29: {  	s4 =	sld [smem:$0x3FA9]  }
0x2a: {  	p0 =	seq.s32 s5, $0x0;
	s5 =	sld [smem:$0x3FAA]  }
0x2b: {  	s6 =	sld [smem:$0x3FAB]  }
0x2c: {  	s7 =	sld [smem:$0x3FAC]  }
0x2d: {  	s3 =	simm.s32 $0x108;
	s8 =	sld [smem:$0x3FAD]  }
0x2e: {  	s3 =	simm.s32 @!p0 $0x1082;
	s9 =	sld [smem:$0x3FAE]  }
0x2f: {  	lr =	sadd.s32 s0, s3;
	s0 =	sld [smem:$0x3FA5]  }
0x30: {  	s3 =	sld [smem:$0x3FA8]  }
0x31: {  	[smem:$0x3FB1] =	sst s10  }
0x32: {  	s10 =	sld [smem:$0x3FAF];
	_ =	sdelay $0x3  }
0x33: {  	p0 =	seq.s32 s10, $0x1;
	s10 =	sld [smem:$0x3FB1];
	_ =	sdelay $0x3  }
0x34: {  	[smem:$0x3FB1] =	sst s10  }
0x35: {  	s10 =	sld [smem:$0x3FB0];
	_ =	sdelay $0x3  }
0x36: {  	p1 =	seq.s32 s10, $0x1;
	s10 =	sld [smem:$0x3FB1];
	_ =	sdelay $0x3  }
0x37: {  	[smem:$0x3FB1] =	sst s10  }
0x38: {  	s10 =	sld [smem:$0x3FB2]  }
0x39: {  	_ = 	snop;
	(pc) =	sbr.ind lr, $3  }
0x3a: {  	_ = 	snop  }
0x3b: {  	_ = 	snop  }
0x3c: {  	p2 =	seq.s32 s10, $0x1;
	s10 =	sld [smem:$0x3FB1]  }
0x3d: {  	_ =	shalt  }
0x3e: {  	_ =	shalt  }
0x3f: {  	_ =	shalt  }
0x40: {  	_ =	shalt  }
0x41: {  	_ =	shalt  }
0x42: {  	_ =	shalt  }
0x43: {  	_ =	shalt  }
0x44: {  	_ =	shalt  }
0x45: {  	_ =	shalt  }
0x46: {  	_ =	shalt  }
0x47: {  	_ =	shalt  }
0x48: {  	_ =	shalt  }
0x49: {  	_ =	shalt  }
0x4a: {  	_ =	shalt  }
0x4b: {  	_ =	shalt  }
0x4c: {  	_ =	shalt  }
0x4d: {  	_ =	shalt  }
0x4e: {  	_ =	shalt  }
0x4f: {  	_ =	shalt  }
0x50: {  	_ =	shalt  }
0x51: {  	_ =	shalt  }
0x52: {  	_ =	shalt  }
0x53: {  	_ =	shalt  }
0x54: {  	_ =	shalt  }
0x55: {  	_ =	shalt  }
0x56: {  	_ =	shalt  }
0x57: {  	_ =	shalt  }
0x58: {  	_ =	shalt  }
0x59: {  	_ =	shalt  }
0x5a: {  	_ =	shalt  }
0x5b: {  	_ =	shalt  }
0x5c: {  	_ =	shalt  }
0x5d: {  	_ =	shalt  }
0x5e: {  	_ =	shalt  }
0x5f: {  	_ =	shalt  }
0x60: {  	_ =	shalt  }
0x61: {  	_ =	shalt  }
0x62: {  	_ =	shalt  }
0x63: {  	_ =	shalt  }
0x64: {  	_ =	shalt  }
0x65: {  	_ =	shalt  }
0x66: {  	_ =	shalt  }
0x67: {  	_ =	shalt  }
0x68: {  	_ =	shalt  }
0x69: {  	_ =	shalt  }
0x6a: {  	_ =	shalt  }
0x6b: {  	_ =	shalt  }
0x6c: {  	_ =	shalt  }
0x6d: {  	_ =	shalt  }
0x6e: {  	_ =	shalt  }
0x6f: {  	_ =	shalt  }
0x70: {  	_ =	shalt  }
0x71: {  	_ =	shalt  }
0x72: {  	_ =	shalt  }
0x73: {  	_ =	shalt  }
0x74: {  	_ =	shalt  }
0x75: {  	_ =	shalt  }
0x76: {  	_ =	shalt  }
0x77: {  	_ =	shalt  }
0x78: {  	_ =	shalt  }
0x79: {  	_ =	shalt  }
0x7a: {  	_ =	shalt  }
0x7b: {  	_ =	shalt  }
0x7c: {  	_ =	shalt  }
0x7d: {  	_ =	shalt  }
0x7e: {  	_ =	shalt  }
0x7f: {  	_ =	shalt  }
0x80: {  	_ =	shalt  }
0x81: {  	_ =	shalt  }
0x82: {  	_ =	shalt  }
0x83: {  	_ =	shalt  }
0x84: {  	_ =	shalt  }
0x85: {  	_ =	shalt  }
0x86: {  	_ =	shalt  }
0x87: {  	_ =	shalt  }
.Lfunc_end0:
.L_simem_size_0:
called_computation_lowered:
.L_overlay_start_0:
0x88: {  	s2 =	sld [smem:$0x3FD9]  }
0x89: {  	s3 =	sld [smem:$0x3FFE];
	_ =	sdelay $0x1  }
0x8a: {  	s1 =	srdreg.scid  }
0x8b: {  	s0 =	sand.u32 $0x1, s1  }
0x8c: {  	s17 =	sshll.u32 s0, $0xA;
	s2 =	sadd.s32 s3, s2  }
0x8d: {  	s2 =	sadd.s32 s2, s17  }
0x8e: {  	[smem:$0x3FBD] =	sst s2  }
0x8f: {  	_ = 	snop  }
0x90: {  	s2 =	sld [smem:$0x3FC6];
	(tm) =	ssettm $0x1  }
0x91: {  	s18 =	sld [smem:$0x3FFB];
	_ =	sdelay $0x3  }
0x92: {  	_ =	strace s18  }
0x93: {  	s3 =	sld [smem:$0x3FFC];
	_ =	sdelay $0x3  }
0x94: {  	_ =	strace s3  }
0x95: {  	s3 =	sld [smem:$0x3FFD];
	_ =	sdelay $0x3  }
0x96: {  	_ =	strace s3  }
0x97: {  	_ =	strace $0x8FFFFFFF  }
0x98: {  	s19 =	sld [smem:$0x3FDB];
	_ =	sdelay $0x1  }
0x99: {  	s4 =	simm.s32 $_scs_section_size  }
0x9a: {  	s5 =	simm.s32 $_size__tile_overlayer_lowered;
	s6 =	simm.s32 $_tile_overlayer_lowered  }
0x9b: {  	s22 =	simm.s32 $0x1BFF;
	s21 =	sshll.u32 s6, $0x1;
	s3 =	sadd.s32 s4, s19  }
0x9c: {  	s7 =	simm.s32 $0x0;
	s20 =	sshll.u32 s5, $0x1;
	s5 =	sadd.s32 s21, s3  }
0x9d: {  	[timem:s7], [sflag:s22] =	dma.local [hbm:s5], s20  }
0x9e: {  	_ =	swait.ge [sflag:s22], s20  }
0x9f: {  	s4 =	ssub.s32 $0x0, s20;
	[sflag:s22] =	ssyncset.done $0x0  }
0xa0: {  	[sflag:s22] =	ssyncadd.s32 s4;
	_ =	sdelay $0x1  }
0xa1: {  	s23 =	simm.s32 $0x1B8B  }
0xa2: {  	_ =	swait.ge [sflag:s23], $0x1  }
0xa3: {  	[sflag:s23] =	ssyncset.done $0x0  }
0xa4: {  	s25 =	simm.s32 $0x1B8E;
	s24 =	sld [smem:$0x3FFE];
	[sflag:s23] =	ssyncadd.s32 $0xFFFFFFFF  }
0xa5: {  	s26 =	simm.s32 $execute0_lowered;
	[smem:$0x3FD2] =	sst s25  }
0xa6: {  	s5 =	sshll.u32 s26, $0x1;
	_ =	strace $0x80000046;
	[dreg:$0x1] =	wrdreg $0xFFFFFFFF  }
0xa7: {  	s28 =	simm.s32 $_size_execute0_lowered;
	s3 =	sadd.s32 s3, s5;
	[dreg:$0x0] =	wrdreg $0x0  }
0xa8: {  	s5 =	sshll.u32 s28, $0x1;
	[dreg:$0x2] =	wrdreg s3  }
0xa9: {  	[dreg:$0x3] =	wrdreg s5  }
0xaa: {  	[dreg:$0x4] =	wrdreg $0xC0  }
0xab: {  	_ =	task [dreg:s7], $0x5FFFF  }
0xac: {  	[dreg:$0x1] =	wrdreg $0xFFFFFFFF  }
0xad: {  	[dreg:$0x0] =	wrdreg $0x60  }
0xae: {  	[dreg:$0x2] =	wrdreg s24  }
0xaf: {  	[dreg:$0x3] =	wrdreg s2  }
0xb0: {  	[dreg:$0x4] =	wrdreg $0xC6800  }
0xb1: {  	[dreg:$0x5] =	wrdreg $0x9  }
0xb2: {  	_ =	task.clear_ibuf [dreg:s7], $0x6FFFF;
	_ =	strace $0x90000046  }
0xb3: {  	s29 =	simm.s32 $0x9;
	_ =	strace $0x80000048  }
0xb4: {  	_ =	swait.ge [sflag:s29], $0x1  }
0xb5: {  	[sflag:s29] =	ssyncadd.s32 $0xFFFFFFFF  }
0xb6: {  	_ =	strace $0x90000048  }
0xb7: {  	_ =	sfence  }
0xb8: {  	s30 =	sld [smem:$0x0];
	_ =	sdelay $0x2  }
0xb9: {  	s31 =	sshll.u32 s1, $0xD;
	s1 =	sshrl.u32 s1, $0x2  }
0xba: {  	s3 =	sand.u32 $0x4000, s31;
	s1 =	sadd.s32 s1, s30  }
0xbb: {  	s0 =	sor.u32 s3, s0;
	s1 =	sshll.u32 s1, $0x11  }
0xbc: {  	s0 =	sor.u32 s1, s0  }
0xbd: {  	s0 =	sadd.s32 $0x8F2B, s0  }
0xbe: {  	[sflag:s0] =	ssyncadd.remote.s32 $0x1  }
0xbf: {  	_ =	sfence.sel $0xFFFF  }
0xc0: {  	[dreg:$0x0] =	wrdreg $0xFFFFFFFF;
	(pc) =	sbr.abs _section_cstart, $3  }
0xc1: {  	[dreg:$0x1] =	wrdreg $0xFFFFFFFF  }
0xc2: {  	_ =	task.clear_ibuf [dreg:s7], $0x2FFFF;
	_ =	strace $0x9FFFFFFF  }
0xc3: {  	(tm) =	ssettm $0x7FFFFFFF  }
tec
execute0_lowered:
.L_overlay_start_1:
0x0: {  	(tag) =	ssettag $0x1  }
0x1: {  	s0 =	rddreg [dreg:$0x0]  }
0x2: {  	s5 =	rddreg [dreg:$0x1];
	s2 =	srdreg.scid  }
0x3: {  	s1 =	rddreg [dreg:$0x2];
	s3 =	simm.s32 $0x0;
	s6 =	sand.u32 $0x1, s2  }
0x4: {  	s28 =	simm.s32 $0x4F00;
	s2 =	stileid.u32;
	s7 =	smul.u32 $0x138800, s6  }
0x5: {  	[smem:$0x7FF] =	sst s3;
	s4 =	sshll.u32 s6, $0x4;
	s9 =	smul.u32 $0x1400, s2  }
0x6: {  	s6 =	ssub.s32 $0x2, s6;
	s23 =	smul.u32 $0x5000, s2;
	s8 =	sor.u32 s2, s4  }
0x7: {  	_ =	strace $0x80000047;
	s11 =	sshrl.u32 s6, $0x1;
	s8 =	smul.u32 $0x4E2, s8  }
0x8: {  	s4 =	sadd.s32 $0x14A00, s0;
	s7 =	sadd.s32 s9, s7;
	s6 =	ssub.s32 s6, s11  }
0x9: {  	s24 =	sshrl.u32 s23, $0x2;
	s10 =	sadd.s32 s8, s0;
	s9 =	sadd.s32 s5, s8  }
0xa: {  	s7 =	sshrl.u32 s7, $0x3;
	s25 =	sadd.s32 $0xE00, s10;
	[dreg:$0x6] =	wrdreg s9  }
0xb: {  	s0 =	sadd.s32 s7, s0;
	s26 =	sadd.s32 $0xAC00, s10;
	[dreg:$0x4] =	wrdreg s25  }
0xc: {  	s7 =	sadd.s32 s24, s1;
	s10 =	smax.u32 s6, $0x1;
	[dreg:$0x5] =	wrdreg s26  }
0xd: {  	s29 =	simm.s32 $0x7680;
	s11 =	sadd.s32 $0x28000, s7;
	[dreg:$0x7] =	wrdreg s10  }
0xe: {  	s30 =	simm.s32 $0x4;
	s12 =	sadd.s32 $0x3C000, s7;
	[dreg:$0x8] =	wrdreg s11  }
0xf: {  	s31 =	simm.s32 $0x1;
	s13 =	sadd.s32 $0x50000, s7;
	[dreg:$0x9] =	wrdreg s12  }
0x10: {  	s16 =	sor.u32 $0xF0, s2;
	s14 =	sadd.s32 $0x64000, s7;
	[dreg:$0xa] =	wrdreg s13  }
0x11: {  	p1 =	sgt.u32 s2, $0x9;
	s15 =	sadd.s32 $0x78000, s7;
	[dreg:$0xb] =	wrdreg s14  }
0x12: {  	s19 =	smul.u32 $0x5000, s16;
	s17 =	sadd.s32 $0x8C000, s7;
	[dreg:$0xc] =	wrdreg s15  }
0x13: {  	p0 =	sgt.u32 s16, $0xF9;
	s18 =	sadd.s32 $0xA0000, s7;
	[dreg:$0xd] =	wrdreg s17  }
0x14: {  	s5 =	simm.s32 $0x28;
	s20 =	sadd.s32 $0xB4000, s7;
	[dreg:$0xe] =	wrdreg s18  }
0x15: {  	s8 =	simm.s32 $0x9E80;
	s21 =	sadd.s32 $0xC8000, s7;
	[dreg:$0xf] =	wrdreg s20  }
0x16: {  	s22 =	sadd.s32 $0xDC000, s7;
	s23 =	sadd.s32 $0xF0000, s7;
	[dreg:$0x10] =	wrdreg s21  }
0x17: {  	s24 =	sadd.s32 $0x104000, s7;
	s6 =	sshrl.u32 s19, $0x2;
	[dreg:$0x11] =	wrdreg s22  }
0x18: {  	s9 =	simm.s32 $0xB280;
	s10 =	sadd.s32 $0x14000, s7;
	[dreg:$0x12] =	wrdreg s23  }
0x19: {  	[dreg:$0x13] =	wrdreg s24;
	s25 =	sadd.s32 $0x118000, s7;
	s26 =	sadd.s32 s6, s1  }
0x1a: {  	s6 =	simm.s32 $0x8A80;
	s11 =	simm.s32 $0x5;
	[dreg:$0x14] =	wrdreg s25  }
0x1b: {  	s12 =	simm.s32 $0x6;
	s15 =	simm.s32 $0x0;
	[dreg:$0x15] =	wrdreg s26  }
0x1c: {  	v0 =	vimm.f32 $0.0e+00;
	s25 =	sadd.s32 $0x3BC00, s0;
	s0 =	simm.s32 $0x2;
	s26 =	simm.s32 $0x3  }
.LBB2_1:
0x1d: {  	s3 =	simm.s32 $0x0;
	s13 =	rddreg [dreg:$0x4]  }
0x1e: {  	[tilespmem:s3], [sflag:$0x1] =	stream.linear.gather [hbm4b:s13+s3], $0x2710, $0x38;
	[tilespmem:$0x1FF00] =	vst v63  }
0x1f: {  	s23 =	rddreg [dreg:$0x5];
	s14 =	simm.s32 $0x2780  }
0x20: {  	[tilespmem:s14], [sflag:$0x2] =	stream.linear.gather [hbm4b:s23+s3], $0x2710, $0x38;
	[tilespmem:$0x1FF00] =	vst v63  }
0x21: {  	s24 =	rddreg [dreg:$0x6];
	s16 =	simm.s32 $0x0;
	s17 =	simm.s32 $0x200  }
0x22: {  	[tilespmem:s28], [sflag:$0x3] =	stream.linear.gather [hbm4b:s24+s3], $0x2710, $0x38;
	[tilespmem:$0x1FF00] =	vst v63  }
.LBB2_2:
0x23: {  	p2 =	sne.s32 s17, $0x4E00;
	[tilespmem:s16+$0x76F0] =	vst v0  }
0x24: {  	[tilespmem:s16+$0x7680] =	vst v0  }
0x25: {  	[tilespmem:s16+$0x7690] =	vst v0  }
.Ltmp0:
0x26: {  	[tilespmem:s16+$0x76A0] =	vst v0;
	(pc) =	sbr.rel @p2 .LBB2_2-.Ltmp0, $4  }
0x27: {  	[tilespmem:s16+$0x76B0] =	vst v0  }
0x28: {  	[tilespmem:s16+$0x76C0] =	vst v0  }
0x29: {  	[tilespmem:s16+$0x76D0] =	vst v0  }
0x2a: {  	[tilespmem:s16+$0x76E0] =	vst v0;
	s16 =	sshra.s32 s17, $0x2;
	s17 =	sadd.s32 $0x200, s17  }
0x2b: {  	[tilespmem:s16+$0x76F0] =	vst v0  }
0x2c: {  	[tilespmem:s16+$0x7680] =	vst v0  }
0x2d: {  	[tilespmem:s16+$0x7690] =	vst v0  }
0x2e: {  	[tilespmem:s16+$0x76A0] =	vst v0  }
0x2f: {  	[tilespmem:s16+$0x76B0] =	vst v0  }
0x30: {  	[tilespmem:s16+$0x76C0] =	vst v0  }
0x31: {  	[tilespmem:s16+$0x76D0] =	vst v0  }
0x32: {  	[tilespmem:s16+$0x76E0] =	vst v0  }
0x33: {  	[spmem:s7] =	stream.linear.scatter [tilespmem:s29], [sflag:$0x4], $0x1400, $0x38;
	[tilespmem:$0x1FF00] =	vst v63  }
0x34: {  	_ = 	snop  }
0x35: {  	[spmem:s10] =	stream.linear.scatter [tilespmem:s29], [sflag:$0x4], $0x1400, $0x38;
	[tilespmem:$0x1FF00] =	vst v63  }
0x36: {  	s3 =	rddreg [dreg:$0x8]  }
0x37: {  	[spmem:s3] =	stream.linear.scatter [tilespmem:s29], [sflag:$0x4], $0x1400, $0x38;
	[tilespmem:$0x1FF00] =	vst v63  }
0x38: {  	s23 =	rddreg [dreg:$0x9]  }
0x39: {  	[spmem:s23] =	stream.linear.scatter [tilespmem:s29], [sflag:$0x4], $0x1400, $0x38;
	[tilespmem:$0x1FF00] =	vst v63  }
0x3a: {  	s24 =	rddreg [dreg:$0xa]  }
0x3b: {  	[spmem:s24] =	stream.linear.scatter [tilespmem:s29], [sflag:$0x4], $0x1400, $0x38;
	[tilespmem:$0x1FF00] =	vst v63  }
0x3c: {  	s13 =	rddreg [dreg:$0xb]  }
0x3d: {  	[spmem:s13] =	stream.linear.scatter [tilespmem:s29], [sflag:$0x4], $0x1400, $0x38;
	[tilespmem:$0x1FF00] =	vst v63  }
0x3e: {  	s14 =	rddreg [dreg:$0xc]  }
0x3f: {  	[spmem:s14] =	stream.linear.scatter [tilespmem:s29], [sflag:$0x4], $0x1400, $0x38;
	[tilespmem:$0x1FF00] =	vst v63  }
0x40: {  	s16 =	rddreg [dreg:$0xd]  }
0x41: {  	[spmem:s16] =	stream.linear.scatter [tilespmem:s29], [sflag:$0x4], $0x1400, $0x38;
	[tilespmem:$0x1FF00] =	vst v63  }
0x42: {  	s17 =	rddreg [dreg:$0xe]  }
0x43: {  	[spmem:s17] =	stream.linear.scatter [tilespmem:s29], [sflag:$0x4], $0x1400, $0x38;
	[tilespmem:$0x1FF00] =	vst v63  }
0x44: {  	s18 =	rddreg [dreg:$0xf]  }
0x45: {  	[spmem:s18] =	stream.linear.scatter [tilespmem:s29], [sflag:$0x4], $0x1400, $0x38;
	[tilespmem:$0x1FF00] =	vst v63  }
0x46: {  	s19 =	rddreg [dreg:$0x10]  }
0x47: {  	[spmem:s19] =	stream.linear.scatter [tilespmem:s29], [sflag:$0x4], $0x1400, $0x38;
	[tilespmem:$0x1FF00] =	vst v63  }
0x48: {  	s20 =	rddreg [dreg:$0x11]  }
0x49: {  	[spmem:s20] =	stream.linear.scatter [tilespmem:s29], [sflag:$0x4], $0x1400, $0x38;
	[tilespmem:$0x1FF00] =	vst v63  }
0x4a: {  	s21 =	rddreg [dreg:$0x12]  }
0x4b: {  	[spmem:s21] =	stream.linear.scatter [tilespmem:s29], [sflag:$0x4], $0x1400, $0x38;
	[tilespmem:$0x1FF00] =	vst v63  }
0x4c: {  	s22 =	rddreg [dreg:$0x13]  }
0x4d: {  	[spmem:s22] =	stream.linear.scatter [tilespmem:s29], [sflag:$0x4], $0x1400, $0x38;
	[tilespmem:$0x1FF00] =	vst v63  }
0x4e: {  	s23 =	rddreg [dreg:$0x14]  }
0x4f: {  	[spmem:s23] =	stream.linear.scatter [tilespmem:s29], [sflag:$0x4], $0x1400, $0x38;
	[tilespmem:$0x1FF00] =	vst v63  }
0x50: {  	s3 =	rddreg [dreg:$0x15];
	s16 =	simm.s32 @!p0 $0x7680  }
0x51: {  	[spmem:s3] =	stream.linear.scatter @!p0 [tilespmem:s16], [sflag:$0x4], $0x1400, $0x38;
	[tilespmem:$0x1FF00] =	vst v63  }
0x52: {  	_ =	swait.ge [sflag:s30], $0x1400  }
0x53: {  	[sflag:s30] =	ssyncset.done $0x0  }
0x54: {  	[sflag:s30] =	ssyncadd.s32 $0xFFFFEC00  }
0x55: {  	_ =	swait.ge [sflag:s30], $0x1400  }
0x56: {  	[sflag:s30] =	ssyncset.done $0x0  }
0x57: {  	[sflag:s30] =	ssyncadd.s32 $0xFFFFEC00  }
0x58: {  	_ =	swait.ge [sflag:s30], $0x1400  }
0x59: {  	[sflag:s30] =	ssyncset.done $0x0  }
0x5a: {  	[sflag:s30] =	ssyncadd.s32 $0xFFFFEC00  }
0x5b: {  	_ =	swait.ge [sflag:s30], $0x1400  }
0x5c: {  	[sflag:s30] =	ssyncset.done $0x0  }
0x5d: {  	[sflag:s30] =	ssyncadd.s32 $0xFFFFEC00  }
0x5e: {  	_ =	swait.ge [sflag:s30], $0x1400  }
0x5f: {  	[sflag:s30] =	ssyncset.done $0x0  }
0x60: {  	[sflag:s30] =	ssyncadd.s32 $0xFFFFEC00  }
0x61: {  	_ =	swait.ge [sflag:s30], $0x1400  }
0x62: {  	[sflag:s30] =	ssyncset.done $0x0  }
0x63: {  	[sflag:s30] =	ssyncadd.s32 $0xFFFFEC00  }
0x64: {  	_ =	swait.ge [sflag:s30], $0x1400  }
0x65: {  	[sflag:s30] =	ssyncset.done $0x0  }
0x66: {  	[sflag:s30] =	ssyncadd.s32 $0xFFFFEC00  }
0x67: {  	_ =	swait.ge [sflag:s30], $0x1400  }
0x68: {  	[sflag:s30] =	ssyncset.done $0x0  }
0x69: {  	[sflag:s30] =	ssyncadd.s32 $0xFFFFEC00  }
0x6a: {  	_ =	swait.ge [sflag:s30], $0x1400  }
0x6b: {  	[sflag:s30] =	ssyncset.done $0x0  }
0x6c: {  	[sflag:s30] =	ssyncadd.s32 $0xFFFFEC00  }
0x6d: {  	_ =	swait.ge [sflag:s30], $0x1400  }
0x6e: {  	[sflag:s30] =	ssyncset.done $0x0  }
0x6f: {  	[sflag:s30] =	ssyncadd.s32 $0xFFFFEC00  }
0x70: {  	_ =	swait.ge [sflag:s30], $0x1400  }
0x71: {  	[sflag:s30] =	ssyncset.done $0x0  }
0x72: {  	[sflag:s30] =	ssyncadd.s32 $0xFFFFEC00  }
0x73: {  	_ =	swait.ge [sflag:s30], $0x1400  }
0x74: {  	[sflag:s30] =	ssyncset.done $0x0  }
0x75: {  	[sflag:s30] =	ssyncadd.s32 $0xFFFFEC00  }
0x76: {  	_ =	swait.ge [sflag:s30], $0x1400  }
0x77: {  	[sflag:s30] =	ssyncset.done $0x0  }
0x78: {  	[sflag:s30] =	ssyncadd.s32 $0xFFFFEC00  }
0x79: {  	_ =	swait.ge [sflag:s30], $0x1400  }
0x7a: {  	[sflag:s30] =	ssyncset.done $0x0  }
0x7b: {  	[sflag:s30] =	ssyncadd.s32 $0xFFFFEC00  }
0x7c: {  	_ =	swait.ge [sflag:s30], $0x1400  }
0x7d: {  	[sflag:s30] =	ssyncset.done $0x0  }
0x7e: {  	s16 =	simm.s32 @!p1 $0x4;
	[sflag:s30] =	ssyncadd.s32 $0xFFFFEC00  }
0x7f: {  	_ =	swait.ge @!p1 [sflag:s16], $0x1400  }
0x80: {  	[sflag:s16] =	ssyncset.done @!p1 $0x0  }
0x81: {  	[sflag:s16] =	ssyncadd.s32 @!p1 $0xFFFFEC00  }
0x82: {  	_ =	swait.ge [sflag:s31], $0x2710  }
0x83: {  	[sflag:s31] =	ssyncset.done $0x0  }
0x84: {  	[sflag:s31] =	ssyncadd.s32 $0xFFFFD8F0  }
0x85: {  	_ =	swait.ge [sflag:s0], $0x2710  }
0x86: {  	[sflag:s0] =	ssyncset.done $0x0  }
0x87: {  	[sflag:s0] =	ssyncadd.s32 $0xFFFFD8F0  }
0x88: {  	_ =	swait.ge [sflag:s26], $0x2710  }
0x89: {  	[sflag:s26] =	ssyncset.done $0x0  }
0x8a: {  	[sflag:s26] =	ssyncadd.s32 $0xFFFFD8F0  }
0x8b: {  	s16 =	simm.s32 $0x0;
	[bflag:$0x0] =	sbarrier.arrive $0xFFFF  }
0x8c: {  	[tilespmem:s29], [sflag:$0x1] =	stream.indirect.gather [hbm4b:s4+s5], $0x80, s16, s5, $0xb8;
	[tilespmem:$0x1FF00] =	vst v63  }
0x8d: {  	_ = 	snop  }
0x8e: {  	[tilespmem:s6], [sflag:$0x2] =	stream.indirect.gather [hbm4b:s4+s5], $0x80, s5, s5, $0xb8;
	[tilespmem:$0x1FF00] =	vst v63  }
0x8f: {  	s24 =	simm.s32 $0x50;
	s17 =	simm.s32 $0x0  }
0x90: {  	[tilespmem:s8], [sflag:$0x3] =	stream.indirect.gather [hbm4b:s4+s5], $0x80, s24, s5, $0xb8;
	[tilespmem:$0x1FF00] =	vst v63  }
.LBB2_4:
0x91: {  	s20 =	sadd.s32 $0xFFFFFFFC, s16;
	_ =	swait.ge [sflag:s31], $0x1400;
	p2 =	seq.s32 s17, $0x0  }
0x92: {  	s18 =	sadd.s32 $0x6, s20;
	s22 =	sadd.s32 $0x4, s20;
	[sflag:s31] =	ssyncset.done $0x0  }
0x93: {  	s19 =	simm.s32 @!p2 $0x8;
	v1 =	vmov s18;
	[sflag:s31] =	ssyncadd.s32 $0xFFFFEC00;
	s18 =	sshllo.u32 s17, $0x2  }
0x94: {  	v2 =	vmov s22;
	_ =	swait.ge @!p2 [sflag:s19], $0x1400;
	s21 =	smul.u32 $0xA0, s18  }
0x95: {  	v2 =	vand.u32 $0xFFFFFFFC, v2;
	[sflag:s19] =	ssyncset.done @!p2 $0x0  }
0x96: {  	v1 =	vand.u32 $0xFFFFFFFE, v1;
	v2 =	vbroadcast v2, $0x0;
	[sflag:s19] =	ssyncadd.s32 @!p2 $0xFFFFEC00;
	s23 =	sshra.s32 s21, $0x2;
	s19 =	simm.s32 $0x7780  }
0x97: {  	v1 =	vbroadcast v1, $0x0;
	[tilespmem:s9], [sflag:$0x4] =	stream.indirect.gather [hbm4b:s4+s5], $0x80, s23, s5, $0xb8;
	[tilespmem:$0x1FF00] =	vst v63  }
0x98: {  	v3 =	vld [tilespmem:s19+$0x70]  }
0x99: {  	v5 =	vld [tilespmem:s19+$0xFFFFFF00]  }
0x9a: {  	s24 =	sadd.s32 $0x5, s20;
	v6 =	vld [tilespmem:s19+$0xFFFFFF10]  }
0x9b: {  	v4 =	vmov s24;
	v7 =	vld [tilespmem:s19+$0xFFFFFF20]  }
0x9c: {  	v4 =	vand.u32 $0xFFFFFFFD, v4;
	v2 =	vld.idx.msk [tilespmem:v2+s28+$0x0], $0xffff  }
0x9d: {  	v4 =	vbroadcast v4, $0x0;
	v1 =	vld.idx.msk [tilespmem:v1+s28+$0x0], $0xffff  }
0x9e: {  	v8 =	vld [tilespmem:s19+$0xFFFFFF30]  }
0x9f: {  	v9 =	vld [tilespmem:s19+$0xFFFFFF40]  }
0xa0: {  	v10 =	vld [tilespmem:s19+$0xFFFFFF50]  }
0xa1: {  	v11 =	vld [tilespmem:s19+$0xFFFFFF60];
	v5 =	vmul.f32 v5, v2  }
0xa2: {  	v13 =	vld [tilespmem:s19+$0xFFFFFFD0];
	v3 =	vmul.f32 v3, v1  }
0xa3: {  	v4 =	vld.idx.msk [tilespmem:v4+s28+$0x0], $0xffff;
	[tilespmem:s19+$0xFFFFFF00] =	vst v5;
	v5 =	vmul.f32 v6, v2  }
0xa4: {  	v6 =	vld [tilespmem:s19+$0xFFFFFF70];
	[tilespmem:s19+$0x70] =	vst v3;
	v3 =	vmul.f32 v7, v2  }
0xa5: {  	s20 =	sadd.s32 $0x7, s20;
	v7 =	vld [tilespmem:s19+$0xFFFFFF80];
	[tilespmem:s19+$0xFFFFFF10] =	vst v5;
	v5 =	vmul.f32 v8, v2  }
0xa6: {  	v12 =	vmov s20;
	v8 =	vld [tilespmem:s19+$0xFFFFFF90];
	[tilespmem:s19+$0xFFFFFF20] =	vst v3;
	v3 =	vmul.f32 v9, v2  }
0xa7: {  	v9 =	vld [tilespmem:s19+$0xFFFFFFA0];
	[tilespmem:s19+$0xFFFFFF30] =	vst v5;
	v5 =	vmul.f32 v10, v2  }
0xa8: {  	v10 =	vld [tilespmem:s19+$0xFFFFFFB0];
	[tilespmem:s19+$0xFFFFFF40] =	vst v3;
	v3 =	vmul.f32 v11, v2  }
0xa9: {  	v11 =	vld [tilespmem:s19+$0xFFFFFFC0];
	v6 =	vmul.f32 v6, v2;
	[tilespmem:s19+$0xFFFFFF50] =	vst v5  }
0xaa: {  	v14 =	vld [tilespmem:s19+$0xFFFFFFE0];
	v5 =	vmul.f32 v7, v4;
	[tilespmem:s19+$0xFFFFFF60] =	vst v3  }
0xab: {  	v2 =	vld.idx.msk [tilespmem:v12+s28+$0x0], $0xffff;
	v3 =	vmul.f32 v8, v4;
	[tilespmem:s19+$0xFFFFFF70] =	vst v6  }
0xac: {  	v8 =	vld [tilespmem:s19+$0xFFFFFFF0];
	[tilespmem:s19+$0xFFFFFF80] =	vst v5;
	v5 =	vmul.f32 v9, v4  }
0xad: {  	v7 =	vld [tilespmem:s19+$0x0];
	[tilespmem:s19+$0xFFFFFF90] =	vst v3;
	v3 =	vmul.f32 v10, v4  }
0xae: {  	v6 =	vld [tilespmem:s19+$0x10];
	v9 =	vmul.f32 v11, v4;
	[tilespmem:s19+$0xFFFFFFA0] =	vst v5  }
0xaf: {  	v10 =	vmul.f32 v13, v4;
	v5 =	vld [tilespmem:s19+$0x20];
	[tilespmem:s19+$0xFFFFFFB0] =	vst v3  }
0xb0: {  	[tilespmem:s19+$0xFFFFFFC0] =	vst v9;
	v3 =	vld [tilespmem:s19+$0x30];
	v9 =	vmul.f32 v14, v4  }
0xb1: {  	s20 =	smul.u32 $0xA0, s17;
	s22 =	simm.s32 $0x0;
	s21 =	simm.s32 $0x7780;
	[tilespmem:s19+$0xFFFFFFD0] =	vst v10;
	v8 =	vmul.f32 v8, v4;
	v4 =	vld [tilespmem:s19+$0x40]  }
.LBB2_5:
0xb2: {  	s23 =	sadd.s32 s22, s16;
	s22 =	sadd.s32 $0x4, s22;
	[tilespmem:s19+$0xFFFFFFE0] =	vst v9;
	v7 =	vmul.f32 v7, v1;
	v9 =	vld [tilespmem:s19+$0x50]  }
0xb3: {  	s24 =	sadd.s32 $0x4, s23;
	s3 =	sadd.s32 $0x6, s23;
	p2 =	slt.u32 s22, $0x24;
	[tilespmem:s19+$0xFFFFFFF0] =	vst v8;
	v6 =	vmul.f32 v6, v1;
	v8 =	vld [tilespmem:s19+$0x60]  }
0xb4: {  	v10 =	vmov s24;
	s24 =	sadd.s32 $0x5, s23;
	v11 =	vmov s3;
	s3 =	sadd.s32 $0x7, s23;
	[tilespmem:s19+$0x0] =	vst v7;
	v5 =	vmul.f32 v5, v1;
	v7 =	vld [tilespmem:s19+$0x80]  }
0xb5: {  	v10 =	vand.u32 $0xFFFFFFFC, v10;
	v12 =	vmov s24;
	v11 =	vand.u32 $0xFFFFFFFE, v11;
	[tilespmem:s19+$0x10] =	vst v6;
	v6 =	vld [tilespmem:s19+$0x90]  }
0xb6: {  	v10 =	vbroadcast v10, $0x0;
	v12 =	vand.u32 $0xFFFFFFFD, v12;
	v11 =	vbroadcast v11, $0x0;
	[tilespmem:s19+$0x20] =	vst v5;
	v5 =	vld [tilespmem:s19+$0xA0]  }
0xb7: {  	v13 =	vmov s3;
	v3 =	vmul.f32 v3, v1;
	v12 =	vbroadcast v12, $0x0;
	v14 =	vld [tilespmem:s19+$0xB0]  }
0xb8: {  	v4 =	vmul.f32 v4, v1;
	v9 =	vmul.f32 v9, v1;
	v15 =	vld [tilespmem:s19+$0xC0]  }
0xb9: {  	[tilespmem:s19+$0x30] =	vst v3;
	v3 =	vmul.f32 v8, v1;
	v7 =	vmul.f32 v7, v2;
	v8 =	vld [tilespmem:s19+$0xD0]  }
0xba: {  	[tilespmem:s19+$0x40] =	vst v4;
	v4 =	vmul.f32 v6, v2;
	v6 =	vld [tilespmem:s19+$0xE0]  }
0xbb: {  	[tilespmem:s19+$0x50] =	vst v9;
	v5 =	vmul.f32 v5, v2;
	v9 =	vld [tilespmem:s19+$0xF0]  }
0xbc: {  	s19 =	sadd.s32 $0x200, s19;
	v1 =	vld.idx.msk [tilespmem:v11+s28+$0x0], $0xffff;
	[tilespmem:s21+$0x60] =	vst v3;
	v3 =	vmul.f32 v14, v2  }
0xbd: {  	v11 =	vld [tilespmem:s19+$0x70];
	[tilespmem:s21+$0x80] =	vst v7;
	v7 =	vmul.f32 v15, v2  }
0xbe: {  	v10 =	vld.idx.msk [tilespmem:v10+s28+$0x0], $0xffff;
	[tilespmem:s21+$0x90] =	vst v4;
	v4 =	vmul.f32 v8, v2  }
0xbf: {  	v8 =	vld.idx.msk [tilespmem:v12+s28+$0x0], $0xffff;
	[tilespmem:s21+$0xA0] =	vst v5;
	v5 =	vmul.f32 v6, v2  }
0xc0: {  	[tilespmem:s21+$0xB0] =	vst v3;
	v3 =	vmul.f32 v9, v2;
	v2 =	vld.idx.msk [tilespmem:v13+s28+$0x0], $0xffff  }
0xc1: {  	v6 =	vld [tilespmem:s19+$0xFFFFFF00];
	[tilespmem:s21+$0xC0] =	vst v7  }
0xc2: {  	v7 =	vld [tilespmem:s19+$0xFFFFFF10];
	v9 =	vmul.f32 v11, v1;
	[tilespmem:s21+$0xD0] =	vst v4  }
0xc3: {  	v4 =	vld [tilespmem:s19+$0xFFFFFF20];
	[tilespmem:s21+$0xE0] =	vst v5  }
0xc4: {  	v5 =	vld [tilespmem:s19+$0xFFFFFF30];
	[tilespmem:s19+$0x70] =	vst v9  }
0xc5: {  	v9 =	vld [tilespmem:s19+$0xFFFFFF40];
	[tilespmem:s21+$0xF0] =	vst v3;
	s21 =	smov.u32 s19  }
0xc6: {  	v3 =	vmul.f32 v6, v10;
	v6 =	vld [tilespmem:s19+$0xFFFFFF50]  }
0xc7: {  	v7 =	vmul.f32 v7, v10;
	v11 =	vld [tilespmem:s19+$0xFFFFFF60]  }
0xc8: {  	[tilespmem:s19+$0xFFFFFF00] =	vst v3;
	v3 =	vmul.f32 v4, v10;
	v4 =	vld [tilespmem:s19+$0xFFFFFF70]  }
0xc9: {  	[tilespmem:s19+$0xFFFFFF10] =	vst v7;
	v5 =	vmul.f32 v5, v10;
	v7 =	vld [tilespmem:s19+$0xFFFFFF80]  }
0xca: {  	[tilespmem:s19+$0xFFFFFF20] =	vst v3;
	v3 =	vmul.f32 v9, v10;
	v9 =	vld [tilespmem:s19+$0xFFFFFF90]  }
0xcb: {  	[tilespmem:s19+$0xFFFFFF30] =	vst v5;
	v5 =	vmul.f32 v6, v10;
	v6 =	vld [tilespmem:s19+$0xFFFFFFA0]  }
0xcc: {  	[tilespmem:s19+$0xFFFFFF40] =	vst v3;
	v3 =	vmul.f32 v11, v10;
	v11 =	vld [tilespmem:s19+$0xFFFFFFB0]  }
0xcd: {  	[tilespmem:s19+$0xFFFFFF50] =	vst v5;
	v4 =	vmul.f32 v4, v10;
	v5 =	vld [tilespmem:s19+$0xFFFFFFC0]  }
0xce: {  	[tilespmem:s19+$0xFFFFFF60] =	vst v3;
	v3 =	vmul.f32 v7, v8;
	v10 =	vld [tilespmem:s19+$0xFFFFFFD0]  }
0xcf: {  	[tilespmem:s19+$0xFFFFFF70] =	vst v4;
	v4 =	vmul.f32 v9, v8;
	v9 =	vld [tilespmem:s19+$0xFFFFFFE0]  }
0xd0: {  	[tilespmem:s19+$0xFFFFFF80] =	vst v3;
	v3 =	vmul.f32 v6, v8;
	v12 =	vld [tilespmem:s19+$0xFFFFFFF0]  }
.Ltmp1:
0xd1: {  	[tilespmem:s19+$0xFFFFFF90] =	vst v4;
	v4 =	vmul.f32 v11, v8;
	v7 =	vld [tilespmem:s19+$0x0];
	(pc) =	sbr.rel @p2 .LBB2_5-.Ltmp1, $4  }
0xd2: {  	[tilespmem:s19+$0xFFFFFFA0] =	vst v3;
	v3 =	vmul.f32 v5, v8;
	v6 =	vld [tilespmem:s19+$0x10]  }
0xd3: {  	[tilespmem:s19+$0xFFFFFFB0] =	vst v4;
	v4 =	vmul.f32 v10, v8;
	v5 =	vld [tilespmem:s19+$0x20]  }
0xd4: {  	[tilespmem:s19+$0xFFFFFFC0] =	vst v3;
	v9 =	vmul.f32 v9, v8;
	v3 =	vld [tilespmem:s19+$0x30]  }
0xd5: {  	[tilespmem:s19+$0xFFFFFFD0] =	vst v4;
	v8 =	vmul.f32 v12, v8;
	v4 =	vld [tilespmem:s19+$0x40]  }
0xd6: {  	v10 =	vld [tilespmem:s19+$0x50];
	[tilespmem:s19+$0xFFFFFFE0] =	vst v9;
	v7 =	vmul.f32 v7, v1  }
0xd7: {  	v9 =	vld [tilespmem:s19+$0x60];
	[tilespmem:s19+$0xFFFFFFF0] =	vst v8;
	v6 =	vmul.f32 v6, v1  }
0xd8: {  	v8 =	vld [tilespmem:s19+$0x80];
	[tilespmem:s19+$0x0] =	vst v7;
	v5 =	vmul.f32 v5, v1  }
0xd9: {  	v7 =	vld [tilespmem:s19+$0x90];
	[tilespmem:s19+$0x10] =	vst v6;
	v3 =	vmul.f32 v3, v1  }
0xda: {  	v6 =	vld [tilespmem:s19+$0xA0];
	[tilespmem:s19+$0x20] =	vst v5;
	v4 =	vmul.f32 v4, v1  }
0xdb: {  	v5 =	vld [tilespmem:s19+$0xB0];
	v10 =	vmul.f32 v10, v1;
	[tilespmem:s19+$0x30] =	vst v3  }
0xdc: {  	v11 =	vld [tilespmem:s19+$0xC0];
	v1 =	vmul.f32 v9, v1;
	[tilespmem:s19+$0x40] =	vst v4  }
0xdd: {  	v3 =	vld [tilespmem:s19+$0xD0];
	v4 =	vmul.f32 v8, v2;
	[tilespmem:s19+$0x50] =	vst v10  }
0xde: {  	v8 =	vld [tilespmem:s19+$0xE0];
	v7 =	vmul.f32 v7, v2;
	[tilespmem:s21+$0x60] =	vst v1  }
0xdf: {  	v9 =	vld [tilespmem:s19+$0xF0];
	v1 =	vmul.f32 v6, v2;
	[tilespmem:s21+$0x80] =	vst v4  }
0xe0: {  	v4 =	vmul.f32 v5, v2;
	[tilespmem:s21+$0x90] =	vst v7  }
0xe1: {  	v5 =	vmul.f32 v11, v2;
	[tilespmem:s21+$0xA0] =	vst v1  }
0xe2: {  	v1 =	vmul.f32 v3, v2;
	[tilespmem:s21+$0xB0] =	vst v4  }
0xe3: {  	v3 =	vmul.f32 v8, v2;
	[tilespmem:s21+$0xC0] =	vst v5  }
0xe4: {  	v2 =	vmul.f32 v9, v2;
	[tilespmem:s21+$0xD0] =	vst v1  }
0xe5: {  	s3 =	sadd.s32 $0xFFFFFFFC, s16;
	[tilespmem:s21+$0xE0] =	vst v3  }
0xe6: {  	s13 =	sadd.s32 $0x2780, s20;
	s14 =	sadd.s32 $0x2E, s3;
	[tilespmem:s21+$0xF0] =	vst v2  }
0xe7: {  	v1 =	vmov s14;
	[spmem:s1] =	stream.indirect.scatter.add.f32 [tilespmem:s29], [sflag:$0x5], $0x80, s13, s5, $0xb8;
	[tilespmem:$0x1FF00] =	vst v63  }
0xe8: {  	s22 =	sadd.s32 $0x2C, s3;
	v1 =	vand.u32 $0xFFFFFFFE, v1;
	_ =	swait.ge [sflag:s0], $0x1400  }
0xe9: {  	v2 =	vmov s22;
	v1 =	vbroadcast v1, $0x0;
	[sflag:s0] =	ssyncset.done $0x0  }
0xea: {  	s23 =	smul.u32 $0x280, s17;
	v2 =	vand.u32 $0xFFFFFFFC, v2;
	[sflag:s0] =	ssyncadd.s32 $0xFFFFEC00  }
0xeb: {  	v2 =	vbroadcast v2, $0x0;
	_ =	swait.ge [sflag:s11], $0x1400  }
0xec: {  	s19 =	sshra.s32 s23, $0x2;
	[sflag:s11] =	ssyncset.done $0x0  }
0xed: {  	s24 =	sadd.s32 $0xA0, s19;
	[sflag:s11] =	ssyncadd.s32 $0xFFFFEC00  }
0xee: {  	[tilespmem:s29], [sflag:$0x1] =	stream.indirect.gather [hbm4b:s4+s5], $0x80, s24, s5, $0xb8;
	[tilespmem:$0x1FF00] =	vst v63  }
0xef: {  	s21 =	simm.s32 $0x8B80;
	v1 =	vld.idx.msk [tilespmem:v1+s28+$0x0], $0xffff  }
0xf0: {  	s22 =	sadd.s32 $0x2D, s3;
	v3 =	vld [tilespmem:s21+$0x70]  }
0xf1: {  	v4 =	vmov s22;
	v2 =	vld.idx.msk [tilespmem:v2+s28+$0x0], $0xffff  }
0xf2: {  	v4 =	vand.u32 $0xFFFFFFFD, v4;
	v5 =	vld [tilespmem:s21+$0xFFFFFF00]  }
0xf3: {  	v4 =	vbroadcast v4, $0x0;
	v6 =	vld [tilespmem:s21+$0xFFFFFF10]  }
0xf4: {  	v7 =	vld [tilespmem:s21+$0xFFFFFF20]  }
0xf5: {  	v8 =	vld [tilespmem:s21+$0xFFFFFF30]  }
0xf6: {  	v9 =	vld [tilespmem:s21+$0xFFFFFF40]  }
0xf7: {  	v10 =	vld [tilespmem:s21+$0xFFFFFF50]  }
0xf8: {  	v11 =	vld [tilespmem:s21+$0xFFFFFF60];
	v5 =	vmul.f32 v5, v2  }
0xf9: {  	v4 =	vld.idx.msk [tilespmem:v4+s28+$0x0], $0xffff;
	v3 =	vmul.f32 v3, v1  }
0xfa: {  	v13 =	vld [tilespmem:s21+$0xFFFFFFD0];
	[tilespmem:s21+$0xFFFFFF00] =	vst v5;
	v5 =	vmul.f32 v6, v2  }
0xfb: {  	v6 =	vld [tilespmem:s21+$0xFFFFFF70];
	[tilespmem:s21+$0x70] =	vst v3;
	v3 =	vmul.f32 v7, v2  }
0xfc: {  	s3 =	sadd.s32 $0x2F, s3;
	v7 =	vld [tilespmem:s21+$0xFFFFFF80];
	[tilespmem:s21+$0xFFFFFF10] =	vst v5;
	v5 =	vmul.f32 v8, v2  }
0xfd: {  	v12 =	vmov s3;
	v8 =	vld [tilespmem:s21+$0xFFFFFF90];
	[tilespmem:s21+$0xFFFFFF20] =	vst v3;
	v3 =	vmul.f32 v9, v2  }
0xfe: {  	v9 =	vld [tilespmem:s21+$0xFFFFFFA0];
	[tilespmem:s21+$0xFFFFFF30] =	vst v5;
	v5 =	vmul.f32 v10, v2  }
0xff: {  	v10 =	vld [tilespmem:s21+$0xFFFFFFB0];
	[tilespmem:s21+$0xFFFFFF40] =	vst v3;
	v3 =	vmul.f32 v11, v2  }
0x100: {  	v11 =	vld [tilespmem:s21+$0xFFFFFFC0];
	v6 =	vmul.f32 v6, v2;
	[tilespmem:s21+$0xFFFFFF50] =	vst v5  }
0x101: {  	v14 =	vld [tilespmem:s21+$0xFFFFFFE0];
	v5 =	vmul.f32 v7, v4;
	[tilespmem:s21+$0xFFFFFF60] =	vst v3  }
0x102: {  	v2 =	vld.idx.msk [tilespmem:v12+s28+$0x0], $0xffff;
	v3 =	vmul.f32 v8, v4;
	[tilespmem:s21+$0xFFFFFF70] =	vst v6  }
0x103: {  	v8 =	vld [tilespmem:s21+$0xFFFFFFF0];
	[tilespmem:s21+$0xFFFFFF80] =	vst v5;
	v5 =	vmul.f32 v9, v4  }
0x104: {  	v7 =	vld [tilespmem:s21+$0x0];
	[tilespmem:s21+$0xFFFFFF90] =	vst v3;
	v3 =	vmul.f32 v10, v4  }
0x105: {  	v6 =	vld [tilespmem:s21+$0x10];
	v9 =	vmul.f32 v11, v4;
	[tilespmem:s21+$0xFFFFFFA0] =	vst v5  }
0x106: {  	v10 =	vmul.f32 v13, v4;
	v5 =	vld [tilespmem:s21+$0x20];
	[tilespmem:s21+$0xFFFFFFB0] =	vst v3  }
0x107: {  	[tilespmem:s21+$0xFFFFFFC0] =	vst v9;
	v3 =	vld [tilespmem:s21+$0x30];
	v9 =	vmul.f32 v14, v4  }
0x108: {  	s23 =	simm.s32 $0x8B80;
	s22 =	sadd.s32 $0x28, s20;
	s24 =	simm.s32 $0x0;
	[tilespmem:s21+$0xFFFFFFD0] =	vst v10;
	v8 =	vmul.f32 v8, v4;
	v4 =	vld [tilespmem:s21+$0x40]  }
.LBB2_7:
0x109: {  	s3 =	sadd.s32 s24, s16;
	s24 =	sadd.s32 $0x4, s24;
	[tilespmem:s21+$0xFFFFFFE0] =	vst v9;
	v7 =	vmul.f32 v7, v1;
	v9 =	vld [tilespmem:s21+$0x50]  }
0x10a: {  	s13 =	sadd.s32 $0x2C, s3;
	s14 =	sadd.s32 $0x2E, s3;
	p2 =	slt.u32 s24, $0x24;
	[tilespmem:s21+$0xFFFFFFF0] =	vst v8;
	v6 =	vmul.f32 v6, v1;
	v8 =	vld [tilespmem:s21+$0x60]  }
0x10b: {  	v10 =	vmov s13;
	s13 =	sadd.s32 $0x2D, s3;
	v11 =	vmov s14;
	s3 =	sadd.s32 $0x2F, s3;
	[tilespmem:s21+$0x0] =	vst v7;
	v5 =	vmul.f32 v5, v1;
	v7 =	vld [tilespmem:s21+$0x80]  }
0x10c: {  	v10 =	vand.u32 $0xFFFFFFFC, v10;
	v12 =	vmov s13;
	v11 =	vand.u32 $0xFFFFFFFE, v11;
	[tilespmem:s21+$0x10] =	vst v6;
	v6 =	vld [tilespmem:s21+$0x90]  }
0x10d: {  	v10 =	vbroadcast v10, $0x0;
	v12 =	vand.u32 $0xFFFFFFFD, v12;
	v11 =	vbroadcast v11, $0x0;
	[tilespmem:s21+$0x20] =	vst v5;
	v5 =	vld [tilespmem:s21+$0xA0]  }
0x10e: {  	v13 =	vmov s3;
	v3 =	vmul.f32 v3, v1;
	v12 =	vbroadcast v12, $0x0;
	v14 =	vld [tilespmem:s21+$0xB0]  }
0x10f: {  	v4 =	vmul.f32 v4, v1;
	v9 =	vmul.f32 v9, v1;
	v15 =	vld [tilespmem:s21+$0xC0]  }
0x110: {  	[tilespmem:s21+$0x30] =	vst v3;
	v3 =	vmul.f32 v8, v1;
	v7 =	vmul.f32 v7, v2;
	v8 =	vld [tilespmem:s21+$0xD0]  }
0x111: {  	[tilespmem:s21+$0x40] =	vst v4;
	v4 =	vmul.f32 v6, v2;
	v6 =	vld [tilespmem:s21+$0xE0]  }
0x112: {  	[tilespmem:s21+$0x50] =	vst v9;
	v5 =	vmul.f32 v5, v2;
	v9 =	vld [tilespmem:s21+$0xF0]  }
0x113: {  	s21 =	sadd.s32 $0x200, s21;
	v1 =	vld.idx.msk [tilespmem:v11+s28+$0x0], $0xffff;
	[tilespmem:s23+$0x60] =	vst v3;
	v3 =	vmul.f32 v14, v2  }
0x114: {  	v11 =	vld [tilespmem:s21+$0x70];
	[tilespmem:s23+$0x80] =	vst v7;
	v7 =	vmul.f32 v15, v2  }
0x115: {  	v10 =	vld.idx.msk [tilespmem:v10+s28+$0x0], $0xffff;
	[tilespmem:s23+$0x90] =	vst v4;
	v4 =	vmul.f32 v8, v2  }
0x116: {  	v8 =	vld.idx.msk [tilespmem:v12+s28+$0x0], $0xffff;
	[tilespmem:s23+$0xA0] =	vst v5;
	v5 =	vmul.f32 v6, v2  }
0x117: {  	[tilespmem:s23+$0xB0] =	vst v3;
	v3 =	vmul.f32 v9, v2;
	v2 =	vld.idx.msk [tilespmem:v13+s28+$0x0], $0xffff  }
0x118: {  	v6 =	vld [tilespmem:s21+$0xFFFFFF00];
	[tilespmem:s23+$0xC0] =	vst v7  }
0x119: {  	v7 =	vld [tilespmem:s21+$0xFFFFFF10];
	v9 =	vmul.f32 v11, v1;
	[tilespmem:s23+$0xD0] =	vst v4  }
0x11a: {  	v4 =	vld [tilespmem:s21+$0xFFFFFF20];
	[tilespmem:s23+$0xE0] =	vst v5  }
0x11b: {  	v5 =	vld [tilespmem:s21+$0xFFFFFF30];
	[tilespmem:s21+$0x70] =	vst v9  }
0x11c: {  	v9 =	vld [tilespmem:s21+$0xFFFFFF40];
	[tilespmem:s23+$0xF0] =	vst v3;
	s23 =	smov.u32 s21  }
0x11d: {  	v3 =	vmul.f32 v6, v10;
	v6 =	vld [tilespmem:s21+$0xFFFFFF50]  }
0x11e: {  	v7 =	vmul.f32 v7, v10;
	v11 =	vld [tilespmem:s21+$0xFFFFFF60]  }
0x11f: {  	[tilespmem:s21+$0xFFFFFF00] =	vst v3;
	v3 =	vmul.f32 v4, v10;
	v4 =	vld [tilespmem:s21+$0xFFFFFF70]  }
0x120: {  	[tilespmem:s21+$0xFFFFFF10] =	vst v7;
	v5 =	vmul.f32 v5, v10;
	v7 =	vld [tilespmem:s21+$0xFFFFFF80]  }
0x121: {  	[tilespmem:s21+$0xFFFFFF20] =	vst v3;
	v3 =	vmul.f32 v9, v10;
	v9 =	vld [tilespmem:s21+$0xFFFFFF90]  }
0x122: {  	[tilespmem:s21+$0xFFFFFF30] =	vst v5;
	v5 =	vmul.f32 v6, v10;
	v6 =	vld [tilespmem:s21+$0xFFFFFFA0]  }
0x123: {  	[tilespmem:s21+$0xFFFFFF40] =	vst v3;
	v3 =	vmul.f32 v11, v10;
	v11 =	vld [tilespmem:s21+$0xFFFFFFB0]  }
0x124: {  	[tilespmem:s21+$0xFFFFFF50] =	vst v5;
	v4 =	vmul.f32 v4, v10;
	v5 =	vld [tilespmem:s21+$0xFFFFFFC0]  }
0x125: {  	[tilespmem:s21+$0xFFFFFF60] =	vst v3;
	v3 =	vmul.f32 v7, v8;
	v10 =	vld [tilespmem:s21+$0xFFFFFFD0]  }
0x126: {  	[tilespmem:s21+$0xFFFFFF70] =	vst v4;
	v4 =	vmul.f32 v9, v8;
	v9 =	vld [tilespmem:s21+$0xFFFFFFE0]  }
0x127: {  	[tilespmem:s21+$0xFFFFFF80] =	vst v3;
	v3 =	vmul.f32 v6, v8;
	v12 =	vld [tilespmem:s21+$0xFFFFFFF0]  }
.Ltmp2:
0x128: {  	[tilespmem:s21+$0xFFFFFF90] =	vst v4;
	v4 =	vmul.f32 v11, v8;
	v7 =	vld [tilespmem:s21+$0x0];
	(pc) =	sbr.rel @p2 .LBB2_7-.Ltmp2, $4  }
0x129: {  	[tilespmem:s21+$0xFFFFFFA0] =	vst v3;
	v3 =	vmul.f32 v5, v8;
	v6 =	vld [tilespmem:s21+$0x10]  }
0x12a: {  	[tilespmem:s21+$0xFFFFFFB0] =	vst v4;
	v4 =	vmul.f32 v10, v8;
	v5 =	vld [tilespmem:s21+$0x20]  }
0x12b: {  	[tilespmem:s21+$0xFFFFFFC0] =	vst v3;
	v9 =	vmul.f32 v9, v8;
	v3 =	vld [tilespmem:s21+$0x30]  }
0x12c: {  	[tilespmem:s21+$0xFFFFFFD0] =	vst v4;
	v8 =	vmul.f32 v12, v8;
	v4 =	vld [tilespmem:s21+$0x40]  }
0x12d: {  	v10 =	vld [tilespmem:s21+$0x50];
	[tilespmem:s21+$0xFFFFFFE0] =	vst v9;
	v7 =	vmul.f32 v7, v1  }
0x12e: {  	v9 =	vld [tilespmem:s21+$0x60];
	[tilespmem:s21+$0xFFFFFFF0] =	vst v8;
	v6 =	vmul.f32 v6, v1  }
0x12f: {  	v8 =	vld [tilespmem:s21+$0x80];
	[tilespmem:s21+$0x0] =	vst v7;
	v5 =	vmul.f32 v5, v1  }
0x130: {  	v7 =	vld [tilespmem:s21+$0x90];
	[tilespmem:s21+$0x10] =	vst v6;
	v3 =	vmul.f32 v3, v1  }
0x131: {  	v6 =	vld [tilespmem:s21+$0xA0];
	[tilespmem:s21+$0x20] =	vst v5;
	v4 =	vmul.f32 v4, v1  }
0x132: {  	v5 =	vld [tilespmem:s21+$0xB0];
	v10 =	vmul.f32 v10, v1;
	[tilespmem:s21+$0x30] =	vst v3  }
0x133: {  	v11 =	vld [tilespmem:s21+$0xC0];
	v1 =	vmul.f32 v9, v1;
	[tilespmem:s21+$0x40] =	vst v4  }
0x134: {  	v3 =	vld [tilespmem:s21+$0xD0];
	v4 =	vmul.f32 v8, v2;
	[tilespmem:s21+$0x50] =	vst v10  }
0x135: {  	v8 =	vld [tilespmem:s21+$0xE0];
	v7 =	vmul.f32 v7, v2;
	[tilespmem:s23+$0x60] =	vst v1  }
0x136: {  	v9 =	vld [tilespmem:s21+$0xF0];
	v1 =	vmul.f32 v6, v2;
	[tilespmem:s23+$0x80] =	vst v4  }
0x137: {  	v4 =	vmul.f32 v5, v2;
	[tilespmem:s23+$0x90] =	vst v7  }
0x138: {  	v5 =	vmul.f32 v11, v2;
	[tilespmem:s23+$0xA0] =	vst v1  }
0x139: {  	v1 =	vmul.f32 v3, v2;
	[tilespmem:s23+$0xB0] =	vst v4  }
0x13a: {  	v3 =	vmul.f32 v8, v2;
	[tilespmem:s23+$0xC0] =	vst v5  }
0x13b: {  	v2 =	vmul.f32 v9, v2;
	[tilespmem:s23+$0xD0] =	vst v1  }
0x13c: {  	s3 =	sadd.s32 $0xFFFFFFFC, s16;
	[tilespmem:s23+$0xE0] =	vst v3  }
0x13d: {  	s13 =	sadd.s32 $0x2780, s22;
	s14 =	sadd.s32 $0x56, s3;
	[tilespmem:s23+$0xF0] =	vst v2  }
0x13e: {  	v1 =	vmov s14;
	[spmem:s1] =	stream.indirect.scatter.add.f32 [tilespmem:s6], [sflag:$0x6], $0x80, s13, s5, $0xb8;
	[tilespmem:$0x1FF00] =	vst v63  }
0x13f: {  	s22 =	sadd.s32 $0x54, s3;
	v1 =	vand.u32 $0xFFFFFFFE, v1;
	_ =	swait.ge [sflag:s26], $0x1400  }
0x140: {  	v2 =	vmov s22;
	v1 =	vbroadcast v1, $0x0;
	[sflag:s26] =	ssyncset.done $0x0  }
0x141: {  	v2 =	vand.u32 $0xFFFFFFFC, v2;
	[sflag:s26] =	ssyncadd.s32 $0xFFFFEC00  }
0x142: {  	v2 =	vbroadcast v2, $0x0;
	_ =	swait.ge [sflag:s12], $0x1400  }
0x143: {  	[sflag:s12] =	ssyncset.done $0x0  }
0x144: {  	s23 =	sadd.s32 $0xC8, s19;
	[sflag:s12] =	ssyncadd.s32 $0xFFFFEC00  }
0x145: {  	[tilespmem:s6], [sflag:$0x2] =	stream.indirect.gather [hbm4b:s4+s5], $0x80, s23, s5, $0xb8;
	[tilespmem:$0x1FF00] =	vst v63  }
0x146: {  	s21 =	simm.s32 $0x9F80;
	v1 =	vld.idx.msk [tilespmem:v1+s28+$0x0], $0xffff  }
0x147: {  	s24 =	sadd.s32 $0x55, s3;
	v3 =	vld [tilespmem:s21+$0x70]  }
0x148: {  	v4 =	vmov s24;
	v2 =	vld.idx.msk [tilespmem:v2+s28+$0x0], $0xffff  }
0x149: {  	v4 =	vand.u32 $0xFFFFFFFD, v4;
	v5 =	vld [tilespmem:s21+$0xFFFFFF00]  }
0x14a: {  	v4 =	vbroadcast v4, $0x0;
	v6 =	vld [tilespmem:s21+$0xFFFFFF10]  }
0x14b: {  	v7 =	vld [tilespmem:s21+$0xFFFFFF20]  }
0x14c: {  	v8 =	vld [tilespmem:s21+$0xFFFFFF30]  }
0x14d: {  	v9 =	vld [tilespmem:s21+$0xFFFFFF40]  }
0x14e: {  	v10 =	vld [tilespmem:s21+$0xFFFFFF50]  }
0x14f: {  	v11 =	vld [tilespmem:s21+$0xFFFFFF60];
	v5 =	vmul.f32 v5, v2  }
0x150: {  	v4 =	vld.idx.msk [tilespmem:v4+s28+$0x0], $0xffff;
	v3 =	vmul.f32 v3, v1  }
0x151: {  	v13 =	vld [tilespmem:s21+$0xFFFFFFD0];
	[tilespmem:s21+$0xFFFFFF00] =	vst v5;
	v5 =	vmul.f32 v6, v2  }
0x152: {  	v6 =	vld [tilespmem:s21+$0xFFFFFF70];
	[tilespmem:s21+$0x70] =	vst v3;
	v3 =	vmul.f32 v7, v2  }
0x153: {  	s3 =	sadd.s32 $0x57, s3;
	v7 =	vld [tilespmem:s21+$0xFFFFFF80];
	[tilespmem:s21+$0xFFFFFF10] =	vst v5;
	v5 =	vmul.f32 v8, v2  }
0x154: {  	v12 =	vmov s3;
	v8 =	vld [tilespmem:s21+$0xFFFFFF90];
	[tilespmem:s21+$0xFFFFFF20] =	vst v3;
	v3 =	vmul.f32 v9, v2  }
0x155: {  	v9 =	vld [tilespmem:s21+$0xFFFFFFA0];
	[tilespmem:s21+$0xFFFFFF30] =	vst v5;
	v5 =	vmul.f32 v10, v2  }
0x156: {  	v10 =	vld [tilespmem:s21+$0xFFFFFFB0];
	[tilespmem:s21+$0xFFFFFF40] =	vst v3;
	v3 =	vmul.f32 v11, v2  }
0x157: {  	v11 =	vld [tilespmem:s21+$0xFFFFFFC0];
	v6 =	vmul.f32 v6, v2;
	[tilespmem:s21+$0xFFFFFF50] =	vst v5  }
0x158: {  	v14 =	vld [tilespmem:s21+$0xFFFFFFE0];
	v5 =	vmul.f32 v7, v4;
	[tilespmem:s21+$0xFFFFFF60] =	vst v3  }
0x159: {  	v2 =	vld.idx.msk [tilespmem:v12+s28+$0x0], $0xffff;
	v3 =	vmul.f32 v8, v4;
	[tilespmem:s21+$0xFFFFFF70] =	vst v6  }
0x15a: {  	v8 =	vld [tilespmem:s21+$0xFFFFFFF0];
	[tilespmem:s21+$0xFFFFFF80] =	vst v5;
	v5 =	vmul.f32 v9, v4  }
0x15b: {  	v7 =	vld [tilespmem:s21+$0x0];
	[tilespmem:s21+$0xFFFFFF90] =	vst v3;
	v3 =	vmul.f32 v10, v4  }
0x15c: {  	v6 =	vld [tilespmem:s21+$0x10];
	v9 =	vmul.f32 v11, v4;
	[tilespmem:s21+$0xFFFFFFA0] =	vst v5  }
0x15d: {  	v10 =	vmul.f32 v13, v4;
	v5 =	vld [tilespmem:s21+$0x20];
	[tilespmem:s21+$0xFFFFFFB0] =	vst v3  }
0x15e: {  	[tilespmem:s21+$0xFFFFFFC0] =	vst v9;
	v3 =	vld [tilespmem:s21+$0x30];
	v9 =	vmul.f32 v14, v4  }
0x15f: {  	s20 =	sadd.s32 $0x50, s20;
	s22 =	simm.s32 $0x9F80;
	s23 =	simm.s32 $0x0;
	[tilespmem:s21+$0xFFFFFFD0] =	vst v10;
	v8 =	vmul.f32 v8, v4;
	v4 =	vld [tilespmem:s21+$0x40]  }
.LBB2_9:
0x160: {  	s3 =	sadd.s32 s23, s16;
	s23 =	sadd.s32 $0x4, s23;
	[tilespmem:s21+$0xFFFFFFE0] =	vst v9;
	v7 =	vmul.f32 v7, v1;
	v9 =	vld [tilespmem:s21+$0x50]  }
0x161: {  	s13 =	sadd.s32 $0x54, s3;
	s14 =	sadd.s32 $0x56, s3;
	p2 =	slt.u32 s23, $0x24;
	[tilespmem:s21+$0xFFFFFFF0] =	vst v8;
	v6 =	vmul.f32 v6, v1;
	v8 =	vld [tilespmem:s21+$0x60]  }
0x162: {  	v10 =	vmov s13;
	s13 =	sadd.s32 $0x55, s3;
	v11 =	vmov s14;
	s3 =	sadd.s32 $0x57, s3;
	[tilespmem:s21+$0x0] =	vst v7;
	v5 =	vmul.f32 v5, v1;
	v7 =	vld [tilespmem:s21+$0x80]  }
0x163: {  	v10 =	vand.u32 $0xFFFFFFFC, v10;
	v12 =	vmov s13;
	v11 =	vand.u32 $0xFFFFFFFE, v11;
	[tilespmem:s21+$0x10] =	vst v6;
	v6 =	vld [tilespmem:s21+$0x90]  }
0x164: {  	v10 =	vbroadcast v10, $0x0;
	v12 =	vand.u32 $0xFFFFFFFD, v12;
	v11 =	vbroadcast v11, $0x0;
	[tilespmem:s21+$0x20] =	vst v5;
	v5 =	vld [tilespmem:s21+$0xA0]  }
0x165: {  	v13 =	vmov s3;
	v3 =	vmul.f32 v3, v1;
	v12 =	vbroadcast v12, $0x0;
	v14 =	vld [tilespmem:s21+$0xB0]  }
0x166: {  	v4 =	vmul.f32 v4, v1;
	v9 =	vmul.f32 v9, v1;
	v15 =	vld [tilespmem:s21+$0xC0]  }
0x167: {  	[tilespmem:s21+$0x30] =	vst v3;
	v3 =	vmul.f32 v8, v1;
	v7 =	vmul.f32 v7, v2;
	v8 =	vld [tilespmem:s21+$0xD0]  }
0x168: {  	[tilespmem:s21+$0x40] =	vst v4;
	v4 =	vmul.f32 v6, v2;
	v6 =	vld [tilespmem:s21+$0xE0]  }
0x169: {  	[tilespmem:s21+$0x50] =	vst v9;
	v5 =	vmul.f32 v5, v2;
	v9 =	vld [tilespmem:s21+$0xF0]  }
0x16a: {  	s21 =	sadd.s32 $0x200, s21;
	v1 =	vld.idx.msk [tilespmem:v11+s28+$0x0], $0xffff;
	[tilespmem:s22+$0x60] =	vst v3;
	v3 =	vmul.f32 v14, v2  }
0x16b: {  	v11 =	vld [tilespmem:s21+$0x70];
	[tilespmem:s22+$0x80] =	vst v7;
	v7 =	vmul.f32 v15, v2  }
0x16c: {  	v10 =	vld.idx.msk [tilespmem:v10+s28+$0x0], $0xffff;
	[tilespmem:s22+$0x90] =	vst v4;
	v4 =	vmul.f32 v8, v2  }
0x16d: {  	v8 =	vld.idx.msk [tilespmem:v12+s28+$0x0], $0xffff;
	[tilespmem:s22+$0xA0] =	vst v5;
	v5 =	vmul.f32 v6, v2  }
0x16e: {  	[tilespmem:s22+$0xB0] =	vst v3;
	v3 =	vmul.f32 v9, v2;
	v2 =	vld.idx.msk [tilespmem:v13+s28+$0x0], $0xffff  }
0x16f: {  	v6 =	vld [tilespmem:s21+$0xFFFFFF00];
	[tilespmem:s22+$0xC0] =	vst v7  }
0x170: {  	v7 =	vld [tilespmem:s21+$0xFFFFFF10];
	v9 =	vmul.f32 v11, v1;
	[tilespmem:s22+$0xD0] =	vst v4  }
0x171: {  	v4 =	vld [tilespmem:s21+$0xFFFFFF20];
	[tilespmem:s22+$0xE0] =	vst v5  }
0x172: {  	v5 =	vld [tilespmem:s21+$0xFFFFFF30];
	[tilespmem:s21+$0x70] =	vst v9  }
0x173: {  	v9 =	vld [tilespmem:s21+$0xFFFFFF40];
	[tilespmem:s22+$0xF0] =	vst v3;
	s22 =	smov.u32 s21  }
0x174: {  	v3 =	vmul.f32 v6, v10;
	v6 =	vld [tilespmem:s21+$0xFFFFFF50]  }
0x175: {  	v7 =	vmul.f32 v7, v10;
	v11 =	vld [tilespmem:s21+$0xFFFFFF60]  }
0x176: {  	[tilespmem:s21+$0xFFFFFF00] =	vst v3;
	v3 =	vmul.f32 v4, v10;
	v4 =	vld [tilespmem:s21+$0xFFFFFF70]  }
0x177: {  	[tilespmem:s21+$0xFFFFFF10] =	vst v7;
	v5 =	vmul.f32 v5, v10;
	v7 =	vld [tilespmem:s21+$0xFFFFFF80]  }
0x178: {  	[tilespmem:s21+$0xFFFFFF20] =	vst v3;
	v3 =	vmul.f32 v9, v10;
	v9 =	vld [tilespmem:s21+$0xFFFFFF90]  }
0x179: {  	[tilespmem:s21+$0xFFFFFF30] =	vst v5;
	v5 =	vmul.f32 v6, v10;
	v6 =	vld [tilespmem:s21+$0xFFFFFFA0]  }
0x17a: {  	[tilespmem:s21+$0xFFFFFF40] =	vst v3;
	v3 =	vmul.f32 v11, v10;
	v11 =	vld [tilespmem:s21+$0xFFFFFFB0]  }
0x17b: {  	[tilespmem:s21+$0xFFFFFF50] =	vst v5;
	v4 =	vmul.f32 v4, v10;
	v5 =	vld [tilespmem:s21+$0xFFFFFFC0]  }
0x17c: {  	[tilespmem:s21+$0xFFFFFF60] =	vst v3;
	v3 =	vmul.f32 v7, v8;
	v10 =	vld [tilespmem:s21+$0xFFFFFFD0]  }
0x17d: {  	[tilespmem:s21+$0xFFFFFF70] =	vst v4;
	v4 =	vmul.f32 v9, v8;
	v9 =	vld [tilespmem:s21+$0xFFFFFFE0]  }
0x17e: {  	[tilespmem:s21+$0xFFFFFF80] =	vst v3;
	v3 =	vmul.f32 v6, v8;
	v12 =	vld [tilespmem:s21+$0xFFFFFFF0]  }
.Ltmp3:
0x17f: {  	[tilespmem:s21+$0xFFFFFF90] =	vst v4;
	v4 =	vmul.f32 v11, v8;
	v7 =	vld [tilespmem:s21+$0x0];
	(pc) =	sbr.rel @p2 .LBB2_9-.Ltmp3, $4  }
0x180: {  	[tilespmem:s21+$0xFFFFFFA0] =	vst v3;
	v3 =	vmul.f32 v5, v8;
	v6 =	vld [tilespmem:s21+$0x10]  }
0x181: {  	[tilespmem:s21+$0xFFFFFFB0] =	vst v4;
	v4 =	vmul.f32 v10, v8;
	v5 =	vld [tilespmem:s21+$0x20]  }
0x182: {  	[tilespmem:s21+$0xFFFFFFC0] =	vst v3;
	v9 =	vmul.f32 v9, v8;
	v3 =	vld [tilespmem:s21+$0x30]  }
0x183: {  	[tilespmem:s21+$0xFFFFFFD0] =	vst v4;
	v8 =	vmul.f32 v12, v8;
	v4 =	vld [tilespmem:s21+$0x40]  }
0x184: {  	v10 =	vld [tilespmem:s21+$0x50];
	[tilespmem:s21+$0xFFFFFFE0] =	vst v9;
	v7 =	vmul.f32 v7, v1  }
0x185: {  	v9 =	vld [tilespmem:s21+$0x60];
	[tilespmem:s21+$0xFFFFFFF0] =	vst v8;
	v6 =	vmul.f32 v6, v1  }
0x186: {  	v8 =	vld [tilespmem:s21+$0x80];
	[tilespmem:s21+$0x0] =	vst v7;
	v5 =	vmul.f32 v5, v1  }
0x187: {  	v7 =	vld [tilespmem:s21+$0x90];
	[tilespmem:s21+$0x10] =	vst v6;
	v3 =	vmul.f32 v3, v1  }
0x188: {  	v6 =	vld [tilespmem:s21+$0xA0];
	[tilespmem:s21+$0x20] =	vst v5;
	v4 =	vmul.f32 v4, v1  }
0x189: {  	v5 =	vld [tilespmem:s21+$0xB0];
	v10 =	vmul.f32 v10, v1;
	[tilespmem:s21+$0x30] =	vst v3  }
0x18a: {  	v11 =	vld [tilespmem:s21+$0xC0];
	v1 =	vmul.f32 v9, v1;
	[tilespmem:s21+$0x40] =	vst v4  }
0x18b: {  	v3 =	vld [tilespmem:s21+$0xD0];
	v4 =	vmul.f32 v8, v2;
	[tilespmem:s21+$0x50] =	vst v10  }
0x18c: {  	v8 =	vld [tilespmem:s21+$0xE0];
	v7 =	vmul.f32 v7, v2;
	[tilespmem:s22+$0x60] =	vst v1  }
0x18d: {  	v9 =	vld [tilespmem:s21+$0xF0];
	v1 =	vmul.f32 v6, v2;
	[tilespmem:s22+$0x80] =	vst v4  }
0x18e: {  	v4 =	vmul.f32 v5, v2;
	[tilespmem:s22+$0x90] =	vst v7  }
0x18f: {  	v5 =	vmul.f32 v11, v2;
	[tilespmem:s22+$0xA0] =	vst v1  }
0x190: {  	v1 =	vmul.f32 v3, v2;
	[tilespmem:s22+$0xB0] =	vst v4  }
0x191: {  	v3 =	vmul.f32 v8, v2;
	[tilespmem:s22+$0xC0] =	vst v5  }
0x192: {  	v2 =	vmul.f32 v9, v2;
	[tilespmem:s22+$0xD0] =	vst v1  }
0x193: {  	[tilespmem:s22+$0xE0] =	vst v3  }
0x194: {  	s3 =	sadd.s32 $0x2780, s20;
	[tilespmem:s22+$0xF0] =	vst v2  }
0x195: {  	[spmem:s1] =	stream.indirect.scatter.add.f32 [tilespmem:s8], [sflag:$0x7], $0x80, s3, s5, $0xb8;
	[tilespmem:$0x1FF00] =	vst v63  }
0x196: {  	_ =	swait.ge [sflag:s30], $0x1400  }
0x197: {  	p2 =	seq.s32 s17, $0x3D;
	[sflag:s30] =	ssyncset.done $0x0  }
0x198: {  	s14 =	simm.s32 @!p2 $0x7;
	s22 =	sadd.s32 $0xFFFFFFFC, s16;
	[sflag:s30] =	ssyncadd.s32 $0xFFFFEC00  }
0x199: {  	s13 =	sadd.s32 $0x7E, s22;
	s23 =	sadd.s32 $0x7C, s22;
	_ =	swait.ge @!p2 [sflag:s14], $0x1400  }
0x19a: {  	v1 =	vmov s13;
	v2 =	vmov s23;
	s13 =	sadd.s32 @!p2 $0xF0, s19;
	[sflag:s14] =	ssyncset.done @!p2 $0x0  }
0x19b: {  	s19 =	simm.s32 @!p2 $0x9E80;
	v2 =	vand.u32 $0xFFFFFFFC, v2;
	[sflag:s14] =	ssyncadd.s32 @!p2 $0xFFFFEC00;
	s14 =	simm.s32 @!p2 $0x28  }
0x19c: {  	v1 =	vand.u32 $0xFFFFFFFE, v1;
	v2 =	vbroadcast v2, $0x0;
	[tilespmem:s19], [sflag:$0x3] =	stream.indirect.gather @!p2 [hbm4b:s4+s14], $0x80, s13, s14, $0xb8;
	[tilespmem:$0x1FF00] =	vst v63  }
0x19d: {  	v1 =	vbroadcast v1, $0x0;
	s19 =	simm.s32 $0xB380  }
0x19e: {  	v3 =	vld [tilespmem:s19+$0x70]  }
0x19f: {  	v5 =	vld [tilespmem:s19+$0xFFFFFF00]  }
0x1a0: {  	s24 =	sadd.s32 $0x7D, s22;
	v6 =	vld [tilespmem:s19+$0xFFFFFF10]  }
0x1a1: {  	v4 =	vmov s24;
	v7 =	vld [tilespmem:s19+$0xFFFFFF20]  }
0x1a2: {  	v4 =	vand.u32 $0xFFFFFFFD, v4;
	v2 =	vld.idx.msk [tilespmem:v2+s28+$0x0], $0xffff  }
0x1a3: {  	v4 =	vbroadcast v4, $0x0;
	v1 =	vld.idx.msk [tilespmem:v1+s28+$0x0], $0xffff  }
0x1a4: {  	v8 =	vld [tilespmem:s19+$0xFFFFFF30]  }
0x1a5: {  	v9 =	vld [tilespmem:s19+$0xFFFFFF40]  }
0x1a6: {  	v10 =	vld [tilespmem:s19+$0xFFFFFF50]  }
0x1a7: {  	v11 =	vld [tilespmem:s19+$0xFFFFFF60];
	v5 =	vmul.f32 v5, v2  }
0x1a8: {  	v13 =	vld [tilespmem:s19+$0xFFFFFFD0];
	v3 =	vmul.f32 v3, v1  }
0x1a9: {  	v4 =	vld.idx.msk [tilespmem:v4+s28+$0x0], $0xffff;
	[tilespmem:s19+$0xFFFFFF00] =	vst v5;
	v5 =	vmul.f32 v6, v2  }
0x1aa: {  	v6 =	vld [tilespmem:s19+$0xFFFFFF70];
	[tilespmem:s19+$0x70] =	vst v3;
	v3 =	vmul.f32 v7, v2  }
0x1ab: {  	s3 =	sadd.s32 $0x7F, s22;
	v7 =	vld [tilespmem:s19+$0xFFFFFF80];
	[tilespmem:s19+$0xFFFFFF10] =	vst v5;
	v5 =	vmul.f32 v8, v2  }
0x1ac: {  	v12 =	vmov s3;
	v8 =	vld [tilespmem:s19+$0xFFFFFF90];
	[tilespmem:s19+$0xFFFFFF20] =	vst v3;
	v3 =	vmul.f32 v9, v2  }
0x1ad: {  	v9 =	vld [tilespmem:s19+$0xFFFFFFA0];
	[tilespmem:s19+$0xFFFFFF30] =	vst v5;
	v5 =	vmul.f32 v10, v2  }
0x1ae: {  	v10 =	vld [tilespmem:s19+$0xFFFFFFB0];
	[tilespmem:s19+$0xFFFFFF40] =	vst v3;
	v3 =	vmul.f32 v11, v2  }
0x1af: {  	v11 =	vld [tilespmem:s19+$0xFFFFFFC0];
	v6 =	vmul.f32 v6, v2;
	[tilespmem:s19+$0xFFFFFF50] =	vst v5  }
0x1b0: {  	v14 =	vld [tilespmem:s19+$0xFFFFFFE0];
	v5 =	vmul.f32 v7, v4;
	[tilespmem:s19+$0xFFFFFF60] =	vst v3  }
0x1b1: {  	v2 =	vld.idx.msk [tilespmem:v12+s28+$0x0], $0xffff;
	v3 =	vmul.f32 v8, v4;
	[tilespmem:s19+$0xFFFFFF70] =	vst v6  }
0x1b2: {  	v8 =	vld [tilespmem:s19+$0xFFFFFFF0];
	[tilespmem:s19+$0xFFFFFF80] =	vst v5;
	v5 =	vmul.f32 v9, v4  }
0x1b3: {  	v7 =	vld [tilespmem:s19+$0x0];
	[tilespmem:s19+$0xFFFFFF90] =	vst v3;
	v3 =	vmul.f32 v10, v4  }
0x1b4: {  	v6 =	vld [tilespmem:s19+$0x10];
	v9 =	vmul.f32 v11, v4;
	[tilespmem:s19+$0xFFFFFFA0] =	vst v5  }
0x1b5: {  	v10 =	vmul.f32 v13, v4;
	v5 =	vld [tilespmem:s19+$0x20];
	[tilespmem:s19+$0xFFFFFFB0] =	vst v3  }
0x1b6: {  	[tilespmem:s19+$0xFFFFFFC0] =	vst v9;
	v3 =	vld [tilespmem:s19+$0x30];
	v9 =	vmul.f32 v14, v4  }
0x1b7: {  	s18 =	smul.u32 $0x28, s18;
	s20 =	simm.s32 $0xB380;
	s21 =	simm.s32 $0x0;
	[tilespmem:s19+$0xFFFFFFD0] =	vst v10;
	v8 =	vmul.f32 v8, v4;
	v4 =	vld [tilespmem:s19+$0x40]  }
.LBB2_11:
0x1b8: {  	s3 =	sadd.s32 s21, s16;
	s21 =	sadd.s32 $0x4, s21;
	[tilespmem:s19+$0xFFFFFFE0] =	vst v9;
	v7 =	vmul.f32 v7, v1;
	v9 =	vld [tilespmem:s19+$0x50]  }
0x1b9: {  	s13 =	sadd.s32 $0x7C, s3;
	s14 =	sadd.s32 $0x7E, s3;
	p2 =	slt.u32 s21, $0x24;
	[tilespmem:s19+$0xFFFFFFF0] =	vst v8;
	v6 =	vmul.f32 v6, v1;
	v8 =	vld [tilespmem:s19+$0x60]  }
0x1ba: {  	v10 =	vmov s13;
	s13 =	sadd.s32 $0x7D, s3;
	v11 =	vmov s14;
	s3 =	sadd.s32 $0x7F, s3;
	[tilespmem:s19+$0x0] =	vst v7;
	v5 =	vmul.f32 v5, v1;
	v7 =	vld [tilespmem:s19+$0x80]  }
0x1bb: {  	v10 =	vand.u32 $0xFFFFFFFC, v10;
	v12 =	vmov s13;
	v11 =	vand.u32 $0xFFFFFFFE, v11;
	[tilespmem:s19+$0x10] =	vst v6;
	v6 =	vld [tilespmem:s19+$0x90]  }
0x1bc: {  	v10 =	vbroadcast v10, $0x0;
	v12 =	vand.u32 $0xFFFFFFFD, v12;
	v11 =	vbroadcast v11, $0x0;
	[tilespmem:s19+$0x20] =	vst v5;
	v5 =	vld [tilespmem:s19+$0xA0]  }
0x1bd: {  	v13 =	vmov s3;
	v3 =	vmul.f32 v3, v1;
	v12 =	vbroadcast v12, $0x0;
	v14 =	vld [tilespmem:s19+$0xB0]  }
0x1be: {  	v4 =	vmul.f32 v4, v1;
	v9 =	vmul.f32 v9, v1;
	v15 =	vld [tilespmem:s19+$0xC0]  }
0x1bf: {  	[tilespmem:s19+$0x30] =	vst v3;
	v3 =	vmul.f32 v8, v1;
	v7 =	vmul.f32 v7, v2;
	v8 =	vld [tilespmem:s19+$0xD0]  }
0x1c0: {  	[tilespmem:s19+$0x40] =	vst v4;
	v4 =	vmul.f32 v6, v2;
	v6 =	vld [tilespmem:s19+$0xE0]  }
0x1c1: {  	[tilespmem:s19+$0x50] =	vst v9;
	v5 =	vmul.f32 v5, v2;
	v9 =	vld [tilespmem:s19+$0xF0]  }
0x1c2: {  	s19 =	sadd.s32 $0x200, s19;
	v1 =	vld.idx.msk [tilespmem:v11+s28+$0x0], $0xffff;
	[tilespmem:s20+$0x60] =	vst v3;
	v3 =	vmul.f32 v14, v2  }
0x1c3: {  	v11 =	vld [tilespmem:s19+$0x70];
	[tilespmem:s20+$0x80] =	vst v7;
	v7 =	vmul.f32 v15, v2  }
0x1c4: {  	v10 =	vld.idx.msk [tilespmem:v10+s28+$0x0], $0xffff;
	[tilespmem:s20+$0x90] =	vst v4;
	v4 =	vmul.f32 v8, v2  }
0x1c5: {  	v8 =	vld.idx.msk [tilespmem:v12+s28+$0x0], $0xffff;
	[tilespmem:s20+$0xA0] =	vst v5;
	v5 =	vmul.f32 v6, v2  }
0x1c6: {  	[tilespmem:s20+$0xB0] =	vst v3;
	v3 =	vmul.f32 v9, v2;
	v2 =	vld.idx.msk [tilespmem:v13+s28+$0x0], $0xffff  }
0x1c7: {  	v6 =	vld [tilespmem:s19+$0xFFFFFF00];
	[tilespmem:s20+$0xC0] =	vst v7  }
0x1c8: {  	v7 =	vld [tilespmem:s19+$0xFFFFFF10];
	v9 =	vmul.f32 v11, v1;
	[tilespmem:s20+$0xD0] =	vst v4  }
0x1c9: {  	v4 =	vld [tilespmem:s19+$0xFFFFFF20];
	[tilespmem:s20+$0xE0] =	vst v5  }
0x1ca: {  	v5 =	vld [tilespmem:s19+$0xFFFFFF30];
	[tilespmem:s19+$0x70] =	vst v9  }
0x1cb: {  	v9 =	vld [tilespmem:s19+$0xFFFFFF40];
	[tilespmem:s20+$0xF0] =	vst v3;
	s20 =	smov.u32 s19  }
0x1cc: {  	v3 =	vmul.f32 v6, v10;
	v6 =	vld [tilespmem:s19+$0xFFFFFF50]  }
0x1cd: {  	v7 =	vmul.f32 v7, v10;
	v11 =	vld [tilespmem:s19+$0xFFFFFF60]  }
0x1ce: {  	[tilespmem:s19+$0xFFFFFF00] =	vst v3;
	v3 =	vmul.f32 v4, v10;
	v4 =	vld [tilespmem:s19+$0xFFFFFF70]  }
0x1cf: {  	[tilespmem:s19+$0xFFFFFF10] =	vst v7;
	v5 =	vmul.f32 v5, v10;
	v7 =	vld [tilespmem:s19+$0xFFFFFF80]  }
0x1d0: {  	[tilespmem:s19+$0xFFFFFF20] =	vst v3;
	v3 =	vmul.f32 v9, v10;
	v9 =	vld [tilespmem:s19+$0xFFFFFF90]  }
0x1d1: {  	[tilespmem:s19+$0xFFFFFF30] =	vst v5;
	v5 =	vmul.f32 v6, v10;
	v6 =	vld [tilespmem:s19+$0xFFFFFFA0]  }
0x1d2: {  	[tilespmem:s19+$0xFFFFFF40] =	vst v3;
	v3 =	vmul.f32 v11, v10;
	v11 =	vld [tilespmem:s19+$0xFFFFFFB0]  }
0x1d3: {  	[tilespmem:s19+$0xFFFFFF50] =	vst v5;
	v4 =	vmul.f32 v4, v10;
	v5 =	vld [tilespmem:s19+$0xFFFFFFC0]  }
0x1d4: {  	[tilespmem:s19+$0xFFFFFF60] =	vst v3;
	v3 =	vmul.f32 v7, v8;
	v10 =	vld [tilespmem:s19+$0xFFFFFFD0]  }
0x1d5: {  	[tilespmem:s19+$0xFFFFFF70] =	vst v4;
	v4 =	vmul.f32 v9, v8;
	v9 =	vld [tilespmem:s19+$0xFFFFFFE0]  }
0x1d6: {  	[tilespmem:s19+$0xFFFFFF80] =	vst v3;
	v3 =	vmul.f32 v6, v8;
	v12 =	vld [tilespmem:s19+$0xFFFFFFF0]  }
.Ltmp4:
0x1d7: {  	[tilespmem:s19+$0xFFFFFF90] =	vst v4;
	v4 =	vmul.f32 v11, v8;
	v7 =	vld [tilespmem:s19+$0x0];
	(pc) =	sbr.rel @p2 .LBB2_11-.Ltmp4, $4  }
0x1d8: {  	[tilespmem:s19+$0xFFFFFFA0] =	vst v3;
	v3 =	vmul.f32 v5, v8;
	v6 =	vld [tilespmem:s19+$0x10]  }
0x1d9: {  	[tilespmem:s19+$0xFFFFFFB0] =	vst v4;
	v4 =	vmul.f32 v10, v8;
	v5 =	vld [tilespmem:s19+$0x20]  }
0x1da: {  	[tilespmem:s19+$0xFFFFFFC0] =	vst v3;
	v9 =	vmul.f32 v9, v8;
	v3 =	vld [tilespmem:s19+$0x30]  }
0x1db: {  	[tilespmem:s19+$0xFFFFFFD0] =	vst v4;
	v8 =	vmul.f32 v12, v8;
	v4 =	vld [tilespmem:s19+$0x40]  }
0x1dc: {  	v10 =	vld [tilespmem:s19+$0x50]  }
0x1dd: {  	[tilespmem:s19+$0xFFFFFFE0] =	vst v9;
	v7 =	vmul.f32 v7, v1;
	v54 =	vld [tilespmem:s19+$0x60]  }
0x1de: {  	v55 =	vld [tilespmem:s19+$0x80];
	[tilespmem:s19+$0xFFFFFFF0] =	vst v8;
	v6 =	vmul.f32 v6, v1  }
0x1df: {  	v56 =	vld [tilespmem:s19+$0x90];
	[tilespmem:s19+$0x0] =	vst v7;
	v5 =	vmul.f32 v5, v1  }
0x1e0: {  	v57 =	vld [tilespmem:s19+$0xA0];
	[tilespmem:s19+$0x10] =	vst v6;
	v3 =	vmul.f32 v3, v1  }
0x1e1: {  	v58 =	vld [tilespmem:s19+$0xB0];
	[tilespmem:s19+$0x20] =	vst v5;
	v4 =	vmul.f32 v4, v1  }
0x1e2: {  	v11 =	vld [tilespmem:s19+$0xC0];
	v10 =	vmul.f32 v10, v1;
	[tilespmem:s19+$0x30] =	vst v3  }
0x1e3: {  	v60 =	vld [tilespmem:s19+$0xE0];
	v59 =	vmul.f32 v55, v2;
	[tilespmem:s19+$0x40] =	vst v4  }
0x1e4: {  	v3 =	vld [tilespmem:s19+$0xD0];
	v7 =	vmul.f32 v56, v2;
	[tilespmem:s19+$0x50] =	vst v10  }
0x1e5: {  	v61 =	vld [tilespmem:s19+$0xF0];
	v1 =	vmul.f32 v54, v1;
	[tilespmem:s20+$0x80] =	vst v59  }
0x1e6: {  	v62 =	vmul.f32 v58, v2;
	[tilespmem:s20+$0x90] =	vst v7  }
0x1e7: {  	[tilespmem:s20+$0x60] =	vst v1;
	v1 =	vmul.f32 v57, v2  }
0x1e8: {  	s17 =	sadd.s32 $0x1, s17;
	v63 =	vmul.f32 v11, v2;
	[tilespmem:s20+$0xB0] =	vst v62  }
0x1e9: {  	p2 =	sne.s32 s17, $0x3E;
	[tilespmem:s20+$0xA0] =	vst v1;
	v1 =	vmul.f32 v3, v2  }
.Ltmp5:
0x1ea: {  	[tilespmem:s20+$0xC0] =	vst v63;
	v3 =	vmul.f32 v60, v2;
	(pc) =	sbr.rel @p2 .LBB2_4-.Ltmp5, $4  }
0x1eb: {  	v2 =	vmul.f32 v61, v2;
	[tilespmem:s20+$0xD0] =	vst v1  }
0x1ec: {  	[tilespmem:s20+$0xE0] =	vst v3  }
0x1ed: {  	s3 =	sadd.s32 $0x2780, s18;
	s16 =	sadd.s32 $0xA0, s16;
	[tilespmem:s20+$0xF0] =	vst v2  }
0x1ee: {  	[spmem:s1] =	stream.indirect.scatter.add.f32 [tilespmem:s9], [sflag:$0x8], $0x80, s3, s5, $0xb8;
	[tilespmem:$0x1FF00] =	vst v63  }
0x1ef: {  	s3 =	simm.s32 $0x26C0  }
0x1f0: {  	s22 =	simm.s32 $0x26C2;
	v1 =	vmov s3  }
0x1f1: {  	_ =	swait.ge [sflag:s31], $0x1400;
	v2 =	vmov s22;
	v1 =	vand.u32 $0xFFFFFFFC, v1  }
0x1f2: {  	[sflag:s31] =	ssyncset.done $0x0;
	v2 =	vand.u32 $0xFFFFFFFE, v2;
	v1 =	vbroadcast v1, $0x0  }
0x1f3: {  	s16 =	simm.s32 $0x7780;
	[sflag:s31] =	ssyncadd.s32 $0xFFFFEC00;
	v2 =	vbroadcast v2, $0x0  }
0x1f4: {  	v4 =	vld [tilespmem:s16+$0x70]  }
0x1f5: {  	v5 =	vld [tilespmem:s16+$0xFFFFFF00]  }
0x1f6: {  	s23 =	simm.s32 $0x26C1;
	v6 =	vld [tilespmem:s16+$0xFFFFFF10]  }
0x1f7: {  	v3 =	vmov s23;
	v7 =	vld [tilespmem:s16+$0xFFFFFF20]  }
0x1f8: {  	v3 =	vand.u32 $0xFFFFFFFD, v3;
	v1 =	vld.idx.msk [tilespmem:v1+s28+$0x0], $0xffff  }
0x1f9: {  	v3 =	vbroadcast v3, $0x0;
	v2 =	vld.idx.msk [tilespmem:v2+s28+$0x0], $0xffff  }
0x1fa: {  	v8 =	vld [tilespmem:s16+$0xFFFFFF30]  }
0x1fb: {  	v9 =	vld [tilespmem:s16+$0xFFFFFF40]  }
0x1fc: {  	v10 =	vld [tilespmem:s16+$0xFFFFFF50]  }
0x1fd: {  	v11 =	vld [tilespmem:s16+$0xFFFFFF60];
	v5 =	vmul.f32 v5, v1  }
0x1fe: {  	v13 =	vld [tilespmem:s16+$0xFFFFFFD0];
	v4 =	vmul.f32 v4, v2  }
0x1ff: {  	v3 =	vld.idx.msk [tilespmem:v3+s28+$0x0], $0xffff;
	[tilespmem:s16+$0xFFFFFF00] =	vst v5;
	v5 =	vmul.f32 v6, v1  }
0x200: {  	s24 =	simm.s32 $0x26C3;
	v6 =	vld [tilespmem:s16+$0xFFFFFF70];
	[tilespmem:s16+$0x70] =	vst v4;
	v4 =	vmul.f32 v7, v1  }
0x201: {  	v12 =	vmov s24;
	v7 =	vld [tilespmem:s16+$0xFFFFFF80];
	[tilespmem:s16+$0xFFFFFF10] =	vst v5;
	v5 =	vmul.f32 v8, v1  }
0x202: {  	v8 =	vld [tilespmem:s16+$0xFFFFFF90];
	[tilespmem:s16+$0xFFFFFF20] =	vst v4;
	v4 =	vmul.f32 v9, v1  }
0x203: {  	v9 =	vld [tilespmem:s16+$0xFFFFFFA0];
	[tilespmem:s16+$0xFFFFFF30] =	vst v5;
	v5 =	vmul.f32 v10, v1  }
0x204: {  	v10 =	vld [tilespmem:s16+$0xFFFFFFB0];
	[tilespmem:s16+$0xFFFFFF40] =	vst v4;
	v4 =	vmul.f32 v11, v1  }
0x205: {  	v11 =	vld [tilespmem:s16+$0xFFFFFFC0];
	v6 =	vmul.f32 v6, v1;
	[tilespmem:s16+$0xFFFFFF50] =	vst v5  }
0x206: {  	v1 =	vld.idx.msk [tilespmem:v12+s28+$0x0], $0xffff;
	v5 =	vmul.f32 v7, v3;
	[tilespmem:s16+$0xFFFFFF60] =	vst v4  }
0x207: {  	v4 =	vld [tilespmem:s16+$0xFFFFFFE0];
	v7 =	vmul.f32 v8, v3;
	[tilespmem:s16+$0xFFFFFF70] =	vst v6  }
0x208: {  	v8 =	vld [tilespmem:s16+$0xFFFFFFF0];
	[tilespmem:s16+$0xFFFFFF80] =	vst v5;
	v5 =	vmul.f32 v9, v3  }
0x209: {  	[tilespmem:s16+$0xFFFFFF90] =	vst v7;
	v6 =	vmul.f32 v10, v3;
	v10 =	vld [tilespmem:s16+$0x0]  }
0x20a: {  	v7 =	vld [tilespmem:s16+$0x10];
	[tilespmem:s16+$0xFFFFFFA0] =	vst v5;
	v5 =	vmul.f32 v11, v3  }
0x20b: {  	v9 =	vmul.f32 v13, v3;
	[tilespmem:s16+$0xFFFFFFB0] =	vst v6;
	v6 =	vld [tilespmem:s16+$0x20]  }
0x20c: {  	v11 =	vmul.f32 v4, v3;
	[tilespmem:s16+$0xFFFFFFC0] =	vst v5;
	v5 =	vld [tilespmem:s16+$0x30]  }
0x20d: {  	[tilespmem:s16+$0xFFFFFFD0] =	vst v9;
	v4 =	vld [tilespmem:s16+$0x40];
	v9 =	vmul.f32 v8, v3  }
0x20e: {  	s18 =	simm.s32 $0x0;
	s17 =	simm.s32 $0x7780;
	v3 =	vld [tilespmem:s16+$0x50];
	[tilespmem:s16+$0xFFFFFFE0] =	vst v11;
	v8 =	vmul.f32 v10, v2  }
.LBB2_14:
0x20f: {  	s3 =	sadd.s32 $0x26C7, s18;
	[tilespmem:s16+$0xFFFFFFF0] =	vst v9;
	v7 =	vmul.f32 v7, v2;
	v9 =	vld [tilespmem:s16+$0x60]  }
0x210: {  	s13 =	sadd.s32 $0x26C4, s18;
	s14 =	sadd.s32 $0x26C5, s18;
	v10 =	vmov s3;
	[tilespmem:s16+$0x0] =	vst v8;
	v6 =	vmul.f32 v6, v2;
	v8 =	vld [tilespmem:s16+$0x80]  }
0x211: {  	v11 =	vmov s13;
	v12 =	vmov s14;
	[tilespmem:s16+$0x10] =	vst v7;
	v5 =	vmul.f32 v5, v2;
	v7 =	vld [tilespmem:s16+$0x90]  }
0x212: {  	s3 =	sadd.s32 $0x26C6, s18;
	s18 =	sadd.s32 $0x4, s18;
	v11 =	vand.u32 $0xFFFFFFFC, v11;
	v12 =	vand.u32 $0xFFFFFFFD, v12;
	[tilespmem:s16+$0x20] =	vst v6;
	v4 =	vmul.f32 v4, v2;
	v6 =	vld [tilespmem:s16+$0xA0]  }
0x213: {  	v13 =	vmov s3;
	p2 =	slt.u32 s18, $0x24;
	v11 =	vbroadcast v11, $0x0;
	[tilespmem:s16+$0x30] =	vst v5;
	v3 =	vmul.f32 v3, v2;
	v5 =	vld [tilespmem:s16+$0xB0]  }
0x214: {  	v12 =	vbroadcast v12, $0x0;
	v13 =	vand.u32 $0xFFFFFFFE, v13;
	[tilespmem:s16+$0x40] =	vst v4;
	v2 =	vmul.f32 v9, v2;
	v4 =	vld [tilespmem:s16+$0xC0]  }
0x215: {  	v9 =	vbroadcast v13, $0x0;
	[tilespmem:s16+$0x50] =	vst v3;
	v3 =	vmul.f32 v8, v1;
	v8 =	vld [tilespmem:s16+$0xD0]  }
0x216: {  	[tilespmem:s16+$0x60] =	vst v2;
	v2 =	vmul.f32 v7, v1;
	v7 =	vld [tilespmem:s16+$0xE0]  }
0x217: {  	[tilespmem:s16+$0x80] =	vst v3;
	v3 =	vmul.f32 v6, v1;
	v6 =	vld [tilespmem:s16+$0xF0]  }
0x218: {  	v10 =	vld.idx.msk [tilespmem:v10+s28+$0x0], $0xffff;
	[tilespmem:s16+$0x90] =	vst v2;
	v2 =	vmul.f32 v5, v1  }
0x219: {  	v5 =	vld.idx.msk [tilespmem:v11+s28+$0x0], $0xffff;
	[tilespmem:s16+$0xA0] =	vst v3;
	v3 =	vmul.f32 v4, v1  }
0x21a: {  	v4 =	vld.idx.msk [tilespmem:v12+s28+$0x0], $0xffff;
	[tilespmem:s16+$0xB0] =	vst v2;
	v8 =	vmul.f32 v8, v1  }
0x21b: {  	s16 =	sadd.s32 $0x200, s16;
	v2 =	vld.idx.msk [tilespmem:v9+s28+$0x0], $0xffff;
	[tilespmem:s17+$0xC0] =	vst v3;
	v3 =	vmul.f32 v7, v1  }
0x21c: {  	v7 =	vld [tilespmem:s16+$0x70];
	[tilespmem:s17+$0xD0] =	vst v8;
	v8 =	vmul.f32 v6, v1  }
0x21d: {  	v6 =	vld [tilespmem:s16+$0xFFFFFF00];
	[tilespmem:s17+$0xE0] =	vst v3  }
0x21e: {  	v1 =	vmov v10;
	v3 =	vld [tilespmem:s16+$0xFFFFFF10];
	[tilespmem:s17+$0xF0] =	vst v8;
	s17 =	smov.u32 s16  }
0x21f: {  	v8 =	vld [tilespmem:s16+$0xFFFFFF20]  }
0x220: {  	v9 =	vld [tilespmem:s16+$0xFFFFFF30]  }
0x221: {  	v10 =	vld [tilespmem:s16+$0xFFFFFF40];
	v7 =	vmul.f32 v7, v2  }
0x222: {  	v6 =	vmul.f32 v6, v5;
	v11 =	vld [tilespmem:s16+$0xFFFFFF50]  }
0x223: {  	v3 =	vmul.f32 v3, v5;
	v12 =	vld [tilespmem:s16+$0xFFFFFF60];
	[tilespmem:s16+$0x70] =	vst v7  }
0x224: {  	[tilespmem:s16+$0xFFFFFF00] =	vst v6;
	v6 =	vmul.f32 v8, v5;
	v7 =	vld [tilespmem:s16+$0xFFFFFF70]  }
0x225: {  	[tilespmem:s16+$0xFFFFFF10] =	vst v3;
	v3 =	vmul.f32 v9, v5;
	v8 =	vld [tilespmem:s16+$0xFFFFFF80]  }
0x226: {  	[tilespmem:s16+$0xFFFFFF20] =	vst v6;
	v6 =	vmul.f32 v10, v5;
	v9 =	vld [tilespmem:s16+$0xFFFFFF90]  }
0x227: {  	[tilespmem:s16+$0xFFFFFF30] =	vst v3;
	v3 =	vmul.f32 v11, v5;
	v10 =	vld [tilespmem:s16+$0xFFFFFFA0]  }
0x228: {  	[tilespmem:s16+$0xFFFFFF40] =	vst v6;
	v6 =	vmul.f32 v12, v5;
	v11 =	vld [tilespmem:s16+$0xFFFFFFB0]  }
0x229: {  	[tilespmem:s16+$0xFFFFFF50] =	vst v3;
	v3 =	vmul.f32 v7, v5;
	v5 =	vld [tilespmem:s16+$0xFFFFFFC0]  }
0x22a: {  	[tilespmem:s16+$0xFFFFFF60] =	vst v6;
	v6 =	vmul.f32 v8, v4;
	v8 =	vld [tilespmem:s16+$0xFFFFFFD0]  }
0x22b: {  	[tilespmem:s16+$0xFFFFFF70] =	vst v3;
	v3 =	vmul.f32 v9, v4;
	v9 =	vld [tilespmem:s16+$0xFFFFFFE0]  }
0x22c: {  	[tilespmem:s16+$0xFFFFFF80] =	vst v6;
	v6 =	vmul.f32 v10, v4;
	v10 =	vld [tilespmem:s16+$0xFFFFFFF0]  }
0x22d: {  	[tilespmem:s16+$0xFFFFFF90] =	vst v3;
	v3 =	vmul.f32 v11, v4;
	v11 =	vld [tilespmem:s16+$0x0]  }
.Ltmp6:
0x22e: {  	[tilespmem:s16+$0xFFFFFFA0] =	vst v6;
	v5 =	vmul.f32 v5, v4;
	v7 =	vld [tilespmem:s16+$0x10];
	(pc) =	sbr.rel @p2 .LBB2_14-.Ltmp6, $4  }
0x22f: {  	[tilespmem:s16+$0xFFFFFFB0] =	vst v3;
	v3 =	vmul.f32 v8, v4;
	v6 =	vld [tilespmem:s16+$0x20]  }
0x230: {  	[tilespmem:s16+$0xFFFFFFC0] =	vst v5;
	v8 =	vmul.f32 v9, v4;
	v5 =	vld [tilespmem:s16+$0x30]  }
0x231: {  	[tilespmem:s16+$0xFFFFFFD0] =	vst v3;
	v9 =	vmul.f32 v10, v4;
	v4 =	vld [tilespmem:s16+$0x40]  }
0x232: {  	[tilespmem:s16+$0xFFFFFFE0] =	vst v8;
	v8 =	vmul.f32 v11, v2;
	v3 =	vld [tilespmem:s16+$0x50]  }
0x233: {  	[tilespmem:s16+$0xFFFFFFF0] =	vst v9;
	v7 =	vmul.f32 v7, v2;
	v9 =	vld [tilespmem:s16+$0x80]  }
0x234: {  	v10 =	vld [tilespmem:s16+$0x60];
	[tilespmem:s16+$0x0] =	vst v8;
	v6 =	vmul.f32 v6, v2  }
0x235: {  	v8 =	vld [tilespmem:s16+$0x90];
	[tilespmem:s16+$0x10] =	vst v7;
	v5 =	vmul.f32 v5, v2  }
0x236: {  	v7 =	vld [tilespmem:s16+$0xA0];
	[tilespmem:s16+$0x20] =	vst v6;
	v4 =	vmul.f32 v4, v2  }
0x237: {  	v6 =	vld [tilespmem:s16+$0xB0];
	[tilespmem:s16+$0x30] =	vst v5;
	v3 =	vmul.f32 v3, v2  }
0x238: {  	v5 =	vld [tilespmem:s16+$0xC0];
	[tilespmem:s16+$0x40] =	vst v4;
	v4 =	vmul.f32 v9, v1  }
0x239: {  	v9 =	vld [tilespmem:s16+$0xD0];
	v2 =	vmul.f32 v10, v2;
	[tilespmem:s16+$0x50] =	vst v3  }
0x23a: {  	v3 =	vld [tilespmem:s16+$0xE0];
	v8 =	vmul.f32 v8, v1;
	[tilespmem:s16+$0x80] =	vst v4  }
0x23b: {  	[tilespmem:s16+$0x60] =	vst v2;
	v2 =	vmul.f32 v7, v1;
	v4 =	vld [tilespmem:s16+$0xF0]  }
0x23c: {  	[tilespmem:s16+$0x90] =	vst v8;
	v6 =	vmul.f32 v6, v1  }
0x23d: {  	[tilespmem:s16+$0xA0] =	vst v2;
	v2 =	vmul.f32 v5, v1  }
0x23e: {  	s3 =	simm.s32 $0x26E8;
	[tilespmem:s16+$0xB0] =	vst v6;
	v5 =	vmul.f32 v9, v1  }
0x23f: {  	[tilespmem:s17+$0xC0] =	vst v2;
	v2 =	vmul.f32 v3, v1;
	v3 =	vmov s3  }
0x240: {  	[tilespmem:s17+$0xD0] =	vst v5;
	v1 =	vmul.f32 v4, v1;
	v3 =	vand.u32 $0xFFFFFFFC, v3  }
0x241: {  	[tilespmem:s17+$0xE0] =	vst v2;
	v2 =	vbroadcast v3, $0x0  }
0x242: {  	s21 =	simm.s32 $0x26EA;
	s22 =	simm.s32 $0x4E40;
	[tilespmem:s17+$0xF0] =	vst v1  }
0x243: {  	[spmem:s1] =	stream.indirect.scatter.add.f32 [tilespmem:s29], [sflag:$0x5], $0x80, s22, s5, $0xb8;
	[tilespmem:$0x1FF00] =	vst v63  }
0x244: {  	v4 =	vmov s21;
	_ =	swait.ge [sflag:s0], $0x1400  }
0x245: {  	v3 =	vand.u32 $0xFFFFFFFE, v4;
	[sflag:s0] =	ssyncset.done $0x0  }
0x246: {  	v1 =	vbroadcast v3, $0x0;
	[sflag:s0] =	ssyncadd.s32 $0xFFFFEC00  }
0x247: {  	s16 =	simm.s32 $0x8B80;
	v2 =	vld.idx.msk [tilespmem:v2+s28+$0x0], $0xffff  }
0x248: {  	v4 =	vld [tilespmem:s16+$0x70]  }
0x249: {  	s23 =	simm.s32 $0x26E9;
	v5 =	vld [tilespmem:s16+$0xFFFFFF00]  }
0x24a: {  	v3 =	vmov s23;
	v6 =	vld [tilespmem:s16+$0xFFFFFF10]  }
0x24b: {  	v3 =	vand.u32 $0xFFFFFFFD, v3;
	v7 =	vld [tilespmem:s16+$0xFFFFFF20]  }
0x24c: {  	v3 =	vbroadcast v3, $0x0;
	v1 =	vld.idx.msk [tilespmem:v1+s28+$0x0], $0xffff  }
0x24d: {  	v8 =	vld [tilespmem:s16+$0xFFFFFF30]  }
0x24e: {  	v9 =	vld [tilespmem:s16+$0xFFFFFF40]  }
0x24f: {  	v10 =	vld [tilespmem:s16+$0xFFFFFF50]  }
0x250: {  	v11 =	vld [tilespmem:s16+$0xFFFFFF60];
	v5 =	vmul.f32 v5, v2  }
0x251: {  	v13 =	vld [tilespmem:s16+$0xFFFFFFD0];
	v4 =	vmul.f32 v4, v1  }
0x252: {  	v3 =	vld.idx.msk [tilespmem:v3+s28+$0x0], $0xffff;
	[tilespmem:s16+$0xFFFFFF00] =	vst v5;
	v5 =	vmul.f32 v6, v2  }
0x253: {  	s24 =	simm.s32 $0x26EB;
	v6 =	vld [tilespmem:s16+$0xFFFFFF70];
	[tilespmem:s16+$0x70] =	vst v4;
	v4 =	vmul.f32 v7, v2  }
0x254: {  	v12 =	vmov s24;
	v7 =	vld [tilespmem:s16+$0xFFFFFF80];
	[tilespmem:s16+$0xFFFFFF10] =	vst v5;
	v5 =	vmul.f32 v8, v2  }
0x255: {  	v8 =	vld [tilespmem:s16+$0xFFFFFF90];
	[tilespmem:s16+$0xFFFFFF20] =	vst v4;
	v4 =	vmul.f32 v9, v2  }
0x256: {  	v9 =	vld [tilespmem:s16+$0xFFFFFFA0];
	[tilespmem:s16+$0xFFFFFF30] =	vst v5;
	v5 =	vmul.f32 v10, v2  }
0x257: {  	v10 =	vld [tilespmem:s16+$0xFFFFFFB0];
	[tilespmem:s16+$0xFFFFFF40] =	vst v4;
	v4 =	vmul.f32 v11, v2  }
0x258: {  	v11 =	vld [tilespmem:s16+$0xFFFFFFC0];
	v6 =	vmul.f32 v6, v2;
	[tilespmem:s16+$0xFFFFFF50] =	vst v5  }
0x259: {  	v2 =	vld.idx.msk [tilespmem:v12+s28+$0x0], $0xffff;
	v5 =	vmul.f32 v7, v3;
	[tilespmem:s16+$0xFFFFFF60] =	vst v4  }
0x25a: {  	v4 =	vld [tilespmem:s16+$0xFFFFFFE0];
	v7 =	vmul.f32 v8, v3;
	[tilespmem:s16+$0xFFFFFF70] =	vst v6  }
0x25b: {  	v8 =	vld [tilespmem:s16+$0xFFFFFFF0];
	[tilespmem:s16+$0xFFFFFF80] =	vst v5;
	v5 =	vmul.f32 v9, v3  }
0x25c: {  	[tilespmem:s16+$0xFFFFFF90] =	vst v7;
	v6 =	vmul.f32 v10, v3;
	v10 =	vld [tilespmem:s16+$0x0]  }
0x25d: {  	v7 =	vld [tilespmem:s16+$0x10];
	[tilespmem:s16+$0xFFFFFFA0] =	vst v5;
	v5 =	vmul.f32 v11, v3  }
0x25e: {  	v9 =	vmul.f32 v13, v3;
	[tilespmem:s16+$0xFFFFFFB0] =	vst v6;
	v6 =	vld [tilespmem:s16+$0x20]  }
0x25f: {  	[tilespmem:s16+$0xFFFFFFC0] =	vst v5;
	v11 =	vmul.f32 v4, v3;
	v5 =	vld [tilespmem:s16+$0x30]  }
0x260: {  	[tilespmem:s16+$0xFFFFFFD0] =	vst v9;
	v4 =	vld [tilespmem:s16+$0x40];
	v9 =	vmul.f32 v8, v3  }
0x261: {  	s18 =	simm.s32 $0x0;
	s17 =	simm.s32 $0x8B80;
	v3 =	vld [tilespmem:s16+$0x50];
	[tilespmem:s16+$0xFFFFFFE0] =	vst v11;
	v8 =	vmul.f32 v10, v1  }
.LBB2_16:
0x262: {  	s3 =	sadd.s32 $0x26EF, s18;
	[tilespmem:s16+$0xFFFFFFF0] =	vst v9;
	v7 =	vmul.f32 v7, v1;
	v9 =	vld [tilespmem:s16+$0x60]  }
0x263: {  	s13 =	sadd.s32 $0x26EC, s18;
	s14 =	sadd.s32 $0x26ED, s18;
	v10 =	vmov s3;
	[tilespmem:s16+$0x0] =	vst v8;
	v6 =	vmul.f32 v6, v1;
	v8 =	vld [tilespmem:s16+$0x80]  }
0x264: {  	v11 =	vmov s13;
	v12 =	vmov s14;
	[tilespmem:s16+$0x10] =	vst v7;
	v5 =	vmul.f32 v5, v1;
	v7 =	vld [tilespmem:s16+$0x90]  }
0x265: {  	s3 =	sadd.s32 $0x26EE, s18;
	s18 =	sadd.s32 $0x4, s18;
	v11 =	vand.u32 $0xFFFFFFFC, v11;
	v12 =	vand.u32 $0xFFFFFFFD, v12;
	[tilespmem:s16+$0x20] =	vst v6;
	v4 =	vmul.f32 v4, v1;
	v6 =	vld [tilespmem:s16+$0xA0]  }
0x266: {  	v13 =	vmov s3;
	p2 =	slt.u32 s18, $0x24;
	v11 =	vbroadcast v11, $0x0;
	[tilespmem:s16+$0x30] =	vst v5;
	v3 =	vmul.f32 v3, v1;
	v5 =	vld [tilespmem:s16+$0xB0]  }
0x267: {  	v12 =	vbroadcast v12, $0x0;
	v13 =	vand.u32 $0xFFFFFFFE, v13;
	[tilespmem:s16+$0x40] =	vst v4;
	v1 =	vmul.f32 v9, v1;
	v4 =	vld [tilespmem:s16+$0xC0]  }
0x268: {  	v9 =	vbroadcast v13, $0x0;
	[tilespmem:s16+$0x50] =	vst v3;
	v3 =	vmul.f32 v8, v2;
	v8 =	vld [tilespmem:s16+$0xD0]  }
0x269: {  	[tilespmem:s16+$0x60] =	vst v1;
	v1 =	vmul.f32 v7, v2;
	v7 =	vld [tilespmem:s16+$0xE0]  }
0x26a: {  	[tilespmem:s16+$0x80] =	vst v3;
	v3 =	vmul.f32 v6, v2;
	v6 =	vld [tilespmem:s16+$0xF0]  }
0x26b: {  	v10 =	vld.idx.msk [tilespmem:v10+s28+$0x0], $0xffff;
	[tilespmem:s16+$0x90] =	vst v1;
	v1 =	vmul.f32 v5, v2  }
0x26c: {  	v5 =	vld.idx.msk [tilespmem:v11+s28+$0x0], $0xffff;
	[tilespmem:s16+$0xA0] =	vst v3;
	v3 =	vmul.f32 v4, v2  }
0x26d: {  	v4 =	vld.idx.msk [tilespmem:v12+s28+$0x0], $0xffff;
	[tilespmem:s16+$0xB0] =	vst v1;
	v8 =	vmul.f32 v8, v2  }
0x26e: {  	s16 =	sadd.s32 $0x200, s16;
	v1 =	vld.idx.msk [tilespmem:v9+s28+$0x0], $0xffff;
	[tilespmem:s17+$0xC0] =	vst v3;
	v3 =	vmul.f32 v7, v2  }
0x26f: {  	v7 =	vld [tilespmem:s16+$0x70];
	[tilespmem:s17+$0xD0] =	vst v8;
	v8 =	vmul.f32 v6, v2  }
0x270: {  	v6 =	vld [tilespmem:s16+$0xFFFFFF00];
	[tilespmem:s17+$0xE0] =	vst v3  }
0x271: {  	v2 =	vmov v10;
	v3 =	vld [tilespmem:s16+$0xFFFFFF10];
	[tilespmem:s17+$0xF0] =	vst v8;
	s17 =	smov.u32 s16  }
0x272: {  	v8 =	vld [tilespmem:s16+$0xFFFFFF20]  }
0x273: {  	v9 =	vld [tilespmem:s16+$0xFFFFFF30]  }
0x274: {  	v10 =	vld [tilespmem:s16+$0xFFFFFF40];
	v7 =	vmul.f32 v7, v1  }
0x275: {  	v6 =	vmul.f32 v6, v5;
	v11 =	vld [tilespmem:s16+$0xFFFFFF50]  }
0x276: {  	v3 =	vmul.f32 v3, v5;
	v12 =	vld [tilespmem:s16+$0xFFFFFF60];
	[tilespmem:s16+$0x70] =	vst v7  }
0x277: {  	[tilespmem:s16+$0xFFFFFF00] =	vst v6;
	v6 =	vmul.f32 v8, v5;
	v7 =	vld [tilespmem:s16+$0xFFFFFF70]  }
0x278: {  	[tilespmem:s16+$0xFFFFFF10] =	vst v3;
	v3 =	vmul.f32 v9, v5;
	v8 =	vld [tilespmem:s16+$0xFFFFFF80]  }
0x279: {  	[tilespmem:s16+$0xFFFFFF20] =	vst v6;
	v6 =	vmul.f32 v10, v5;
	v9 =	vld [tilespmem:s16+$0xFFFFFF90]  }
0x27a: {  	[tilespmem:s16+$0xFFFFFF30] =	vst v3;
	v3 =	vmul.f32 v11, v5;
	v10 =	vld [tilespmem:s16+$0xFFFFFFA0]  }
0x27b: {  	[tilespmem:s16+$0xFFFFFF40] =	vst v6;
	v6 =	vmul.f32 v12, v5;
	v11 =	vld [tilespmem:s16+$0xFFFFFFB0]  }
0x27c: {  	[tilespmem:s16+$0xFFFFFF50] =	vst v3;
	v3 =	vmul.f32 v7, v5;
	v5 =	vld [tilespmem:s16+$0xFFFFFFC0]  }
0x27d: {  	[tilespmem:s16+$0xFFFFFF60] =	vst v6;
	v6 =	vmul.f32 v8, v4;
	v8 =	vld [tilespmem:s16+$0xFFFFFFD0]  }
0x27e: {  	[tilespmem:s16+$0xFFFFFF70] =	vst v3;
	v3 =	vmul.f32 v9, v4;
	v9 =	vld [tilespmem:s16+$0xFFFFFFE0]  }
0x27f: {  	[tilespmem:s16+$0xFFFFFF80] =	vst v6;
	v6 =	vmul.f32 v10, v4;
	v10 =	vld [tilespmem:s16+$0xFFFFFFF0]  }
0x280: {  	[tilespmem:s16+$0xFFFFFF90] =	vst v3;
	v3 =	vmul.f32 v11, v4;
	v11 =	vld [tilespmem:s16+$0x0]  }
.Ltmp7:
0x281: {  	[tilespmem:s16+$0xFFFFFFA0] =	vst v6;
	v5 =	vmul.f32 v5, v4;
	v7 =	vld [tilespmem:s16+$0x10];
	(pc) =	sbr.rel @p2 .LBB2_16-.Ltmp7, $4  }
0x282: {  	[tilespmem:s16+$0xFFFFFFB0] =	vst v3;
	v3 =	vmul.f32 v8, v4;
	v6 =	vld [tilespmem:s16+$0x20]  }
0x283: {  	[tilespmem:s16+$0xFFFFFFC0] =	vst v5;
	v8 =	vmul.f32 v9, v4;
	v5 =	vld [tilespmem:s16+$0x30]  }
0x284: {  	[tilespmem:s16+$0xFFFFFFD0] =	vst v3;
	v9 =	vmul.f32 v10, v4;
	v4 =	vld [tilespmem:s16+$0x40]  }
0x285: {  	[tilespmem:s16+$0xFFFFFFE0] =	vst v8;
	v8 =	vmul.f32 v11, v1;
	v3 =	vld [tilespmem:s16+$0x50]  }
0x286: {  	[tilespmem:s16+$0xFFFFFFF0] =	vst v9;
	v7 =	vmul.f32 v7, v1;
	v55 =	vld [tilespmem:s16+$0x80]  }
0x287: {  	v10 =	vld [tilespmem:s16+$0x60];
	[tilespmem:s16+$0x0] =	vst v8;
	v6 =	vmul.f32 v6, v1  }
0x288: {  	v56 =	vld [tilespmem:s16+$0x90];
	[tilespmem:s16+$0x10] =	vst v7;
	v5 =	vmul.f32 v5, v1  }
0x289: {  	v57 =	vld [tilespmem:s16+$0xA0];
	[tilespmem:s16+$0x20] =	vst v6;
	v4 =	vmul.f32 v4, v1  }
0x28a: {  	v58 =	vld [tilespmem:s16+$0xB0];
	[tilespmem:s16+$0x30] =	vst v5;
	v3 =	vmul.f32 v3, v1  }
0x28b: {  	v59 =	vld [tilespmem:s16+$0xC0];
	[tilespmem:s16+$0x40] =	vst v4;
	v60 =	vmul.f32 v55, v2  }
0x28c: {  	v61 =	vld [tilespmem:s16+$0xD0];
	v1 =	vmul.f32 v10, v1;
	[tilespmem:s16+$0x50] =	vst v3  }
0x28d: {  	v8 =	vmul.f32 v56, v2;
	v3 =	vld [tilespmem:s16+$0xE0];
	[tilespmem:s16+$0x80] =	vst v60  }
0x28e: {  	v62 =	vld [tilespmem:s16+$0xF0];
	[tilespmem:s16+$0x60] =	vst v1;
	v1 =	vmul.f32 v57, v2  }
0x28f: {  	v6 =	vmul.f32 v58, v2;
	[tilespmem:s16+$0x90] =	vst v8  }
0x290: {  	[tilespmem:s16+$0xA0] =	vst v1;
	v1 =	vmul.f32 v59, v2  }
0x291: {  	v63 =	vmul.f32 v61, v2;
	[tilespmem:s16+$0xB0] =	vst v6  }
0x292: {  	[tilespmem:s17+$0xC0] =	vst v1;
	v1 =	vmul.f32 v3, v2  }
0x293: {  	[tilespmem:s17+$0xD0] =	vst v63;
	v2 =	vmul.f32 v62, v2  }
0x294: {  	[tilespmem:s17+$0xE0] =	vst v1  }
0x295: {  	s3 =	simm.s32 $0x4E68;
	s22 =	simm.s32 $0x7;
	[tilespmem:s17+$0xF0] =	vst v2  }
0x296: {  	[spmem:s1] =	stream.indirect.scatter.add.f32 [tilespmem:s6], [sflag:$0x6], $0x80, s3, s5, $0xb8;
	[tilespmem:$0x1FF00] =	vst v63  }
0x297: {  	_ =	swait.ge [sflag:s22], $0x1400  }
0x298: {  	[sflag:s22] =	ssyncset.done $0x0  }
0x299: {  	s23 =	simm.s32 $0x8;
	[sflag:s22] =	ssyncadd.s32 $0xFFFFEC00  }
0x29a: {  	_ =	swait.ge [sflag:s23], $0x1400  }
0x29b: {  	[sflag:s23] =	ssyncset.done $0x0  }
0x29c: {  	[sflag:s23] =	ssyncadd.s32 $0xFFFFEC00  }
0x29d: {  	_ =	swait.ge [sflag:s11], $0x1400  }
0x29e: {  	[sflag:s11] =	ssyncset.done $0x0  }
0x29f: {  	[sflag:s11] =	ssyncadd.s32 $0xFFFFEC00  }
0x2a0: {  	s24 =	sadd.s32 $0x0, s2;
	_ =	swait.ge [sflag:s12], $0x1400  }
0x2a1: {  	p2 =	sgt.u32 s24, $0xF9;
	[sflag:s12] =	ssyncset.done $0x0  }
0x2a2: {  	s13 =	sshrl.u32 @!p2 s7, $0x3;
	s3 =	sshll.u32 @!p2 s2, $0x6;
	[sflag:s12] =	ssyncadd.s32 $0xFFFFEC00  }
0x2a3: {  	s19 =	simm.s32 @!p2 $0x9;
	s3 =	sor.u32 @!p2 $0x1C09, s3;
	[bflag:$0x0] =	sbarrier.arrive $0xFFFF  }
0x2a4: {  	[hbm:s25], [sflag:s3] =	dma.local @!p2 [spmem:s13], $0x280  }
0x2a5: {  	s20 =	sadd.s32 $0x10, s2;
	s18 =	smov.u32 s10;
	_ =	swait.ge @!p2 [sflag:s19], $0x280  }
0x2a6: {  	s16 =	sadd.s32 $0x2800, s25;
	s17 =	simm.s32 $0x20;
	[sflag:s19] =	ssyncset.done @!p2 $0x0  }
.LBB2_18:
0x2a7: {  	s3 =	smov.u32 s17;
	s17 =	sadd.s32 $0x10, s17  }
0x2a8: {  	[sflag:s19] =	ssyncadd.s32 @!p2 $0xFFFFFD80;
	p2 =	sgt.u32 s20, $0xF9;
	p3 =	sne.s32 s17, $0x100  }
.Ltmp8:
0x2a9: {  	s13 =	sshll.u32 @!p2 s2, $0x6;
	s14 =	sshrl.u32 @!p2 s18, $0x3;
	(pc) =	sbr.rel @p3 .LBB2_18-.Ltmp8, $4  }
0x2aa: {  	s19 =	simm.s32 @!p2 $0x9;
	s13 =	sor.u32 @!p2 $0x1C09, s13  }
0x2ab: {  	[hbm:s16], [sflag:s13] =	dma.local @!p2 [spmem:s14], $0x280  }
0x2ac: {  	s18 =	sadd.s32 $0x14000, s18;
	_ =	swait.ge @!p2 [sflag:s19], $0x280  }
0x2ad: {  	s20 =	sadd.s32 s3, s2;
	s16 =	sadd.s32 $0x2800, s16;
	[sflag:s19] =	ssyncset.done @!p2 $0x0  }
0x2ae: {  	p3 =	sgt.u32 s20, $0xF9  }
0x2af: {  	[sflag:s19] =	ssyncadd.s32 @!p2 $0xFFFFFD80;
	s3 =	sshll.u32 @!p3 s2, $0x6  }
0x2b0: {  	s13 =	sshrl.u32 @!p3 s18, $0x3;
	s14 =	simm.s32 @!p3 $0x9;
	s3 =	sor.u32 @!p3 $0x1C09, s3  }
0x2b1: {  	[hbm:s16], [sflag:s3] =	dma.local @!p3 [spmem:s13], $0x280  }
0x2b2: {  	_ =	swait.ge @!p3 [sflag:s14], $0x280  }
0x2b3: {  	s15 =	sadd.s32 $0x1, s15;
	s24 =	rddreg [dreg:$0x7]  }
0x2b4: {  	p2 =	sne.s32 s15, s24  }
.Ltmp9:
0x2b5: {  	_ = 	snop;
	(pc) =	sbr.rel @p2 .LBB2_1-.Ltmp9, $3  }
0x2b6: {  	_ =	sdelay $0x1  }
0x2b7: {  	[sflag:s14] =	ssyncset.done @!p3 $0x0  }
0x2b8: {  	[sflag:s14] =	ssyncadd.s32 @!p3 $0xFFFFFD80  }
0x2b9: {  	_ =	sfence.sel $0x180000  }
0x2ba: {  	[bflag:$0x0] =	sbarrier.arrive $0xFFFF  }
0x2bb: {  	_ =	strace $0x90000047  }
0x2bc: {  	[bflag:$0x2] =	sbarrier.arrive $0xFFFF  }
0x2bd: {  	p0 =	sne.s32 s2, $0x0;
	s0 =	rddreg [dreg:$0x3]  }
0x2be: {  	s0 =	sadd.s32 @!p0 $0x100000, s0  }
0x2bf: {  	[sflag:s0] =	ssyncadd.tile.s32 @!p0 $0x1;
	_ =	shalt  }
.Lfunc_end2:
_tile_overlayer_lowered:
.L_overlay_start_2:
0x2c0: {  	(tag) =	ssettag $0x2  }
0x2c1: {  	s0 =	rddreg [dreg:$0x0];
	s2 =	stileid.u32  }
0x2c2: {  	s1 =	rddreg [dreg:$0x1];
	p0 =	sne.s32 s2, $0x0  }
0x2c3: {  	s3 =	rddreg [dreg:$0x2];
	[bflag:$0x3] =	sbarrier.arrive $0xFFFF;
	s2 =	simm.s32 @!p0 $0x1C09  }
0x2c4: {  	[timem:s3], [sflag:s2] =	dma.local @!p0 [hbm:s0], s1  }
0x2c5: {  	s0 =	simm.s32 @!p0 $0x9  }
0x2c6: {  	_ =	swait.ge @!p0 [sflag:s0], s1  }
0x2c7: {  	s1 =	ssub.s32 @!p0 $0x0, s1;
	[sflag:s0] =	ssyncset.done @!p0 $0x0  }
0x2c8: {  	[sflag:s0] =	ssyncadd.s32 @!p0 s1  }
0x2c9: {  	[bflag:$0x3] =	sbarrier.arrive $0xFFFF  }
0x2ca: {  	_ =	shalt  }

</sc_bundles>
